<compile_context>
chip_gen: v7x
topology: tpu7x:2x2x1
jax: 0.10.2.dev20260603
libtpu: 0.0.44.dev20260713+nightly
codegen_flags: <defaults>
</compile_context>

<pallas_src>
import functools

import jax
import jax.numpy as jnp
from jax.experimental import pallas as pl
from jax.experimental.pallas import tpu as pltpu
from jax.experimental.pallas import tpu_sc as plsc

_N = 512
_HID = 128
_E = _N * _N
_TI = 16
_NI = _N // _TI
_R = _TI * _N
_GW = 256


def _dist2_sc(px, py, pz, idx_flat):
    mesh = plsc.VectorSubcoreMesh(core_axis_name="c", subcore_axis_name="s")

    @pl.kernel(
        out_type=jax.ShapeDtypeStruct((_NI, _R), jnp.float32),
        mesh=mesh,
        scratch_types=[pltpu.VMEM((_N,), jnp.float32)] * 3,
        compiler_params=pltpu.CompilerParams(needs_layout_passes=False),
    )
    def k(px_hbm, py_hbm, pz_hbm, i_hbm, o_hbm, sx, sy, sz):
        pltpu.sync_copy(px_hbm, sx)
        pltpu.sync_copy(py_hbm, sy)
        pltpu.sync_copy(pz_hbm, sz)

        def body(i0_vmem, i1_vmem, o_vmem):
            for j in range(_GW // 16):
                s = pl.ds(16 * j, 16)
                a = i0_vmem[0, s]
                b = i1_vmem[0, s]
                dx = plsc.load_gather(sx, [a]) - plsc.load_gather(sx, [b])
                dy = plsc.load_gather(sy, [a]) - plsc.load_gather(sy, [b])
                dz = plsc.load_gather(sz, [a]) - plsc.load_gather(sz, [b])
                o_vmem[0, s] = dx * dx + dy * dy + dz * dz

        blocks_per_row = _R // _GW
        pltpu.emit_pipeline(
            body,
            grid=(_E // _GW,),
            in_specs=[
                pl.BlockSpec((1, _GW), index_map=lambda i: (0, i)),
                pl.BlockSpec((1, _GW), index_map=lambda i: (0, i + _E // _GW)),
            ],
            out_specs=[
                pl.BlockSpec(
                    (1, _GW),
                    index_map=lambda i: (
                        i // blocks_per_row,
                        i % blocks_per_row,
                    ),
                )
            ],
            core_axis_name=("c", "s"),
            dimension_semantics=(pltpu.PARALLEL,),
        )(i_hbm, i_hbm, o_hbm)

    return k(px, py, pz, idx_flat)


def _mlp_t_kernel(x_ref, w0_ref, b0_ref, w1_ref, b1_ref, o_ref):
    t = jnp.maximum(
        jnp.dot(w0_ref[...], x_ref[...], preferred_element_type=jnp.float32)
        + b0_ref[...],
        0.0,
    )
    o_ref[...] = (
        jnp.dot(w1_ref[...], t, preferred_element_type=jnp.float32) + b1_ref[...]
    )


def _mlp_t_call(x, w0, b0c, w1, b1c, out_rows, out_cols):
    return pl.pallas_call(
        _mlp_t_kernel,
        out_shape=jax.ShapeDtypeStruct((out_rows, out_cols), jnp.float32),
    )(x, w0, b0c, w1, b1c)


def _edge_kernel(
    h_ref, pos_ref, d_ref, rep_ref,
    wa_ref, wb_ref, wdc_ref, b0_ref, w1_ref, b1_ref,
    wg_ref, cg_ref, pw0_ref, pb0_ref, pw1_ref, pb1_ref,
    om_ref, osp_ref,
):
    i = pl.program_id(0)
    hb = h_ref[...].astype(jnp.bfloat16)
    a = (
        jnp.dot(wa_ref[...], hb, preferred_element_type=jnp.float32)
        + b0_ref[...]
    )
    sel = (
        jax.lax.broadcasted_iota(jnp.int32, (_N, _TI), 0)
        == _TI * i + jax.lax.broadcasted_iota(jnp.int32, (_N, _TI), 1)
    ).astype(jnp.bfloat16)
    hi = jnp.dot(hb, sel, preferred_element_type=jnp.float32).astype(
        jnp.bfloat16
    )
    b = jnp.dot(
        wb_ref[...], hi, preferred_element_type=jnp.float32
    ).astype(jnp.bfloat16)
    posb = jnp.dot(
        pos_ref[...].astype(jnp.bfloat16), sel,
        preferred_element_type=jnp.float32,
    )

    dline = jnp.sqrt(d_ref[pl.ds(i, 1), :])
    a16 = jnp.concatenate([a] * _TI, axis=1)
    bfull = jnp.dot(
        b, rep_ref[...], preferred_element_type=jnp.float32
    )
    pre = a16 + bfull + wdc_ref[...] * dline
    t = jnp.maximum(pre, 0.0).astype(jnp.bfloat16)
    m1 = (
        jnp.dot(w1_ref[...], t, preferred_element_type=jnp.float32)
        + b1_ref[...]
    )
    glog = (
        jnp.dot(wg_ref[...], t, preferred_element_type=jnp.float32)
        + cg_ref[0:1, 0:1]
    )
    m = m1 * jax.nn.sigmoid(glog)
    u = jnp.maximum(
        jnp.dot(
            pw0_ref[...], m.astype(jnp.bfloat16),
            preferred_element_type=jnp.float32,
        )
        + pb0_ref[...],
        0.0,
    )
    s = (
        jnp.dot(
            pw1_ref[...], u.astype(jnp.bfloat16),
            preferred_element_type=jnp.float32,
        )
        + pb1_ref[0:1, 0:1]
    )

    m_sum = jnp.zeros((_HID, _N), jnp.float32)
    sp_sum = jnp.zeros((4, _N), jnp.float32)
    for ti in range(_TI):
        cols = slice(ti * _N, (ti + 1) * _N)
        m_sum = m_sum + m[:, cols]
        sp_sum = sp_sum + posb[:, ti : ti + 1] * s[:, cols]

    @pl.when(i == 0)
    def _():
        om_ref[...] = m_sum
        osp_ref[...] = sp_sum

    @pl.when(i > 0)
    def _():
        om_ref[...] += m_sum
        osp_ref[...] += sp_sum


def _edge_call(h, pos4, dist, rep, lw):
    full = lambda shape: pl.BlockSpec(shape, lambda i: (0, 0))
    return pl.pallas_call(
        _edge_kernel,
        grid=(_NI,),
        in_specs=[
            full((_HID, _N)),
            full((4, _N)),
            full((_NI, _R)),
            full((_TI, _R)),
            full((_HID, _HID)), full((_HID, _HID)), full((_HID, 1)),
            full((_HID, 1)), full((_HID, _HID)), full((_HID, 1)),
            full((1, _HID)), full((1, 1)),
            full((_HID, _HID)), full((_HID, 1)), full((1, _HID)), full((1, 1)),
        ],
        out_specs=[
            pl.BlockSpec((_HID, _N), lambda i: (0, 0)),
            pl.BlockSpec((4, _N), lambda i: (0, 0)),
        ],
        out_shape=[
            jax.ShapeDtypeStruct((_HID, _N), jnp.float32),
            jax.ShapeDtypeStruct((4, _N), jnp.float32),
        ],
        compiler_params=pltpu.CompilerParams(
            dimension_semantics=("arbitrary",)
        ),
    )(
        h, pos4, dist, rep,
        lw["wa"], lw["wb"], lw["wdc"], lw["b0c"], lw["w1"], lw["b1c"],
        lw["wg"], lw["cg"], lw["pw0"], lw["pb0c"], lw["pw1"], lw["pb1"],
    )


def _node_kernel(
    h_ref, om_ref, osp_ref, pos_ref,
    u1_ref, u2_ref, ub0_ref, uw1_ref, ub1_ref,
    ho_ref, po_ref,
):
    inv_n = 1.0 / _N
    h = h_ref[...]
    nm = om_ref[...] * inv_n
    t = jnp.maximum(
        jnp.dot(u1_ref[...], h, preferred_element_type=jnp.float32)
        + jnp.dot(u2_ref[...], nm, preferred_element_type=jnp.float32)
        + ub0_ref[...],
        0.0,
    )
    ho_ref[...] = (
        jnp.dot(uw1_ref[...], t, preferred_element_type=jnp.float32)
        + ub1_ref[...]
    )
    pos = pos_ref[...]
    osp = osp_ref[...]
    po_ref[...] = pos + (pos * osp[3:4, :] - osp) * inv_n


def _node_call(h, om, osp, pos4, lw):
    return pl.pallas_call(
        _node_kernel,
        out_shape=[
            jax.ShapeDtypeStruct((_HID, _N), jnp.float32),
            jax.ShapeDtypeStruct((4, _N), jnp.float32),
        ],
    )(h, om, osp, pos4, lw["u1"], lw["u2"], lw["ub0c"], lw["uw1"], lw["ub1c"])


def _pool_kernel(
    h_ref, b_ref, w0_ref, b0_ref, w1_ref, b1_ref, o_ref, *, num_graphs
):
    gi = jax.lax.broadcasted_iota(jnp.int32, (_N, num_graphs), 1)
    mask = (b_ref[...] == gi).astype(jnp.float32)
    pooled = jnp.dot(
        h_ref[...], mask, preferred_element_type=jnp.float32
    )
    t = jnp.maximum(
        jnp.dot(w0_ref[...], pooled, preferred_element_type=jnp.float32)
        + b0_ref[...],
        0.0,
    )
    o_ref[...] = (
        jnp.dot(w1_ref[...], t, preferred_element_type=jnp.float32)
        + b1_ref[...]
    )


def _pool_call(h, batchcol, w0, b0c, w1, b1c, num_graphs, out_f):
    return pl.pallas_call(
        functools.partial(_pool_kernel, num_graphs=num_graphs),
        out_shape=jax.ShapeDtypeStruct((out_f, num_graphs), jnp.float32),
    )(h, batchcol, w0, b0c, w1, b1c)


def _prep_layer(lp):
    w0 = lp["msg_w0"]
    bf = jnp.bfloat16
    return {
        "wa": w0[:, :_HID].astype(bf),
        "wb": w0[:, _HID : 2 * _HID].astype(bf),
        "wdc": w0[:, 2 * _HID : 2 * _HID + 1],
        "b0c": lp["msg_b0"][:, None],
        "w1": lp["msg_w1"].astype(bf),
        "b1c": lp["msg_b1"][:, None],
        "wg": (lp["edge_w"] @ lp["msg_w1"]).astype(bf),
        "cg": (lp["edge_w"] @ lp["msg_b1"][:, None]) + lp["edge_b"][None, :],
        "pw0": lp["pos_w0"].astype(bf),
        "pb0c": lp["pos_b0"][:, None],
        "pw1": lp["pos_w1"].astype(bf),
        "pb1": lp["pos_b1"][None, :],
        "u1": lp["upd_w0"][:, :_HID],
        "u2": lp["upd_w0"][:, _HID:],
        "ub0c": lp["upd_b0"][:, None],
        "uw1": lp["upd_w1"],
        "ub1c": lp["upd_b1"][:, None],
    }


def kernel(x, pos, edge_index, batch, params):
    x = x.astype(jnp.float32)
    pos = pos.astype(jnp.float32)
    n = x.shape[0]

    idx_flat = edge_index.astype(jnp.int32).reshape(1, 2 * _E)
    dist = _dist2_sc(pos[:, 0], pos[:, 1], pos[:, 2], idx_flat)

    e = params["emb"]
    h = _mlp_t_call(
        jnp.transpose(x),
        e["w0"], e["b0"][:, None],
        e["w1"], e["b1"][:, None],
        _HID, n,
    )

    pos4 = jnp.concatenate(
        [jnp.transpose(pos), jnp.ones((1, n), jnp.float32)], axis=0
    )

    rep = (
        jnp.arange(_TI, dtype=jnp.int32)[:, None]
        == (jnp.arange(_R, dtype=jnp.int32) // _N)
    ).astype(jnp.bfloat16)

    for lp in params["layers"]:
        lw = _prep_layer(lp)
        om, osp = _edge_call(h, pos4, dist, rep, lw)
        h, pos4 = _node_call(h, om, osp, pos4, lw)

    hd = params["head"]
    num_graphs = 16
    out_f = hd["w1"].shape[0]
    batchcol = batch.astype(jnp.int32).reshape(n, 1)
    out_t = _pool_call(
        h, batchcol,
        hd["w0"], hd["b0"][:, None],
        hd["w1"], hd["b1"][:, None],
        num_graphs, out_f,
    )
    return jnp.transpose(out_t)

# --- scband reference (transcript-rebuilt; emitter-appended) ---
"""Pipeline reference for scband-egnn-14413910245562 (READ-ONLY COPY).

The authoritative reference and input builder live on the scoring server;
editing this copy changes nothing except your own understanding.
"""

import jax, jax.numpy as jnp
import numpy as np

N = 512
NODE_F = 64
HID = 128
OUT_F = 32
NUM_LAYERS = 2
DIM = 3
NUM_GRAPHS = 16


def _mlp2(x, w0, b0, w1, b1):
    h = jnp.maximum(jnp.dot(x, w0.T) + b0, 0.0)
    return jnp.dot(h, w1.T) + b1


def _make_params(key):
    keys = jax.random.split(key, 40)
    ki = [0]
    def nrm(shape, scale=0.05):
        k = keys[ki[0]]
        ki[0] += 1
        return jax.random.normal(k, shape, dtype=jnp.float32) * scale
    params = {
        "emb": {"w0": nrm((HID, NODE_F)), "b0": jnp.zeros((HID,), jnp.float32),
                 "w1": nrm((HID, HID)), "b1": jnp.zeros((HID,), jnp.float32)},
        "layers": [],
        "head": {"w0": nrm((HID, HID)), "b0": jnp.zeros((HID,), jnp.float32),
                  "w1": nrm((OUT_F, HID)), "b1": jnp.zeros((OUT_F,), jnp.float32)},
    }
    for _ in range(NUM_LAYERS):
        params["layers"].append({
            "msg_w0": nrm((HID, 2 * HID + 1)), "msg_b0": jnp.zeros((HID,), jnp.float32),
            "msg_w1": nrm((HID, HID)), "msg_b1": jnp.zeros((HID,), jnp.float32),
            "edge_w": nrm((1, HID)), "edge_b": jnp.zeros((1,), jnp.float32),
            "pos_w0": nrm((HID, HID)), "pos_b0": jnp.zeros((HID,), jnp.float32),
            "pos_w1": nrm((1, HID), 0.001), "pos_b1": jnp.zeros((1,), jnp.float32),
            "upd_w0": nrm((HID, 2 * HID)), "upd_b0": jnp.zeros((HID,), jnp.float32),
            "upd_w1": nrm((HID, HID)), "upd_b1": jnp.zeros((HID,), jnp.float32),
        })
    return params


def setup_inputs(seed: int = 0):
    key = jax.random.key(seed)
    k1, k2, k3, k4, k5 = jax.random.split(key, 5)
    x = jax.random.normal(k1, (N, NODE_F), dtype=jnp.float32)
    pos = jax.random.normal(k2, (N, DIM), dtype=jnp.float32)
    edge_index = jax.random.randint(k3, (2, N * N), 0, N)
    batch = jnp.sort(jax.random.randint(k4, (N,), 0, NUM_GRAPHS))
    params = _make_params(k5)
    return {"x": x, "pos": pos, "edge_index": edge_index, "batch": batch, "params": params}


def _forward(x, pos, params, edge_index, batch):
    e = params["emb"]
    h = _mlp2(x, e["w0"], e["b0"], e["w1"], e["b1"])
    # dist computed from the ORIGINAL input edge_index (before dense replacement)
    diff0 = pos[edge_index[1]] - pos[edge_index[0]]
    dist = jnp.sqrt(jnp.sum(diff0 * diff0, axis=-1, keepdims=True))
    n = x.shape[0]
    # edge_index = dense_to_sparse(ones(n, n)): all (i, j) pairs in row-major order
    src = jnp.repeat(jnp.arange(n), n)  # edge_index[0]
    dst = jnp.tile(jnp.arange(n), n)    # edge_index[1]
    for lp in params["layers"]:
        x_i = h[dst]
        x_j = h[src]
        inp = jnp.concatenate([x_i, x_j, dist], axis=-1)
        m = _mlp2(inp, lp["msg_w0"], lp["msg_b0"], lp["msg_w1"], lp["msg_b1"])
        is_edge = jax.nn.sigmoid(jnp.dot(m, lp["edge_w"].T) + lp["edge_b"])
        m = m * is_edge
        pos_scale = _mlp2(m, lp["pos_w0"], lp["pos_b0"], lp["pos_w1"], lp["pos_b1"])
        pos_msg = (pos[dst] - pos[src]) * pos_scale
        msg = jnp.concatenate([m, pos_msg], axis=-1)
        agg = jax.ops.segment_sum(msg, dst, num_segments=n)
        cnt = jax.ops.segment_sum(jnp.ones((msg.shape[0], 1), jnp.float32), dst, num_segments=n)
        agg = agg / jnp.maximum(cnt, 1.0)  # aggr='mean'
        node_msg = agg[:, :-DIM]
        pos_msg_agg = agg[:, -DIM:]
        h = _mlp2(jnp.concatenate([h, node_msg], axis=-1), lp["upd_w0"], lp["upd_b0"], lp["upd_w1"], lp["upd_b1"])
        pos = pos + pos_msg_agg
        # radius is falsy -> edge_index/dist are NOT recomputed
    pooled = jax.ops.segment_sum(h, batch, num_segments=NUM_GRAPHS)  # global_add_pool
    hd = params["head"]
    return _mlp2(pooled, hd["w0"], hd["b0"], hd["w1"], hd["b1"])


def reference(x, pos, edge_index, batch, params):
    return _forward(x, pos, params, edge_index, batch)

if __name__ == "__main__":
    import jax
    _d = setup_inputs()
    print(jax.jit(kernel)(*tuple(_d.values())))

</pallas_src>

<mosaic_0001>
#map = affine_map<(d0, d1) -> (0)>
#map1 = affine_map<(d0, d1) -> (0, 0)>
module attributes {stable_mosaic.version = 14 : i64} {
  func.func @k(%arg0: i32, %arg1: i32, %arg2: memref<512xf32, #tpu.memory_space<hbm>>, %arg3: memref<512xf32, #tpu.memory_space<hbm>>, %arg4: memref<512xf32, #tpu.memory_space<hbm>>, %arg5: memref<1x524288xi32, #tpu.memory_space<hbm>>, %arg6: memref<32x8192xf32, #tpu.memory_space<hbm>>, %arg7: memref<512xf32, #tpu.memory_space<vmem>>, %arg8: memref<512xf32, #tpu.memory_space<vmem>>, %arg9: memref<512xf32, #tpu.memory_space<vmem>>) attributes {dimension_semantics = [#tpu.dimension_semantics<core_parallel>, #tpu.dimension_semantics<subcore_parallel>], iteration_bounds = array<i64: 2, 16>, scalar_prefetch = 0 : i64, scratch_operands = 3 : i64, tpu.core_type = #tpu.core_type<sc_vector_subcore>, window_params = [{transform_indices = #map}, {transform_indices = #map}, {transform_indices = #map}, {transform_indices = #map1}, {transform_indices = #map1}]} {
    "tpu.region"() ({
      %run_scoped3A = tpu.sem_alloc : memref<!tpu.dma_semaphore, #tpu.memory_space<semaphore_mem>>
      tpu.enqueue_dma source(%arg2 : memref<512xf32, #tpu.memory_space<hbm>>) target(%arg7 : memref<512xf32, #tpu.memory_space<vmem>>) target_semaphore(%run_scoped3A : memref<!tpu.dma_semaphore, #tpu.memory_space<semaphore_mem>>)
      tpu.wait_dma2 semaphore(%run_scoped3A : memref<!tpu.dma_semaphore, #tpu.memory_space<semaphore_mem>>) src(%arg2 : memref<512xf32, #tpu.memory_space<hbm>>) dst(%arg7 : memref<512xf32, #tpu.memory_space<vmem>>)
      tpu.yield
    }) : () -> ()
    "tpu.region"() ({
      %run_scoped3A = tpu.sem_alloc : memref<!tpu.dma_semaphore, #tpu.memory_space<semaphore_mem>>
      tpu.enqueue_dma source(%arg3 : memref<512xf32, #tpu.memory_space<hbm>>) target(%arg8 : memref<512xf32, #tpu.memory_space<vmem>>) target_semaphore(%run_scoped3A : memref<!tpu.dma_semaphore, #tpu.memory_space<semaphore_mem>>)
      tpu.wait_dma2 semaphore(%run_scoped3A : memref<!tpu.dma_semaphore, #tpu.memory_space<semaphore_mem>>) src(%arg3 : memref<512xf32, #tpu.memory_space<hbm>>) dst(%arg8 : memref<512xf32, #tpu.memory_space<vmem>>)
      tpu.yield
    }) : () -> ()
    "tpu.region"() ({
      %run_scoped3A = tpu.sem_alloc : memref<!tpu.dma_semaphore, #tpu.memory_space<semaphore_mem>>
      tpu.enqueue_dma source(%arg4 : memref<512xf32, #tpu.memory_space<hbm>>) target(%arg9 : memref<512xf32, #tpu.memory_space<vmem>>) target_semaphore(%run_scoped3A : memref<!tpu.dma_semaphore, #tpu.memory_space<semaphore_mem>>)
      tpu.wait_dma2 semaphore(%run_scoped3A : memref<!tpu.dma_semaphore, #tpu.memory_space<semaphore_mem>>) src(%arg4 : memref<512xf32, #tpu.memory_space<hbm>>) dst(%arg9 : memref<512xf32, #tpu.memory_space<vmem>>)
      tpu.yield
    }) : () -> ()
    %mul3A = arith.constant 1 : i32
    %mul3A_0 = arith.muli %arg1, %mul3A : i32
    %add3A = arith.constant 0 : i32
    %add3A_1 = arith.addi %add3A, %mul3A_0 : i32
    %mul3A_2 = arith.constant 16 : i32
    %mul3A_3 = arith.muli %arg0, %mul3A_2 : i32
    %add3A_4 = arith.addi %add3A_1, %mul3A_3 : i32
    %mul3A_5 = arith.constant 32 : i32
    %mul3A_6 = arith.muli %add3A_4, %mul3A_5 : i32
    "tpu.region"() ({
      %run_scoped3A = memref.alloca() : memref<2x1x256xi32, #tpu.memory_space<vmem>>
      %run_scoped3A_7 = tpu.sem_alloc : memref<2x!tpu.dma_semaphore, #tpu.memory_space<semaphore_mem>>
      %run_scoped3A_8 = memref.alloca() : memref<2x1x256xi32, #tpu.memory_space<vmem>>
      %run_scoped3A_9 = tpu.sem_alloc : memref<2x!tpu.dma_semaphore, #tpu.memory_space<semaphore_mem>>
      %run_scoped3A_10 = memref.alloca() : memref<2x1x256xf32, #tpu.memory_space<vmem>>
      %run_scoped3A_11 = tpu.sem_alloc : memref<2x!tpu.dma_semaphore, #tpu.memory_space<semaphore_mem>>
      %add3A_12 = arith.constant 0 : i32
      %add3A_13 = arith.addi %add3A_12, %mul3A_6 : i32
      %select_n3A = arith.constant true
      %select_n3A_14 = arith.constant 0 : i32
      %select_n3A_15 = arith.constant -1 : i32
      %select_n3A_16 = arith.select %select_n3A, %select_n3A_15, %select_n3A_14 : i32
      %eq3A = arith.constant -1 : i32
      %eq3A_17 = arith.cmpi eq, %select_n3A_16, %eq3A : i32
      %select_n3A_18 = arith.constant 31 : i32
      %select_n3A_19 = arith.select %eq3A_17, %select_n3A_18, %select_n3A_16 : i32
      %add3A_20 = arith.addi %select_n3A_19, %mul3A_6 : i32
      %select_n3A_21 = arith.constant true
      %select_n3A_22 = arith.constant 0 : i32
      %select_n3A_23 = arith.constant 1 : i32
      %select_n3A_24 = arith.select %select_n3A_21, %select_n3A_23, %select_n3A_22 : i32
      %eq3A_25 = arith.constant 32 : i32
      %eq3A_26 = arith.cmpi eq, %select_n3A_24, %eq3A_25 : i32
      %select_n3A_27 = arith.constant 0 : i32
      %select_n3A_28 = arith.select %eq3A_26, %select_n3A_27, %select_n3A_24 : i32
      %add3A_29 = arith.addi %select_n3A_28, %mul3A_6 : i32
      %add3A_30 = arith.constant 1 : i32
      %add3A_31 = arith.addi %select_n3A_28, %add3A_30 : i32
      %select_n3A_32 = arith.constant true
      %select_n3A_33 = arith.select %select_n3A_32, %add3A_31, %select_n3A_28 : i32
      %eq3A_34 = arith.constant 32 : i32
      %eq3A_35 = arith.cmpi eq, %select_n3A_33, %eq3A_34 : i32
      %select_n3A_36 = arith.constant 0 : i32
      %select_n3A_37 = arith.select %eq3A_35, %select_n3A_36, %select_n3A_33 : i32
      %add3A_38 = arith.addi %select_n3A_37, %mul3A_6 : i32
      "tpu.trace_start"() <{level = 10 : i32, message = "ep_initialize_0"}> : () -> ()
      %rem3A = arith.constant 0 : i32
      %rem3A_39 = arith.constant 2 : i32
      %rem3A_40 = arith.remui %rem3A, %rem3A_39 : i32
      %mul3A_41 = arith.constant 256 : i32
      %mul3A_42 = arith.muli %mul3A_41, %add3A_13 : i32
      %dma_start3A = arith.constant 0 : i32
      %dma_start3A_43 = arith.constant 0 : i32
      %dma_start3A_44 = tpu.memref_slice %run_scoped3A[%rem3A_40, %dma_start3A, %dma_start3A_43] : memref<2x1x256xi32, #tpu.memory_space<vmem>> -> memref<1x1x256xi32, #tpu.memory_space<vmem>>
      %dma_start3A_45 = tpu.memref_squeeze %dma_start3A_44 : memref<1x1x256xi32, #tpu.memory_space<vmem>> -> memref<1x256xi32, #tpu.memory_space<vmem>>
      %dma_start3A_46 = arith.constant 0 : i32
      %dma_start3A_47 = tpu.memref_slice %arg5[%dma_start3A_46, %mul3A_42] : memref<1x524288xi32, #tpu.memory_space<hbm>> -> memref<1x256xi32, #tpu.memory_space<hbm>>
      %dma_start3A_48 = tpu.memref_slice %run_scoped3A_7[%rem3A_40] : memref<2x!tpu.dma_semaphore, #tpu.memory_space<semaphore_mem>> -> memref<1x!tpu.dma_semaphore, #tpu.memory_space<semaphore_mem>>
      %dma_start3A_49 = tpu.memref_squeeze %dma_start3A_48 : memref<1x!tpu.dma_semaphore, #tpu.memory_space<semaphore_mem>> -> memref<!tpu.dma_semaphore, #tpu.memory_space<semaphore_mem>>
      %dma_start3A_50 = arith.constant 0 : i32
      %dma_start3A_51 = arith.constant 0 : i32
      %dma_start3A_52 = tpu.memref_slice %run_scoped3A[%rem3A_40, %dma_start3A_50, %dma_start3A_51] : memref<2x1x256xi32, #tpu.memory_space<vmem>> -> memref<1x1x256xi32, #tpu.memory_space<vmem>>
      %dma_start3A_53 = tpu.memref_squeeze %dma_start3A_52 : memref<1x1x256xi32, #tpu.memory_space<vmem>> -> memref<1x256xi32, #tpu.memory_space<vmem>>
      %dma_start3A_54 = arith.constant 0 : i32
      %dma_start3A_55 = tpu.memref_slice %arg5[%dma_start3A_54, %mul3A_42] : memref<1x524288xi32, #tpu.memory_space<hbm>> -> memref<1x256xi32, #tpu.memory_space<hbm>>
      tpu.enqueue_dma source(%dma_start3A_55 : memref<1x256xi32, #tpu.memory_space<hbm>>) target(%dma_start3A_53 : memref<1x256xi32, #tpu.memory_space<vmem>>) target_semaphore(%dma_start3A_49 : memref<!tpu.dma_semaphore, #tpu.memory_space<semaphore_mem>>)
      %add3A_56 = arith.constant 0 : i32
      %add3A_57 = arith.constant 1 : i32
      %add3A_58 = arith.addi %add3A_56, %add3A_57 : i32
      %select_n3A_59 = arith.constant true
      %select_n3A_60 = arith.constant 0 : i32
      %select_n3A_61 = arith.select %select_n3A_59, %add3A_58, %select_n3A_60 : i32
      %rem3A_62 = arith.constant 0 : i32
      %rem3A_63 = arith.constant 2 : i32
      %rem3A_64 = arith.remui %rem3A_62, %rem3A_63 : i32
      %add3A_65 = arith.constant 1024 : i32
      %add3A_66 = arith.addi %add3A_13, %add3A_65 : i32
      %mul3A_67 = arith.constant 256 : i32
      %mul3A_68 = arith.muli %mul3A_67, %add3A_66 : i32
      %dma_start3A_69 = arith.constant 0 : i32
      %dma_start3A_70 = arith.constant 0 : i32
      %dma_start3A_71 = tpu.memref_slice %run_scoped3A_8[%rem3A_64, %dma_start3A_69, %dma_start3A_70] : memref<2x1x256xi32, #tpu.memory_space<vmem>> -> memref<1x1x256xi32, #tpu.memory_space<vmem>>
      %dma_start3A_72 = tpu.memref_squeeze %dma_start3A_71 : memref<1x1x256xi32, #tpu.memory_space<vmem>> -> memref<1x256xi32, #tpu.memory_space<vmem>>
      %dma_start3A_73 = arith.constant 0 : i32
      %dma_start3A_74 = tpu.memref_slice %arg5[%dma_start3A_73, %mul3A_68] : memref<1x524288xi32, #tpu.memory_space<hbm>> -> memref<1x256xi32, #tpu.memory_space<hbm>>
      %dma_start3A_75 = tpu.memref_slice %run_scoped3A_9[%rem3A_64] : memref<2x!tpu.dma_semaphore, #tpu.memory_space<semaphore_mem>> -> memref<1x!tpu.dma_semaphore, #tpu.memory_space<semaphore_mem>>
      %dma_start3A_76 = tpu.memref_squeeze %dma_start3A_75 : memref<1x!tpu.dma_semaphore, #tpu.memory_space<semaphore_mem>> -> memref<!tpu.dma_semaphore, #tpu.memory_space<semaphore_mem>>
      %dma_start3A_77 = arith.constant 0 : i32
      %dma_start3A_78 = arith.constant 0 : i32
      %dma_start3A_79 = tpu.memref_slice %run_scoped3A_8[%rem3A_64, %dma_start3A_77, %dma_start3A_78] : memref<2x1x256xi32, #tpu.memory_space<vmem>> -> memref<1x1x256xi32, #tpu.memory_space<vmem>>
      %dma_start3A_80 = tpu.memref_squeeze %dma_start3A_79 : memref<1x1x256xi32, #tpu.memory_space<vmem>> -> memref<1x256xi32, #tpu.memory_space<vmem>>
      %dma_start3A_81 = arith.constant 0 : i32
      %dma_start3A_82 = tpu.memref_slice %arg5[%dma_start3A_81, %mul3A_68] : memref<1x524288xi32, #tpu.memory_space<hbm>> -> memref<1x256xi32, #tpu.memory_space<hbm>>
      tpu.enqueue_dma source(%dma_start3A_82 : memref<1x256xi32, #tpu.memory_space<hbm>>) target(%dma_start3A_80 : memref<1x256xi32, #tpu.memory_space<vmem>>) target_semaphore(%dma_start3A_76 : memref<!tpu.dma_semaphore, #tpu.memory_space<semaphore_mem>>)
      %add3A_83 = arith.constant 0 : i32
      %add3A_84 = arith.constant 1 : i32
      %add3A_85 = arith.addi %add3A_83, %add3A_84 : i32
      %select_n3A_86 = arith.constant true
      %select_n3A_87 = arith.constant 0 : i32
      %select_n3A_88 = arith.select %select_n3A_86, %add3A_85, %select_n3A_87 : i32
      "tpu.trace_stop"() : () -> ()
      %scan3A = arith.constant 0 : i32
      %scan3A_89 = arith.constant 0 : i32
      %scan3A_90 = arith.constant 0 : i32
      %scan3A_91 = arith.constant 0 : i32
      %scan3A_92 = arith.constant 0 : i32
      %scan3A_93 = arith.constant 0 : i32
      %scan3A_94 = arith.constant 32 : i32
      %scan3A_95 = arith.addi %scan3A_93, %scan3A_94 : i32
      %scan3A_96 = arith.constant 1 : i32
      %scan3A_97:7 = scf.for %scan3A_185 = %scan3A_93 to %scan3A_95 step %scan3A_96 iter_args(%scan3A_186 = %select_n3A_61, %scan3A_187 = %scan3A, %scan3A_188 = %select_n3A_88, %scan3A_189 = %scan3A_89, %scan3A_190 = %scan3A_90, %scan3A_191 = %scan3A_91, %scan3A_192 = %scan3A_92) -> (i32, i32, i32, i32, i32, i32, i32)  : i32 {
        %eq3A_193 = arith.constant 0 : i32
        %eq3A_194 = arith.cmpi eq, %scan3A_185, %eq3A_193 : i32
        %eq3A_195 = arith.constant 31 : i32
        %eq3A_196 = arith.cmpi eq, %scan3A_185, %eq3A_195 : i32
        %add3A_197 = arith.addi %scan3A_192, %mul3A_6 : i32
        %sub3A_198 = arith.constant 1 : i32
        %sub3A_199 = arith.subi %scan3A_192, %sub3A_198 : i32
        %select_n3A_200 = arith.constant true
        %select_n3A_201 = arith.select %select_n3A_200, %sub3A_199, %scan3A_192 : i32
        %eq3A_202 = arith.constant -1 : i32
        %eq3A_203 = arith.cmpi eq, %select_n3A_201, %eq3A_202 : i32
        %select_n3A_204 = arith.constant 31 : i32
        %select_n3A_205 = arith.select %eq3A_203, %select_n3A_204, %select_n3A_201 : i32
        %add3A_206 = arith.addi %select_n3A_205, %mul3A_6 : i32
        %add3A_207 = arith.constant 1 : i32
        %add3A_208 = arith.addi %scan3A_192, %add3A_207 : i32
        %select_n3A_209 = arith.constant true
        %select_n3A_210 = arith.select %select_n3A_209, %add3A_208, %scan3A_192 : i32
        %eq3A_211 = arith.constant 32 : i32
        %eq3A_212 = arith.cmpi eq, %select_n3A_210, %eq3A_211 : i32
        %select_n3A_213 = arith.constant 0 : i32
        %select_n3A_214 = arith.select %eq3A_212, %select_n3A_213, %select_n3A_210 : i32
        %add3A_215 = arith.addi %select_n3A_214, %mul3A_6 : i32
        %add3A_216 = arith.constant 1 : i32
        %add3A_217 = arith.addi %select_n3A_214, %add3A_216 : i32
        %select_n3A_218 = arith.constant true
        %select_n3A_219 = arith.select %select_n3A_218, %add3A_217, %select_n3A_214 : i32
        %eq3A_220 = arith.constant 32 : i32
        %eq3A_221 = arith.cmpi eq, %select_n3A_219, %eq3A_220 : i32
        %select_n3A_222 = arith.constant 0 : i32
        %select_n3A_223 = arith.select %eq3A_221, %select_n3A_222, %select_n3A_219 : i32
        %add3A_224 = arith.addi %select_n3A_223, %mul3A_6 : i32
        %ne3A_225 = arith.cmpi ne, %add3A_197, %add3A_215 : i32
        %or3A = arith.constant false
        %or3A_226 = arith.ori %or3A, %ne3A_225 : i1
        %ge3A = arith.constant 31 : i32
        %ge3A_227 = arith.cmpi sge, %scan3A_185, %ge3A : i32
        %not3A = arith.constant true
        %not3A_228 = arith.xori %ge3A_227, %not3A : i1
        %and3A_229 = arith.andi %or3A_226, %not3A_228 : i1
        %convert_element_type3A = arith.extui %and3A_229 : i1 to i32
        %cond3A = arith.constant 0 : i32
        %cond3A_230 = arith.cmpi ne, %convert_element_type3A, %cond3A : i32
        scf.if %cond3A_230 {
          "tpu.trace_start"() <{level = 10 : i32, message = "ep_copy_in"}> : () -> ()
          %rem3A_1328 = arith.constant 2 : i32
          %rem3A_1329 = arith.remui %scan3A_186, %rem3A_1328 : i32
          %mul3A_1330 = arith.constant 256 : i32
          %mul3A_1331 = arith.muli %mul3A_1330, %add3A_215 : i32
          %dma_start3A_1332 = arith.constant 0 : i32
          %dma_start3A_1333 = arith.constant 0 : i32
          %dma_start3A_1334 = tpu.memref_slice %run_scoped3A[%rem3A_1329, %dma_start3A_1332, %dma_start3A_1333] : memref<2x1x256xi32, #tpu.memory_space<vmem>> -> memref<1x1x256xi32, #tpu.memory_space<vmem>>
          %dma_start3A_1335 = tpu.memref_squeeze %dma_start3A_1334 : memref<1x1x256xi32, #tpu.memory_space<vmem>> -> memref<1x256xi32, #tpu.memory_space<vmem>>
          %dma_start3A_1336 = arith.constant 0 : i32
          %dma_start3A_1337 = tpu.memref_slice %arg5[%dma_start3A_1336, %mul3A_1331] : memref<1x524288xi32, #tpu.memory_space<hbm>> -> memref<1x256xi32, #tpu.memory_space<hbm>>
          %dma_start3A_1338 = tpu.memref_slice %run_scoped3A_7[%rem3A_1329] : memref<2x!tpu.dma_semaphore, #tpu.memory_space<semaphore_mem>> -> memref<1x!tpu.dma_semaphore, #tpu.memory_space<semaphore_mem>>
          %dma_start3A_1339 = tpu.memref_squeeze %dma_start3A_1338 : memref<1x!tpu.dma_semaphore, #tpu.memory_space<semaphore_mem>> -> memref<!tpu.dma_semaphore, #tpu.memory_space<semaphore_mem>>
          %dma_start3A_1340 = arith.constant 0 : i32
          %dma_start3A_1341 = arith.constant 0 : i32
          %dma_start3A_1342 = tpu.memref_slice %run_scoped3A[%rem3A_1329, %dma_start3A_1340, %dma_start3A_1341] : memref<2x1x256xi32, #tpu.memory_space<vmem>> -> memref<1x1x256xi32, #tpu.memory_space<vmem>>
          %dma_start3A_1343 = tpu.memref_squeeze %dma_start3A_1342 : memref<1x1x256xi32, #tpu.memory_space<vmem>> -> memref<1x256xi32, #tpu.memory_space<vmem>>
          %dma_start3A_1344 = arith.constant 0 : i32
          %dma_start3A_1345 = tpu.memref_slice %arg5[%dma_start3A_1344, %mul3A_1331] : memref<1x524288xi32, #tpu.memory_space<hbm>> -> memref<1x256xi32, #tpu.memory_space<hbm>>
          tpu.enqueue_dma source(%dma_start3A_1345 : memref<1x256xi32, #tpu.memory_space<hbm>>) target(%dma_start3A_1343 : memref<1x256xi32, #tpu.memory_space<vmem>>) target_semaphore(%dma_start3A_1339 : memref<!tpu.dma_semaphore, #tpu.memory_space<semaphore_mem>>)
          "tpu.trace_stop"() : () -> ()
        } else {
        }
        %and3A_231 = arith.constant true
        %and3A_232 = arith.andi %and3A_229, %and3A_231 : i1
        %add3A_233 = arith.constant 1 : i32
        %add3A_234 = arith.addi %scan3A_186, %add3A_233 : i32
        %select_n3A_235 = arith.select %and3A_232, %add3A_234, %scan3A_186 : i32
        %add3A_236 = arith.constant 1024 : i32
        %add3A_237 = arith.addi %add3A_197, %add3A_236 : i32
        %add3A_238 = arith.constant 1024 : i32
        %add3A_239 = arith.addi %add3A_215, %add3A_238 : i32
        %ne3A_240 = arith.cmpi ne, %add3A_237, %add3A_239 : i32
        %or3A_241 = arith.constant false
        %or3A_242 = arith.ori %or3A_241, %ne3A_240 : i1
        %ge3A_243 = arith.constant 31 : i32
        %ge3A_244 = arith.cmpi sge, %scan3A_185, %ge3A_243 : i32
        %not3A_245 = arith.constant true
        %not3A_246 = arith.xori %ge3A_244, %not3A_245 : i1
        %and3A_247 = arith.andi %or3A_242, %not3A_246 : i1
        %convert_element_type3A_248 = arith.extui %and3A_247 : i1 to i32
        %cond3A_249 = arith.constant 0 : i32
        %cond3A_250 = arith.cmpi ne, %convert_element_type3A_248, %cond3A_249 : i32
        scf.if %cond3A_250 {
          "tpu.trace_start"() <{level = 10 : i32, message = "ep_copy_in"}> : () -> ()
          %rem3A_1328 = arith.constant 2 : i32
          %rem3A_1329 = arith.remui %scan3A_188, %rem3A_1328 : i32
          %add3A_1330 = arith.constant 1024 : i32
          %add3A_1331 = arith.addi %add3A_215, %add3A_1330 : i32
          %mul3A_1332 = arith.constant 256 : i32
          %mul3A_1333 = arith.muli %mul3A_1332, %add3A_1331 : i32
          %dma_start3A_1334 = arith.constant 0 : i32
          %dma_start3A_1335 = arith.constant 0 : i32
          %dma_start3A_1336 = tpu.memref_slice %run_scoped3A_8[%rem3A_1329, %dma_start3A_1334, %dma_start3A_1335] : memref<2x1x256xi32, #tpu.memory_space<vmem>> -> memref<1x1x256xi32, #tpu.memory_space<vmem>>
          %dma_start3A_1337 = tpu.memref_squeeze %dma_start3A_1336 : memref<1x1x256xi32, #tpu.memory_space<vmem>> -> memref<1x256xi32, #tpu.memory_space<vmem>>
          %dma_start3A_1338 = arith.constant 0 : i32
          %dma_start3A_1339 = tpu.memref_slice %arg5[%dma_start3A_1338, %mul3A_1333] : memref<1x524288xi32, #tpu.memory_space<hbm>> -> memref<1x256xi32, #tpu.memory_space<hbm>>
          %dma_start3A_1340 = tpu.memref_slice %run_scoped3A_9[%rem3A_1329] : memref<2x!tpu.dma_semaphore, #tpu.memory_space<semaphore_mem>> -> memref<1x!tpu.dma_semaphore, #tpu.memory_space<semaphore_mem>>
          %dma_start3A_1341 = tpu.memref_squeeze %dma_start3A_1340 : memref<1x!tpu.dma_semaphore, #tpu.memory_space<semaphore_mem>> -> memref<!tpu.dma_semaphore, #tpu.memory_space<semaphore_mem>>
          %dma_start3A_1342 = arith.constant 0 : i32
          %dma_start3A_1343 = arith.constant 0 : i32
          %dma_start3A_1344 = tpu.memref_slice %run_scoped3A_8[%rem3A_1329, %dma_start3A_1342, %dma_start3A_1343] : memref<2x1x256xi32, #tpu.memory_space<vmem>> -> memref<1x1x256xi32, #tpu.memory_space<vmem>>
          %dma_start3A_1345 = tpu.memref_squeeze %dma_start3A_1344 : memref<1x1x256xi32, #tpu.memory_space<vmem>> -> memref<1x256xi32, #tpu.memory_space<vmem>>
          %dma_start3A_1346 = arith.constant 0 : i32
          %dma_start3A_1347 = tpu.memref_slice %arg5[%dma_start3A_1346, %mul3A_1333] : memref<1x524288xi32, #tpu.memory_space<hbm>> -> memref<1x256xi32, #tpu.memory_space<hbm>>
          tpu.enqueue_dma source(%dma_start3A_1347 : memref<1x256xi32, #tpu.memory_space<hbm>>) target(%dma_start3A_1345 : memref<1x256xi32, #tpu.memory_space<vmem>>) target_semaphore(%dma_start3A_1341 : memref<!tpu.dma_semaphore, #tpu.memory_space<semaphore_mem>>)
          "tpu.trace_stop"() : () -> ()
        } else {
        }
        %and3A_251 = arith.constant true
        %and3A_252 = arith.andi %and3A_247, %and3A_251 : i1
        %add3A_253 = arith.constant 1 : i32
        %add3A_254 = arith.addi %scan3A_188, %add3A_253 : i32
        %select_n3A_255 = arith.select %and3A_252, %add3A_254, %scan3A_188 : i32
        %jit3A_256 = arith.constant 32 : i32
        %div3A_257 = arith.divsi %add3A_197, %jit3A_256 : i32
        %sign3A_258 = arith.constant 0 : i32
        %sign3A_259 = arith.cmpi sgt, %add3A_197, %sign3A_258 : i32
        %sign3A_260 = arith.extui %sign3A_259 : i1 to i32
        %sign3A_261 = arith.constant 0 : i32
        %sign3A_262 = arith.cmpi slt, %add3A_197, %sign3A_261 : i32
        %sign3A_263 = arith.extui %sign3A_262 : i1 to i32
        %sign3A_264 = arith.subi %sign3A_260, %sign3A_263 : i32
        %sign3A_265 = arith.constant 0 : i32
        %sign3A_266 = arith.cmpi sgt, %jit3A_256, %sign3A_265 : i32
        %sign3A_267 = arith.extui %sign3A_266 : i1 to i32
        %sign3A_268 = arith.constant 0 : i32
        %sign3A_269 = arith.cmpi slt, %jit3A_256, %sign3A_268 : i32
        %sign3A_270 = arith.extui %sign3A_269 : i1 to i32
        %sign3A_271 = arith.subi %sign3A_267, %sign3A_270 : i32
        %ne3A_272 = arith.cmpi ne, %sign3A_264, %sign3A_271 : i32
        %rem3A_273 = arith.remsi %add3A_197, %jit3A_256 : i32
        %ne3A_274 = arith.constant 0 : i32
        %ne3A_275 = arith.cmpi ne, %rem3A_273, %ne3A_274 : i32
        %and3A_276 = arith.andi %ne3A_272, %ne3A_275 : i1
        %sub3A_277 = arith.constant 1 : i32
        %sub3A_278 = arith.subi %div3A_257, %sub3A_277 : i32
        %select_n3A_279 = arith.select %and3A_276, %sub3A_278, %div3A_257 : i32
        %jit3A_280 = arith.constant 32 : i32
        %eq3A_281 = arith.constant 0 : i32
        %eq3A_282 = arith.cmpi eq, %jit3A_280, %eq3A_281 : i32
        %jit3A_283 = arith.constant 1 : i32
        %select_n3A_284 = arith.select %eq3A_282, %jit3A_283, %jit3A_280 : i32
        %rem3A_285 = arith.remsi %add3A_197, %select_n3A_284 : i32
        %ne3A_286 = arith.constant 0 : i32
        %ne3A_287 = arith.cmpi ne, %rem3A_285, %ne3A_286 : i32
        %lt3A_288 = arith.constant 0 : i32
        %lt3A_289 = arith.cmpi slt, %rem3A_285, %lt3A_288 : i32
        %lt3A_290 = arith.constant 0 : i32
        %lt3A_291 = arith.cmpi slt, %select_n3A_284, %lt3A_290 : i32
        %ne3A_292 = arith.xori %lt3A_289, %lt3A_291 : i1
        %and3A_293 = arith.andi %ne3A_292, %ne3A_287 : i1
        %add3A_294 = arith.addi %rem3A_285, %select_n3A_284 : i32
        %select_n3A_295 = arith.select %and3A_293, %add3A_294, %rem3A_285 : i32
        %jit3A_296 = arith.constant 32 : i32
        %div3A_297 = arith.divsi %add3A_215, %jit3A_296 : i32
        %sign3A_298 = arith.constant 0 : i32
        %sign3A_299 = arith.cmpi sgt, %add3A_215, %sign3A_298 : i32
        %sign3A_300 = arith.extui %sign3A_299 : i1 to i32
        %sign3A_301 = arith.constant 0 : i32
        %sign3A_302 = arith.cmpi slt, %add3A_215, %sign3A_301 : i32
        %sign3A_303 = arith.extui %sign3A_302 : i1 to i32
        %sign3A_304 = arith.subi %sign3A_300, %sign3A_303 : i32
        %sign3A_305 = arith.constant 0 : i32
        %sign3A_306 = arith.cmpi sgt, %jit3A_296, %sign3A_305 : i32
        %sign3A_307 = arith.extui %sign3A_306 : i1 to i32
        %sign3A_308 = arith.constant 0 : i32
        %sign3A_309 = arith.cmpi slt, %jit3A_296, %sign3A_308 : i32
        %sign3A_310 = arith.extui %sign3A_309 : i1 to i32
        %sign3A_311 = arith.subi %sign3A_307, %sign3A_310 : i32
        %ne3A_312 = arith.cmpi ne, %sign3A_304, %sign3A_311 : i32
        %rem3A_313 = arith.remsi %add3A_215, %jit3A_296 : i32
        %ne3A_314 = arith.constant 0 : i32
        %ne3A_315 = arith.cmpi ne, %rem3A_313, %ne3A_314 : i32
        %and3A_316 = arith.andi %ne3A_312, %ne3A_315 : i1
        %sub3A_317 = arith.constant 1 : i32
        %sub3A_318 = arith.subi %div3A_297, %sub3A_317 : i32
        %select_n3A_319 = arith.select %and3A_316, %sub3A_318, %div3A_297 : i32
        %jit3A_320 = arith.constant 32 : i32
        %eq3A_321 = arith.constant 0 : i32
        %eq3A_322 = arith.cmpi eq, %jit3A_320, %eq3A_321 : i32
        %jit3A_323 = arith.constant 1 : i32
        %select_n3A_324 = arith.select %eq3A_322, %jit3A_323, %jit3A_320 : i32
        %rem3A_325 = arith.remsi %add3A_215, %select_n3A_324 : i32
        %ne3A_326 = arith.constant 0 : i32
        %ne3A_327 = arith.cmpi ne, %rem3A_325, %ne3A_326 : i32
        %lt3A_328 = arith.constant 0 : i32
        %lt3A_329 = arith.cmpi slt, %rem3A_325, %lt3A_328 : i32
        %lt3A_330 = arith.constant 0 : i32
        %lt3A_331 = arith.cmpi slt, %select_n3A_324, %lt3A_330 : i32
        %ne3A_332 = arith.xori %lt3A_329, %lt3A_331 : i1
        %and3A_333 = arith.andi %ne3A_332, %ne3A_327 : i1
        %add3A_334 = arith.addi %rem3A_325, %select_n3A_324 : i32
        %select_n3A_335 = arith.select %and3A_333, %add3A_334, %rem3A_325 : i32
        %ne3A_336 = arith.cmpi ne, %select_n3A_279, %select_n3A_319 : i32
        %ne3A_337 = arith.cmpi ne, %select_n3A_295, %select_n3A_335 : i32
        %or3A_338 = arith.constant false
        %or3A_339 = arith.ori %or3A_338, %ne3A_336 : i1
        %or3A_340 = arith.ori %or3A_339, %ne3A_337 : i1
        %ge3A_341 = arith.constant 31 : i32
        %ge3A_342 = arith.cmpi sge, %scan3A_185, %ge3A_341 : i32
        %not3A_343 = arith.constant true
        %not3A_344 = arith.xori %ge3A_342, %not3A_343 : i1
        %and3A_345 = arith.andi %or3A_340, %not3A_344 : i1
        %ne3A_346 = arith.cmpi ne, %add3A_197, %add3A_206 : i32
        %or3A_347 = arith.constant false
        %or3A_348 = arith.ori %or3A_347, %ne3A_346 : i1
        %or3A_349 = arith.ori %or3A_348, %eq3A_194 : i1
        %convert_element_type3A_350 = arith.extui %or3A_349 : i1 to i32
        %cond3A_351 = arith.constant 0 : i32
        %cond3A_352 = arith.cmpi ne, %convert_element_type3A_350, %cond3A_351 : i32
        scf.if %cond3A_352 {
          "tpu.trace_start"() <{level = 10 : i32, message = "ep_wait_in"}> : () -> ()
          %mul3A_1328 = arith.constant 256 : i32
          %mul3A_1329 = arith.muli %mul3A_1328, %add3A_197 : i32
          %rem3A_1330 = arith.constant 2 : i32
          %rem3A_1331 = arith.remui %scan3A_187, %rem3A_1330 : i32
          %dma_wait3A_1332 = arith.constant 0 : i32
          %dma_wait3A_1333 = arith.constant 0 : i32
          %dma_wait3A_1334 = tpu.memref_slice %run_scoped3A[%rem3A_1331, %dma_wait3A_1332, %dma_wait3A_1333] : memref<2x1x256xi32, #tpu.memory_space<vmem>> -> memref<1x1x256xi32, #tpu.memory_space<vmem>>
          %dma_wait3A_1335 = tpu.memref_squeeze %dma_wait3A_1334 : memref<1x1x256xi32, #tpu.memory_space<vmem>> -> memref<1x256xi32, #tpu.memory_space<vmem>>
          %dma_wait3A_1336 = arith.constant 0 : i32
          %dma_wait3A_1337 = tpu.memref_slice %arg5[%dma_wait3A_1336, %mul3A_1329] : memref<1x524288xi32, #tpu.memory_space<hbm>> -> memref<1x256xi32, #tpu.memory_space<hbm>>
          %dma_wait3A_1338 = tpu.memref_slice %run_scoped3A_7[%rem3A_1331] : memref<2x!tpu.dma_semaphore, #tpu.memory_space<semaphore_mem>> -> memref<1x!tpu.dma_semaphore, #tpu.memory_space<semaphore_mem>>
          %dma_wait3A_1339 = tpu.memref_squeeze %dma_wait3A_1338 : memref<1x!tpu.dma_semaphore, #tpu.memory_space<semaphore_mem>> -> memref<!tpu.dma_semaphore, #tpu.memory_space<semaphore_mem>>
          %dma_wait3A_1340 = arith.constant 0 : i32
          %dma_wait3A_1341 = arith.constant 0 : i32
          %dma_wait3A_1342 = tpu.memref_slice %run_scoped3A[%rem3A_1331, %dma_wait3A_1340, %dma_wait3A_1341] : memref<2x1x256xi32, #tpu.memory_space<vmem>> -> memref<1x1x256xi32, #tpu.memory_space<vmem>>
          %dma_wait3A_1343 = tpu.memref_squeeze %dma_wait3A_1342 : memref<1x1x256xi32, #tpu.memory_space<vmem>> -> memref<1x256xi32, #tpu.memory_space<vmem>>
          %dma_wait3A_1344 = arith.constant 0 : i32
          %dma_wait3A_1345 = tpu.memref_slice %arg5[%dma_wait3A_1344, %mul3A_1329] : memref<1x524288xi32, #tpu.memory_space<hbm>> -> memref<1x256xi32, #tpu.memory_space<hbm>>
          tpu.wait_dma2 semaphore(%dma_wait3A_1339 : memref<!tpu.dma_semaphore, #tpu.memory_space<semaphore_mem>>) src(%dma_wait3A_1345 : memref<1x256xi32, #tpu.memory_space<hbm>>) dst(%dma_wait3A_1343 : memref<1x256xi32, #tpu.memory_space<vmem>>)
          "tpu.trace_stop"() : () -> ()
        } else {
        }
        %add3A_353 = arith.constant 1024 : i32
        %add3A_354 = arith.addi %add3A_197, %add3A_353 : i32
        %add3A_355 = arith.constant 1024 : i32
        %add3A_356 = arith.addi %add3A_206, %add3A_355 : i32
        %ne3A_357 = arith.cmpi ne, %add3A_354, %add3A_356 : i32
        %or3A_358 = arith.constant false
        %or3A_359 = arith.ori %or3A_358, %ne3A_357 : i1
        %or3A_360 = arith.ori %or3A_359, %eq3A_194 : i1
        %convert_element_type3A_361 = arith.extui %or3A_360 : i1 to i32
        %cond3A_362 = arith.constant 0 : i32
        %cond3A_363 = arith.cmpi ne, %convert_element_type3A_361, %cond3A_362 : i32
        scf.if %cond3A_363 {
          "tpu.trace_start"() <{level = 10 : i32, message = "ep_wait_in"}> : () -> ()
          %add3A_1328 = arith.constant 1024 : i32
          %add3A_1329 = arith.addi %add3A_197, %add3A_1328 : i32
          %mul3A_1330 = arith.constant 256 : i32
          %mul3A_1331 = arith.muli %mul3A_1330, %add3A_1329 : i32
          %rem3A_1332 = arith.constant 2 : i32
          %rem3A_1333 = arith.remui %scan3A_189, %rem3A_1332 : i32
          %dma_wait3A_1334 = arith.constant 0 : i32
          %dma_wait3A_1335 = arith.constant 0 : i32
          %dma_wait3A_1336 = tpu.memref_slice %run_scoped3A_8[%rem3A_1333, %dma_wait3A_1334, %dma_wait3A_1335] : memref<2x1x256xi32, #tpu.memory_space<vmem>> -> memref<1x1x256xi32, #tpu.memory_space<vmem>>
          %dma_wait3A_1337 = tpu.memref_squeeze %dma_wait3A_1336 : memref<1x1x256xi32, #tpu.memory_space<vmem>> -> memref<1x256xi32, #tpu.memory_space<vmem>>
          %dma_wait3A_1338 = arith.constant 0 : i32
          %dma_wait3A_1339 = tpu.memref_slice %arg5[%dma_wait3A_1338, %mul3A_1331] : memref<1x524288xi32, #tpu.memory_space<hbm>> -> memref<1x256xi32, #tpu.memory_space<hbm>>
          %dma_wait3A_1340 = tpu.memref_slice %run_scoped3A_9[%rem3A_1333] : memref<2x!tpu.dma_semaphore, #tpu.memory_space<semaphore_mem>> -> memref<1x!tpu.dma_semaphore, #tpu.memory_space<semaphore_mem>>
          %dma_wait3A_1341 = tpu.memref_squeeze %dma_wait3A_1340 : memref<1x!tpu.dma_semaphore, #tpu.memory_space<semaphore_mem>> -> memref<!tpu.dma_semaphore, #tpu.memory_space<semaphore_mem>>
          %dma_wait3A_1342 = arith.constant 0 : i32
          %dma_wait3A_1343 = arith.constant 0 : i32
          %dma_wait3A_1344 = tpu.memref_slice %run_scoped3A_8[%rem3A_1333, %dma_wait3A_1342, %dma_wait3A_1343] : memref<2x1x256xi32, #tpu.memory_space<vmem>> -> memref<1x1x256xi32, #tpu.memory_space<vmem>>
          %dma_wait3A_1345 = tpu.memref_squeeze %dma_wait3A_1344 : memref<1x1x256xi32, #tpu.memory_space<vmem>> -> memref<1x256xi32, #tpu.memory_space<vmem>>
          %dma_wait3A_1346 = arith.constant 0 : i32
          %dma_wait3A_1347 = tpu.memref_slice %arg5[%dma_wait3A_1346, %mul3A_1331] : memref<1x524288xi32, #tpu.memory_space<hbm>> -> memref<1x256xi32, #tpu.memory_space<hbm>>
          tpu.wait_dma2 semaphore(%dma_wait3A_1341 : memref<!tpu.dma_semaphore, #tpu.memory_space<semaphore_mem>>) src(%dma_wait3A_1347 : memref<1x256xi32, #tpu.memory_space<hbm>>) dst(%dma_wait3A_1345 : memref<1x256xi32, #tpu.memory_space<vmem>>)
          "tpu.trace_stop"() : () -> ()
        } else {
        }
        %jit3A_364 = arith.constant 32 : i32
        %div3A_365 = arith.divsi %add3A_197, %jit3A_364 : i32
        %sign3A_366 = arith.constant 0 : i32
        %sign3A_367 = arith.cmpi sgt, %add3A_197, %sign3A_366 : i32
        %sign3A_368 = arith.extui %sign3A_367 : i1 to i32
        %sign3A_369 = arith.constant 0 : i32
        %sign3A_370 = arith.cmpi slt, %add3A_197, %sign3A_369 : i32
        %sign3A_371 = arith.extui %sign3A_370 : i1 to i32
        %sign3A_372 = arith.subi %sign3A_368, %sign3A_371 : i32
        %sign3A_373 = arith.constant 0 : i32
        %sign3A_374 = arith.cmpi sgt, %jit3A_364, %sign3A_373 : i32
        %sign3A_375 = arith.extui %sign3A_374 : i1 to i32
        %sign3A_376 = arith.constant 0 : i32
        %sign3A_377 = arith.cmpi slt, %jit3A_364, %sign3A_376 : i32
        %sign3A_378 = arith.extui %sign3A_377 : i1 to i32
        %sign3A_379 = arith.subi %sign3A_375, %sign3A_378 : i32
        %ne3A_380 = arith.cmpi ne, %sign3A_372, %sign3A_379 : i32
        %rem3A_381 = arith.remsi %add3A_197, %jit3A_364 : i32
        %ne3A_382 = arith.constant 0 : i32
        %ne3A_383 = arith.cmpi ne, %rem3A_381, %ne3A_382 : i32
        %and3A_384 = arith.andi %ne3A_380, %ne3A_383 : i1
        %sub3A_385 = arith.constant 1 : i32
        %sub3A_386 = arith.subi %div3A_365, %sub3A_385 : i32
        %select_n3A_387 = arith.select %and3A_384, %sub3A_386, %div3A_365 : i32
        %jit3A_388 = arith.constant 32 : i32
        %eq3A_389 = arith.constant 0 : i32
        %eq3A_390 = arith.cmpi eq, %jit3A_388, %eq3A_389 : i32
        %jit3A_391 = arith.constant 1 : i32
        %select_n3A_392 = arith.select %eq3A_390, %jit3A_391, %jit3A_388 : i32
        %rem3A_393 = arith.remsi %add3A_197, %select_n3A_392 : i32
        %ne3A_394 = arith.constant 0 : i32
        %ne3A_395 = arith.cmpi ne, %rem3A_393, %ne3A_394 : i32
        %lt3A_396 = arith.constant 0 : i32
        %lt3A_397 = arith.cmpi slt, %rem3A_393, %lt3A_396 : i32
        %lt3A_398 = arith.constant 0 : i32
        %lt3A_399 = arith.cmpi slt, %select_n3A_392, %lt3A_398 : i32
        %ne3A_400 = arith.xori %lt3A_397, %lt3A_399 : i1
        %and3A_401 = arith.andi %ne3A_400, %ne3A_395 : i1
        %add3A_402 = arith.addi %rem3A_393, %select_n3A_392 : i32
        %select_n3A_403 = arith.select %and3A_401, %add3A_402, %rem3A_393 : i32
        %jit3A_404 = arith.constant 32 : i32
        %div3A_405 = arith.divsi %add3A_206, %jit3A_404 : i32
        %sign3A_406 = arith.constant 0 : i32
        %sign3A_407 = arith.cmpi sgt, %add3A_206, %sign3A_406 : i32
        %sign3A_408 = arith.extui %sign3A_407 : i1 to i32
        %sign3A_409 = arith.constant 0 : i32
        %sign3A_410 = arith.cmpi slt, %add3A_206, %sign3A_409 : i32
        %sign3A_411 = arith.extui %sign3A_410 : i1 to i32
        %sign3A_412 = arith.subi %sign3A_408, %sign3A_411 : i32
        %sign3A_413 = arith.constant 0 : i32
        %sign3A_414 = arith.cmpi sgt, %jit3A_404, %sign3A_413 : i32
        %sign3A_415 = arith.extui %sign3A_414 : i1 to i32
        %sign3A_416 = arith.constant 0 : i32
        %sign3A_417 = arith.cmpi slt, %jit3A_404, %sign3A_416 : i32
        %sign3A_418 = arith.extui %sign3A_417 : i1 to i32
        %sign3A_419 = arith.subi %sign3A_415, %sign3A_418 : i32
        %ne3A_420 = arith.cmpi ne, %sign3A_412, %sign3A_419 : i32
        %rem3A_421 = arith.remsi %add3A_206, %jit3A_404 : i32
        %ne3A_422 = arith.constant 0 : i32
        %ne3A_423 = arith.cmpi ne, %rem3A_421, %ne3A_422 : i32
        %and3A_424 = arith.andi %ne3A_420, %ne3A_423 : i1
        %sub3A_425 = arith.constant 1 : i32
        %sub3A_426 = arith.subi %div3A_405, %sub3A_425 : i32
        %select_n3A_427 = arith.select %and3A_424, %sub3A_426, %div3A_405 : i32
        %jit3A_428 = arith.constant 32 : i32
        %eq3A_429 = arith.constant 0 : i32
        %eq3A_430 = arith.cmpi eq, %jit3A_428, %eq3A_429 : i32
        %jit3A_431 = arith.constant 1 : i32
        %select_n3A_432 = arith.select %eq3A_430, %jit3A_431, %jit3A_428 : i32
        %rem3A_433 = arith.remsi %add3A_206, %select_n3A_432 : i32
        %ne3A_434 = arith.constant 0 : i32
        %ne3A_435 = arith.cmpi ne, %rem3A_433, %ne3A_434 : i32
        %lt3A_436 = arith.constant 0 : i32
        %lt3A_437 = arith.cmpi slt, %rem3A_433, %lt3A_436 : i32
        %lt3A_438 = arith.constant 0 : i32
        %lt3A_439 = arith.cmpi slt, %select_n3A_432, %lt3A_438 : i32
        %ne3A_440 = arith.xori %lt3A_437, %lt3A_439 : i1
        %and3A_441 = arith.andi %ne3A_440, %ne3A_435 : i1
        %add3A_442 = arith.addi %rem3A_433, %select_n3A_432 : i32
        %select_n3A_443 = arith.select %and3A_441, %add3A_442, %rem3A_433 : i32
        %ne3A_444 = arith.cmpi ne, %select_n3A_387, %select_n3A_427 : i32
        %ne3A_445 = arith.cmpi ne, %select_n3A_403, %select_n3A_443 : i32
        %or3A_446 = arith.constant false
        %or3A_447 = arith.ori %or3A_446, %ne3A_444 : i1
        %or3A_448 = arith.ori %or3A_447, %ne3A_445 : i1
        %or3A_449 = arith.ori %or3A_448, %eq3A_194 : i1
        %convert_element_type3A_450 = arith.extui %or3A_449 : i1 to i32
        %cond3A_451 = arith.constant 0 : i32
        %cond3A_452 = arith.cmpi ne, %convert_element_type3A_450, %cond3A_451 : i32
        scf.if %cond3A_452 {
        } else {
        }
        %rem3A_453 = arith.constant 2 : i32
        %rem3A_454 = arith.remui %scan3A_187, %rem3A_453 : i32
        %rem3A_455 = arith.constant 2 : i32
        %rem3A_456 = arith.remui %scan3A_189, %rem3A_455 : i32
        %rem3A_457 = arith.constant 2 : i32
        %rem3A_458 = arith.remui %scan3A_190, %rem3A_457 : i32
        %get3A = arith.constant 0 : i32
        "tpu.trace_start"() <{level = 10 : i32, message = "ep_run_kernel"}> : () -> ()
        %get3A_459 = arith.constant 0 : i32
        %get3A_460 = arith.constant 0 : i32
        %get3A_461 = tpu.memref_slice %run_scoped3A[%rem3A_454, %get3A_459, %get3A_460] : memref<2x1x256xi32, #tpu.memory_space<vmem>> -> memref<1x1x256xi32, #tpu.memory_space<vmem>>
        %get3A_462 = tpu.memref_squeeze %get3A_461 : memref<1x1x256xi32, #tpu.memory_space<vmem>> -> memref<1x256xi32, #tpu.memory_space<vmem>>
        %get3A_463 = arith.index_cast %get3A : i32 to index
        %get3A_464 = arith.constant 0 : index
        %get3A_465 = tpu.vector_load %get3A_462[%get3A_463, %get3A_464] {strides = array<i32>} : memref<1x256xi32, #tpu.memory_space<vmem>>, vector<16xi32>,
        %get3A_466 = arith.constant 0 : i32
        %get3A_467 = arith.constant 0 : i32
        %get3A_468 = arith.constant 0 : i32
        %get3A_469 = tpu.memref_slice %run_scoped3A_8[%rem3A_456, %get3A_467, %get3A_468] : memref<2x1x256xi32, #tpu.memory_space<vmem>> -> memref<1x1x256xi32, #tpu.memory_space<vmem>>
        %get3A_470 = tpu.memref_squeeze %get3A_469 : memref<1x1x256xi32, #tpu.memory_space<vmem>> -> memref<1x256xi32, #tpu.memory_space<vmem>>
        %get3A_471 = arith.index_cast %get3A_466 : i32 to index
        %get3A_472 = arith.constant 0 : index
        %get3A_473 = tpu.vector_load %get3A_470[%get3A_471, %get3A_472] {strides = array<i32>} : memref<1x256xi32, #tpu.memory_space<vmem>>, vector<16xi32>,
        %gather3A = tpu.vector_load_idx %arg7[%get3A_465] : memref<512xf32, #tpu.memory_space<vmem>>[vector<16xi32>], vector<16xf32>,
        %gather3A_474 = tpu.vector_load_idx %arg7[%get3A_473] : memref<512xf32, #tpu.memory_space<vmem>>[vector<16xi32>], vector<16xf32>,
        %sub3A_475 = arith.subf %gather3A, %gather3A_474 : vector<16xf32>
        %gather3A_476 = tpu.vector_load_idx %arg8[%get3A_465] : memref<512xf32, #tpu.memory_space<vmem>>[vector<16xi32>], vector<16xf32>,
        %gather3A_477 = tpu.vector_load_idx %arg8[%get3A_473] : memref<512xf32, #tpu.memory_space<vmem>>[vector<16xi32>], vector<16xf32>,
        %sub3A_478 = arith.subf %gather3A_476, %gather3A_477 : vector<16xf32>
        %gather3A_479 = tpu.vector_load_idx %arg9[%get3A_465] : memref<512xf32, #tpu.memory_space<vmem>>[vector<16xi32>], vector<16xf32>,
        %gather3A_480 = tpu.vector_load_idx %arg9[%get3A_473] : memref<512xf32, #tpu.memory_space<vmem>>[vector<16xi32>], vector<16xf32>,
        %sub3A_481 = arith.subf %gather3A_479, %gather3A_480 : vector<16xf32>
        %mul3A_482 = arith.mulf %sub3A_475, %sub3A_475 : vector<16xf32>
        %mul3A_483 = arith.mulf %sub3A_478, %sub3A_478 : vector<16xf32>
        %add3A_484 = arith.addf %mul3A_482, %mul3A_483 : vector<16xf32>
        %mul3A_485 = arith.mulf %sub3A_481, %sub3A_481 : vector<16xf32>
        %add3A_486 = arith.addf %add3A_484, %mul3A_485 : vector<16xf32>
        %swap3A = arith.constant 0 : i32
        %swap3A_487 = arith.constant 0 : i32
        %swap3A_488 = arith.constant 0 : i32
        %swap3A_489 = tpu.memref_slice %run_scoped3A_10[%rem3A_458, %swap3A_487, %swap3A_488] : memref<2x1x256xf32, #tpu.memory_space<vmem>> -> memref<1x1x256xf32, #tpu.memory_space<vmem>>
        %swap3A_490 = tpu.memref_squeeze %swap3A_489 : memref<1x1x256xf32, #tpu.memory_space<vmem>> -> memref<1x256xf32, #tpu.memory_space<vmem>>
        %swap3A_491 = arith.index_cast %swap3A : i32 to index
        %swap3A_492 = arith.constant 0 : index
        %swap3A_493 = tpu.vector_load %swap3A_490[%swap3A_491, %swap3A_492] {strides = array<i32>} : memref<1x256xf32, #tpu.memory_space<vmem>>, vector<16xf32>,
        tpu.vector_store %swap3A_490[%swap3A_491, %swap3A_492], %add3A_486 {strides = array<i32>} : memref<1x256xf32, #tpu.memory_space<vmem>>, vector<16xf32>,
        %get3A_494 = arith.constant 0 : i32
        %get3A_495 = arith.constant 0 : i32
        %get3A_496 = arith.constant 0 : i32
        %get3A_497 = tpu.memref_slice %run_scoped3A[%rem3A_454, %get3A_495, %get3A_496] : memref<2x1x256xi32, #tpu.memory_space<vmem>> -> memref<1x1x256xi32, #tpu.memory_space<vmem>>
        %get3A_498 = tpu.memref_squeeze %get3A_497 : memref<1x1x256xi32, #tpu.memory_space<vmem>> -> memref<1x256xi32, #tpu.memory_space<vmem>>
        %get3A_499 = arith.index_cast %get3A_494 : i32 to index
        %get3A_500 = arith.constant 16 : index
        %get3A_501 = tpu.vector_load %get3A_498[%get3A_499, %get3A_500] {strides = array<i32>} : memref<1x256xi32, #tpu.memory_space<vmem>>, vector<16xi32>,
        %get3A_502 = arith.constant 0 : i32
        %get3A_503 = arith.constant 0 : i32
        %get3A_504 = arith.constant 0 : i32
        %get3A_505 = tpu.memref_slice %run_scoped3A_8[%rem3A_456, %get3A_503, %get3A_504] : memref<2x1x256xi32, #tpu.memory_space<vmem>> -> memref<1x1x256xi32, #tpu.memory_space<vmem>>
        %get3A_506 = tpu.memref_squeeze %get3A_505 : memref<1x1x256xi32, #tpu.memory_space<vmem>> -> memref<1x256xi32, #tpu.memory_space<vmem>>
        %get3A_507 = arith.index_cast %get3A_502 : i32 to index
        %get3A_508 = arith.constant 16 : index
        %get3A_509 = tpu.vector_load %get3A_506[%get3A_507, %get3A_508] {strides = array<i32>} : memref<1x256xi32, #tpu.memory_space<vmem>>, vector<16xi32>,
        %gather3A_510 = tpu.vector_load_idx %arg7[%get3A_501] : memref<512xf32, #tpu.memory_space<vmem>>[vector<16xi32>], vector<16xf32>,
        %gather3A_511 = tpu.vector_load_idx %arg7[%get3A_509] : memref<512xf32, #tpu.memory_space<vmem>>[vector<16xi32>], vector<16xf32>,
        %sub3A_512 = arith.subf %gather3A_510, %gather3A_511 : vector<16xf32>
        %gather3A_513 = tpu.vector_load_idx %arg8[%get3A_501] : memref<512xf32, #tpu.memory_space<vmem>>[vector<16xi32>], vector<16xf32>,
        %gather3A_514 = tpu.vector_load_idx %arg8[%get3A_509] : memref<512xf32, #tpu.memory_space<vmem>>[vector<16xi32>], vector<16xf32>,
        %sub3A_515 = arith.subf %gather3A_513, %gather3A_514 : vector<16xf32>
        %gather3A_516 = tpu.vector_load_idx %arg9[%get3A_501] : memref<512xf32, #tpu.memory_space<vmem>>[vector<16xi32>], vector<16xf32>,
        %gather3A_517 = tpu.vector_load_idx %arg9[%get3A_509] : memref<512xf32, #tpu.memory_space<vmem>>[vector<16xi32>], vector<16xf32>,
        %sub3A_518 = arith.subf %gather3A_516, %gather3A_517 : vector<16xf32>
        %mul3A_519 = arith.mulf %sub3A_512, %sub3A_512 : vector<16xf32>
        %mul3A_520 = arith.mulf %sub3A_515, %sub3A_515 : vector<16xf32>
        %add3A_521 = arith.addf %mul3A_519, %mul3A_520 : vector<16xf32>
        %mul3A_522 = arith.mulf %sub3A_518, %sub3A_518 : vector<16xf32>
        %add3A_523 = arith.addf %add3A_521, %mul3A_522 : vector<16xf32>
        %swap3A_524 = arith.constant 0 : i32
        %swap3A_525 = arith.constant 0 : i32
        %swap3A_526 = arith.constant 0 : i32
        %swap3A_527 = tpu.memref_slice %run_scoped3A_10[%rem3A_458, %swap3A_525, %swap3A_526] : memref<2x1x256xf32, #tpu.memory_space<vmem>> -> memref<1x1x256xf32, #tpu.memory_space<vmem>>
        %swap3A_528 = tpu.memref_squeeze %swap3A_527 : memref<1x1x256xf32, #tpu.memory_space<vmem>> -> memref<1x256xf32, #tpu.memory_space<vmem>>
        %swap3A_529 = arith.index_cast %swap3A_524 : i32 to index
        %swap3A_530 = arith.constant 16 : index
        %swap3A_531 = tpu.vector_load %swap3A_528[%swap3A_529, %swap3A_530] {strides = array<i32>} : memref<1x256xf32, #tpu.memory_space<vmem>>, vector<16xf32>,
        tpu.vector_store %swap3A_528[%swap3A_529, %swap3A_530], %add3A_523 {strides = array<i32>} : memref<1x256xf32, #tpu.memory_space<vmem>>, vector<16xf32>,
        %get3A_532 = arith.constant 0 : i32
        %get3A_533 = arith.constant 0 : i32
        %get3A_534 = arith.constant 0 : i32
        %get3A_535 = tpu.memref_slice %run_scoped3A[%rem3A_454, %get3A_533, %get3A_534] : memref<2x1x256xi32, #tpu.memory_space<vmem>> -> memref<1x1x256xi32, #tpu.memory_space<vmem>>
        %get3A_536 = tpu.memref_squeeze %get3A_535 : memref<1x1x256xi32, #tpu.memory_space<vmem>> -> memref<1x256xi32, #tpu.memory_space<vmem>>
        %get3A_537 = arith.index_cast %get3A_532 : i32 to index
        %get3A_538 = arith.constant 32 : index
        %get3A_539 = tpu.vector_load %get3A_536[%get3A_537, %get3A_538] {strides = array<i32>} : memref<1x256xi32, #tpu.memory_space<vmem>>, vector<16xi32>,
        %get3A_540 = arith.constant 0 : i32
        %get3A_541 = arith.constant 0 : i32
        %get3A_542 = arith.constant 0 : i32
        %get3A_543 = tpu.memref_slice %run_scoped3A_8[%rem3A_456, %get3A_541, %get3A_542] : memref<2x1x256xi32, #tpu.memory_space<vmem>> -> memref<1x1x256xi32, #tpu.memory_space<vmem>>
        %get3A_544 = tpu.memref_squeeze %get3A_543 : memref<1x1x256xi32, #tpu.memory_space<vmem>> -> memref<1x256xi32, #tpu.memory_space<vmem>>
        %get3A_545 = arith.index_cast %get3A_540 : i32 to index
        %get3A_546 = arith.constant 32 : index
        %get3A_547 = tpu.vector_load %get3A_544[%get3A_545, %get3A_546] {strides = array<i32>} : memref<1x256xi32, #tpu.memory_space<vmem>>, vector<16xi32>,
        %gather3A_548 = tpu.vector_load_idx %arg7[%get3A_539] : memref<512xf32, #tpu.memory_space<vmem>>[vector<16xi32>], vector<16xf32>,
        %gather3A_549 = tpu.vector_load_idx %arg7[%get3A_547] : memref<512xf32, #tpu.memory_space<vmem>>[vector<16xi32>], vector<16xf32>,
        %sub3A_550 = arith.subf %gather3A_548, %gather3A_549 : vector<16xf32>
        %gather3A_551 = tpu.vector_load_idx %arg8[%get3A_539] : memref<512xf32, #tpu.memory_space<vmem>>[vector<16xi32>], vector<16xf32>,
        %gather3A_552 = tpu.vector_load_idx %arg8[%get3A_547] : memref<512xf32, #tpu.memory_space<vmem>>[vector<16xi32>], vector<16xf32>,
        %sub3A_553 = arith.subf %gather3A_551, %gather3A_552 : vector<16xf32>
        %gather3A_554 = tpu.vector_load_idx %arg9[%get3A_539] : memref<512xf32, #tpu.memory_space<vmem>>[vector<16xi32>], vector<16xf32>,
        %gather3A_555 = tpu.vector_load_idx %arg9[%get3A_547] : memref<512xf32, #tpu.memory_space<vmem>>[vector<16xi32>], vector<16xf32>,
        %sub3A_556 = arith.subf %gather3A_554, %gather3A_555 : vector<16xf32>
        %mul3A_557 = arith.mulf %sub3A_550, %sub3A_550 : vector<16xf32>
        %mul3A_558 = arith.mulf %sub3A_553, %sub3A_553 : vector<16xf32>
        %add3A_559 = arith.addf %mul3A_557, %mul3A_558 : vector<16xf32>
        %mul3A_560 = arith.mulf %sub3A_556, %sub3A_556 : vector<16xf32>
        %add3A_561 = arith.addf %add3A_559, %mul3A_560 : vector<16xf32>
        %swap3A_562 = arith.constant 0 : i32
        %swap3A_563 = arith.constant 0 : i32
        %swap3A_564 = arith.constant 0 : i32
        %swap3A_565 = tpu.memref_slice %run_scoped3A_10[%rem3A_458, %swap3A_563, %swap3A_564] : memref<2x1x256xf32, #tpu.memory_space<vmem>> -> memref<1x1x256xf32, #tpu.memory_space<vmem>>
        %swap3A_566 = tpu.memref_squeeze %swap3A_565 : memref<1x1x256xf32, #tpu.memory_space<vmem>> -> memref<1x256xf32, #tpu.memory_space<vmem>>
        %swap3A_567 = arith.index_cast %swap3A_562 : i32 to index
        %swap3A_568 = arith.constant 32 : index
        %swap3A_569 = tpu.vector_load %swap3A_566[%swap3A_567, %swap3A_568] {strides = array<i32>} : memref<1x256xf32, #tpu.memory_space<vmem>>, vector<16xf32>,
        tpu.vector_store %swap3A_566[%swap3A_567, %swap3A_568], %add3A_561 {strides = array<i32>} : memref<1x256xf32, #tpu.memory_space<vmem>>, vector<16xf32>,
        %get3A_570 = arith.constant 0 : i32
        %get3A_571 = arith.constant 0 : i32
        %get3A_572 = arith.constant 0 : i32
        %get3A_573 = tpu.memref_slice %run_scoped3A[%rem3A_454, %get3A_571, %get3A_572] : memref<2x1x256xi32, #tpu.memory_space<vmem>> -> memref<1x1x256xi32, #tpu.memory_space<vmem>>
        %get3A_574 = tpu.memref_squeeze %get3A_573 : memref<1x1x256xi32, #tpu.memory_space<vmem>> -> memref<1x256xi32, #tpu.memory_space<vmem>>
        %get3A_575 = arith.index_cast %get3A_570 : i32 to index
        %get3A_576 = arith.constant 48 : index
        %get3A_577 = tpu.vector_load %get3A_574[%get3A_575, %get3A_576] {strides = array<i32>} : memref<1x256xi32, #tpu.memory_space<vmem>>, vector<16xi32>,
        %get3A_578 = arith.constant 0 : i32
        %get3A_579 = arith.constant 0 : i32
        %get3A_580 = arith.constant 0 : i32
        %get3A_581 = tpu.memref_slice %run_scoped3A_8[%rem3A_456, %get3A_579, %get3A_580] : memref<2x1x256xi32, #tpu.memory_space<vmem>> -> memref<1x1x256xi32, #tpu.memory_space<vmem>>
        %get3A_582 = tpu.memref_squeeze %get3A_581 : memref<1x1x256xi32, #tpu.memory_space<vmem>> -> memref<1x256xi32, #tpu.memory_space<vmem>>
        %get3A_583 = arith.index_cast %get3A_578 : i32 to index
        %get3A_584 = arith.constant 48 : index
        %get3A_585 = tpu.vector_load %get3A_582[%get3A_583, %get3A_584] {strides = array<i32>} : memref<1x256xi32, #tpu.memory_space<vmem>>, vector<16xi32>,
        %gather3A_586 = tpu.vector_load_idx %arg7[%get3A_577] : memref<512xf32, #tpu.memory_space<vmem>>[vector<16xi32>], vector<16xf32>,
        %gather3A_587 = tpu.vector_load_idx %arg7[%get3A_585] : memref<512xf32, #tpu.memory_space<vmem>>[vector<16xi32>], vector<16xf32>,
        %sub3A_588 = arith.subf %gather3A_586, %gather3A_587 : vector<16xf32>
        %gather3A_589 = tpu.vector_load_idx %arg8[%get3A_577] : memref<512xf32, #tpu.memory_space<vmem>>[vector<16xi32>], vector<16xf32>,
        %gather3A_590 = tpu.vector_load_idx %arg8[%get3A_585] : memref<512xf32, #tpu.memory_space<vmem>>[vector<16xi32>], vector<16xf32>,
        %sub3A_591 = arith.subf %gather3A_589, %gather3A_590 : vector<16xf32>
        %gather3A_592 = tpu.vector_load_idx %arg9[%get3A_577] : memref<512xf32, #tpu.memory_space<vmem>>[vector<16xi32>], vector<16xf32>,
        %gather3A_593 = tpu.vector_load_idx %arg9[%get3A_585] : memref<512xf32, #tpu.memory_space<vmem>>[vector<16xi32>], vector<16xf32>,
        %sub3A_594 = arith.subf %gather3A_592, %gather3A_593 : vector<16xf32>
        %mul3A_595 = arith.mulf %sub3A_588, %sub3A_588 : vector<16xf32>
        %mul3A_596 = arith.mulf %sub3A_591, %sub3A_591 : vector<16xf32>
        %add3A_597 = arith.addf %mul3A_595, %mul3A_596 : vector<16xf32>
        %mul3A_598 = arith.mulf %sub3A_594, %sub3A_594 : vector<16xf32>
        %add3A_599 = arith.addf %add3A_597, %mul3A_598 : vector<16xf32>
        %swap3A_600 = arith.constant 0 : i32
        %swap3A_601 = arith.constant 0 : i32
        %swap3A_602 = arith.constant 0 : i32
        %swap3A_603 = tpu.memref_slice %run_scoped3A_10[%rem3A_458, %swap3A_601, %swap3A_602] : memref<2x1x256xf32, #tpu.memory_space<vmem>> -> memref<1x1x256xf32, #tpu.memory_space<vmem>>
        %swap3A_604 = tpu.memref_squeeze %swap3A_603 : memref<1x1x256xf32, #tpu.memory_space<vmem>> -> memref<1x256xf32, #tpu.memory_space<vmem>>
        %swap3A_605 = arith.index_cast %swap3A_600 : i32 to index
        %swap3A_606 = arith.constant 48 : index
        %swap3A_607 = tpu.vector_load %swap3A_604[%swap3A_605, %swap3A_606] {strides = array<i32>} : memref<1x256xf32, #tpu.memory_space<vmem>>, vector<16xf32>,
        tpu.vector_store %swap3A_604[%swap3A_605, %swap3A_606], %add3A_599 {strides = array<i32>} : memref<1x256xf32, #tpu.memory_space<vmem>>, vector<16xf32>,
        %get3A_608 = arith.constant 0 : i32
        %get3A_609 = arith.constant 0 : i32
        %get3A_610 = arith.constant 0 : i32
        %get3A_611 = tpu.memref_slice %run_scoped3A[%rem3A_454, %get3A_609, %get3A_610] : memref<2x1x256xi32, #tpu.memory_space<vmem>> -> memref<1x1x256xi32, #tpu.memory_space<vmem>>
        %get3A_612 = tpu.memref_squeeze %get3A_611 : memref<1x1x256xi32, #tpu.memory_space<vmem>> -> memref<1x256xi32, #tpu.memory_space<vmem>>
        %get3A_613 = arith.index_cast %get3A_608 : i32 to index
        %get3A_614 = arith.constant 64 : index
        %get3A_615 = tpu.vector_load %get3A_612[%get3A_613, %get3A_614] {strides = array<i32>} : memref<1x256xi32, #tpu.memory_space<vmem>>, vector<16xi32>,
        %get3A_616 = arith.constant 0 : i32
        %get3A_617 = arith.constant 0 : i32
        %get3A_618 = arith.constant 0 : i32
        %get3A_619 = tpu.memref_slice %run_scoped3A_8[%rem3A_456, %get3A_617, %get3A_618] : memref<2x1x256xi32, #tpu.memory_space<vmem>> -> memref<1x1x256xi32, #tpu.memory_space<vmem>>
        %get3A_620 = tpu.memref_squeeze %get3A_619 : memref<1x1x256xi32, #tpu.memory_space<vmem>> -> memref<1x256xi32, #tpu.memory_space<vmem>>
        %get3A_621 = arith.index_cast %get3A_616 : i32 to index
        %get3A_622 = arith.constant 64 : index
        %get3A_623 = tpu.vector_load %get3A_620[%get3A_621, %get3A_622] {strides = array<i32>} : memref<1x256xi32, #tpu.memory_space<vmem>>, vector<16xi32>,
        %gather3A_624 = tpu.vector_load_idx %arg7[%get3A_615] : memref<512xf32, #tpu.memory_space<vmem>>[vector<16xi32>], vector<16xf32>,
        %gather3A_625 = tpu.vector_load_idx %arg7[%get3A_623] : memref<512xf32, #tpu.memory_space<vmem>>[vector<16xi32>], vector<16xf32>,
        %sub3A_626 = arith.subf %gather3A_624, %gather3A_625 : vector<16xf32>
        %gather3A_627 = tpu.vector_load_idx %arg8[%get3A_615] : memref<512xf32, #tpu.memory_space<vmem>>[vector<16xi32>], vector<16xf32>,
        %gather3A_628 = tpu.vector_load_idx %arg8[%get3A_623] : memref<512xf32, #tpu.memory_space<vmem>>[vector<16xi32>], vector<16xf32>,
        %sub3A_629 = arith.subf %gather3A_627, %gather3A_628 : vector<16xf32>
        %gather3A_630 = tpu.vector_load_idx %arg9[%get3A_615] : memref<512xf32, #tpu.memory_space<vmem>>[vector<16xi32>], vector<16xf32>,
        %gather3A_631 = tpu.vector_load_idx %arg9[%get3A_623] : memref<512xf32, #tpu.memory_space<vmem>>[vector<16xi32>], vector<16xf32>,
        %sub3A_632 = arith.subf %gather3A_630, %gather3A_631 : vector<16xf32>
        %mul3A_633 = arith.mulf %sub3A_626, %sub3A_626 : vector<16xf32>
        %mul3A_634 = arith.mulf %sub3A_629, %sub3A_629 : vector<16xf32>
        %add3A_635 = arith.addf %mul3A_633, %mul3A_634 : vector<16xf32>
        %mul3A_636 = arith.mulf %sub3A_632, %sub3A_632 : vector<16xf32>
        %add3A_637 = arith.addf %add3A_635, %mul3A_636 : vector<16xf32>
        %swap3A_638 = arith.constant 0 : i32
        %swap3A_639 = arith.constant 0 : i32
        %swap3A_640 = arith.constant 0 : i32
        %swap3A_641 = tpu.memref_slice %run_scoped3A_10[%rem3A_458, %swap3A_639, %swap3A_640] : memref<2x1x256xf32, #tpu.memory_space<vmem>> -> memref<1x1x256xf32, #tpu.memory_space<vmem>>
        %swap3A_642 = tpu.memref_squeeze %swap3A_641 : memref<1x1x256xf32, #tpu.memory_space<vmem>> -> memref<1x256xf32, #tpu.memory_space<vmem>>
        %swap3A_643 = arith.index_cast %swap3A_638 : i32 to index
        %swap3A_644 = arith.constant 64 : index
        %swap3A_645 = tpu.vector_load %swap3A_642[%swap3A_643, %swap3A_644] {strides = array<i32>} : memref<1x256xf32, #tpu.memory_space<vmem>>, vector<16xf32>,
        tpu.vector_store %swap3A_642[%swap3A_643, %swap3A_644], %add3A_637 {strides = array<i32>} : memref<1x256xf32, #tpu.memory_space<vmem>>, vector<16xf32>,
        %get3A_646 = arith.constant 0 : i32
        %get3A_647 = arith.constant 0 : i32
        %get3A_648 = arith.constant 0 : i32
        %get3A_649 = tpu.memref_slice %run_scoped3A[%rem3A_454, %get3A_647, %get3A_648] : memref<2x1x256xi32, #tpu.memory_space<vmem>> -> memref<1x1x256xi32, #tpu.memory_space<vmem>>
        %get3A_650 = tpu.memref_squeeze %get3A_649 : memref<1x1x256xi32, #tpu.memory_space<vmem>> -> memref<1x256xi32, #tpu.memory_space<vmem>>
        %get3A_651 = arith.index_cast %get3A_646 : i32 to index
        %get3A_652 = arith.constant 80 : index
        %get3A_653 = tpu.vector_load %get3A_650[%get3A_651, %get3A_652] {strides = array<i32>} : memref<1x256xi32, #tpu.memory_space<vmem>>, vector<16xi32>,
        %get3A_654 = arith.constant 0 : i32
        %get3A_655 = arith.constant 0 : i32
        %get3A_656 = arith.constant 0 : i32
        %get3A_657 = tpu.memref_slice %run_scoped3A_8[%rem3A_456, %get3A_655, %get3A_656] : memref<2x1x256xi32, #tpu.memory_space<vmem>> -> memref<1x1x256xi32, #tpu.memory_space<vmem>>
        %get3A_658 = tpu.memref_squeeze %get3A_657 : memref<1x1x256xi32, #tpu.memory_space<vmem>> -> memref<1x256xi32, #tpu.memory_space<vmem>>
        %get3A_659 = arith.index_cast %get3A_654 : i32 to index
        %get3A_660 = arith.constant 80 : index
        %get3A_661 = tpu.vector_load %get3A_658[%get3A_659, %get3A_660] {strides = array<i32>} : memref<1x256xi32, #tpu.memory_space<vmem>>, vector<16xi32>,
        %gather3A_662 = tpu.vector_load_idx %arg7[%get3A_653] : memref<512xf32, #tpu.memory_space<vmem>>[vector<16xi32>], vector<16xf32>,
        %gather3A_663 = tpu.vector_load_idx %arg7[%get3A_661] : memref<512xf32, #tpu.memory_space<vmem>>[vector<16xi32>], vector<16xf32>,
        %sub3A_664 = arith.subf %gather3A_662, %gather3A_663 : vector<16xf32>
        %gather3A_665 = tpu.vector_load_idx %arg8[%get3A_653] : memref<512xf32, #tpu.memory_space<vmem>>[vector<16xi32>], vector<16xf32>,
        %gather3A_666 = tpu.vector_load_idx %arg8[%get3A_661] : memref<512xf32, #tpu.memory_space<vmem>>[vector<16xi32>], vector<16xf32>,
        %sub3A_667 = arith.subf %gather3A_665, %gather3A_666 : vector<16xf32>
        %gather3A_668 = tpu.vector_load_idx %arg9[%get3A_653] : memref<512xf32, #tpu.memory_space<vmem>>[vector<16xi32>], vector<16xf32>,
        %gather3A_669 = tpu.vector_load_idx %arg9[%get3A_661] : memref<512xf32, #tpu.memory_space<vmem>>[vector<16xi32>], vector<16xf32>,
        %sub3A_670 = arith.subf %gather3A_668, %gather3A_669 : vector<16xf32>
        %mul3A_671 = arith.mulf %sub3A_664, %sub3A_664 : vector<16xf32>
        %mul3A_672 = arith.mulf %sub3A_667, %sub3A_667 : vector<16xf32>
        %add3A_673 = arith.addf %mul3A_671, %mul3A_672 : vector<16xf32>
        %mul3A_674 = arith.mulf %sub3A_670, %sub3A_670 : vector<16xf32>
        %add3A_675 = arith.addf %add3A_673, %mul3A_674 : vector<16xf32>
        %swap3A_676 = arith.constant 0 : i32
        %swap3A_677 = arith.constant 0 : i32
        %swap3A_678 = arith.constant 0 : i32
        %swap3A_679 = tpu.memref_slice %run_scoped3A_10[%rem3A_458, %swap3A_677, %swap3A_678] : memref<2x1x256xf32, #tpu.memory_space<vmem>> -> memref<1x1x256xf32, #tpu.memory_space<vmem>>
        %swap3A_680 = tpu.memref_squeeze %swap3A_679 : memref<1x1x256xf32, #tpu.memory_space<vmem>> -> memref<1x256xf32, #tpu.memory_space<vmem>>
        %swap3A_681 = arith.index_cast %swap3A_676 : i32 to index
        %swap3A_682 = arith.constant 80 : index
        %swap3A_683 = tpu.vector_load %swap3A_680[%swap3A_681, %swap3A_682] {strides = array<i32>} : memref<1x256xf32, #tpu.memory_space<vmem>>, vector<16xf32>,
        tpu.vector_store %swap3A_680[%swap3A_681, %swap3A_682], %add3A_675 {strides = array<i32>} : memref<1x256xf32, #tpu.memory_space<vmem>>, vector<16xf32>,
        %get3A_684 = arith.constant 0 : i32
        %get3A_685 = arith.constant 0 : i32
        %get3A_686 = arith.constant 0 : i32
        %get3A_687 = tpu.memref_slice %run_scoped3A[%rem3A_454, %get3A_685, %get3A_686] : memref<2x1x256xi32, #tpu.memory_space<vmem>> -> memref<1x1x256xi32, #tpu.memory_space<vmem>>
        %get3A_688 = tpu.memref_squeeze %get3A_687 : memref<1x1x256xi32, #tpu.memory_space<vmem>> -> memref<1x256xi32, #tpu.memory_space<vmem>>
        %get3A_689 = arith.index_cast %get3A_684 : i32 to index
        %get3A_690 = arith.constant 96 : index
        %get3A_691 = tpu.vector_load %get3A_688[%get3A_689, %get3A_690] {strides = array<i32>} : memref<1x256xi32, #tpu.memory_space<vmem>>, vector<16xi32>,
        %get3A_692 = arith.constant 0 : i32
        %get3A_693 = arith.constant 0 : i32
        %get3A_694 = arith.constant 0 : i32
        %get3A_695 = tpu.memref_slice %run_scoped3A_8[%rem3A_456, %get3A_693, %get3A_694] : memref<2x1x256xi32, #tpu.memory_space<vmem>> -> memref<1x1x256xi32, #tpu.memory_space<vmem>>
        %get3A_696 = tpu.memref_squeeze %get3A_695 : memref<1x1x256xi32, #tpu.memory_space<vmem>> -> memref<1x256xi32, #tpu.memory_space<vmem>>
        %get3A_697 = arith.index_cast %get3A_692 : i32 to index
        %get3A_698 = arith.constant 96 : index
        %get3A_699 = tpu.vector_load %get3A_696[%get3A_697, %get3A_698] {strides = array<i32>} : memref<1x256xi32, #tpu.memory_space<vmem>>, vector<16xi32>,
        %gather3A_700 = tpu.vector_load_idx %arg7[%get3A_691] : memref<512xf32, #tpu.memory_space<vmem>>[vector<16xi32>], vector<16xf32>,
        %gather3A_701 = tpu.vector_load_idx %arg7[%get3A_699] : memref<512xf32, #tpu.memory_space<vmem>>[vector<16xi32>], vector<16xf32>,
        %sub3A_702 = arith.subf %gather3A_700, %gather3A_701 : vector<16xf32>
        %gather3A_703 = tpu.vector_load_idx %arg8[%get3A_691] : memref<512xf32, #tpu.memory_space<vmem>>[vector<16xi32>], vector<16xf32>,
        %gather3A_704 = tpu.vector_load_idx %arg8[%get3A_699] : memref<512xf32, #tpu.memory_space<vmem>>[vector<16xi32>], vector<16xf32>,
        %sub3A_705 = arith.subf %gather3A_703, %gather3A_704 : vector<16xf32>
        %gather3A_706 = tpu.vector_load_idx %arg9[%get3A_691] : memref<512xf32, #tpu.memory_space<vmem>>[vector<16xi32>], vector<16xf32>,
        %gather3A_707 = tpu.vector_load_idx %arg9[%get3A_699] : memref<512xf32, #tpu.memory_space<vmem>>[vector<16xi32>], vector<16xf32>,
        %sub3A_708 = arith.subf %gather3A_706, %gather3A_707 : vector<16xf32>
        %mul3A_709 = arith.mulf %sub3A_702, %sub3A_702 : vector<16xf32>
        %mul3A_710 = arith.mulf %sub3A_705, %sub3A_705 : vector<16xf32>
        %add3A_711 = arith.addf %mul3A_709, %mul3A_710 : vector<16xf32>
        %mul3A_712 = arith.mulf %sub3A_708, %sub3A_708 : vector<16xf32>
        %add3A_713 = arith.addf %add3A_711, %mul3A_712 : vector<16xf32>
        %swap3A_714 = arith.constant 0 : i32
        %swap3A_715 = arith.constant 0 : i32
        %swap3A_716 = arith.constant 0 : i32
        %swap3A_717 = tpu.memref_slice %run_scoped3A_10[%rem3A_458, %swap3A_715, %swap3A_716] : memref<2x1x256xf32, #tpu.memory_space<vmem>> -> memref<1x1x256xf32, #tpu.memory_space<vmem>>
        %swap3A_718 = tpu.memref_squeeze %swap3A_717 : memref<1x1x256xf32, #tpu.memory_space<vmem>> -> memref<1x256xf32, #tpu.memory_space<vmem>>
        %swap3A_719 = arith.index_cast %swap3A_714 : i32 to index
        %swap3A_720 = arith.constant 96 : index
        %swap3A_721 = tpu.vector_load %swap3A_718[%swap3A_719, %swap3A_720] {strides = array<i32>} : memref<1x256xf32, #tpu.memory_space<vmem>>, vector<16xf32>,
        tpu.vector_store %swap3A_718[%swap3A_719, %swap3A_720], %add3A_713 {strides = array<i32>} : memref<1x256xf32, #tpu.memory_space<vmem>>, vector<16xf32>,
        %get3A_722 = arith.constant 0 : i32
        %get3A_723 = arith.constant 0 : i32
        %get3A_724 = arith.constant 0 : i32
        %get3A_725 = tpu.memref_slice %run_scoped3A[%rem3A_454, %get3A_723, %get3A_724] : memref<2x1x256xi32, #tpu.memory_space<vmem>> -> memref<1x1x256xi32, #tpu.memory_space<vmem>>
        %get3A_726 = tpu.memref_squeeze %get3A_725 : memref<1x1x256xi32, #tpu.memory_space<vmem>> -> memref<1x256xi32, #tpu.memory_space<vmem>>
        %get3A_727 = arith.index_cast %get3A_722 : i32 to index
        %get3A_728 = arith.constant 112 : index
        %get3A_729 = tpu.vector_load %get3A_726[%get3A_727, %get3A_728] {strides = array<i32>} : memref<1x256xi32, #tpu.memory_space<vmem>>, vector<16xi32>,
        %get3A_730 = arith.constant 0 : i32
        %get3A_731 = arith.constant 0 : i32
        %get3A_732 = arith.constant 0 : i32
        %get3A_733 = tpu.memref_slice %run_scoped3A_8[%rem3A_456, %get3A_731, %get3A_732] : memref<2x1x256xi32, #tpu.memory_space<vmem>> -> memref<1x1x256xi32, #tpu.memory_space<vmem>>
        %get3A_734 = tpu.memref_squeeze %get3A_733 : memref<1x1x256xi32, #tpu.memory_space<vmem>> -> memref<1x256xi32, #tpu.memory_space<vmem>>
        %get3A_735 = arith.index_cast %get3A_730 : i32 to index
        %get3A_736 = arith.constant 112 : index
        %get3A_737 = tpu.vector_load %get3A_734[%get3A_735, %get3A_736] {strides = array<i32>} : memref<1x256xi32, #tpu.memory_space<vmem>>, vector<16xi32>,
        %gather3A_738 = tpu.vector_load_idx %arg7[%get3A_729] : memref<512xf32, #tpu.memory_space<vmem>>[vector<16xi32>], vector<16xf32>,
        %gather3A_739 = tpu.vector_load_idx %arg7[%get3A_737] : memref<512xf32, #tpu.memory_space<vmem>>[vector<16xi32>], vector<16xf32>,
        %sub3A_740 = arith.subf %gather3A_738, %gather3A_739 : vector<16xf32>
        %gather3A_741 = tpu.vector_load_idx %arg8[%get3A_729] : memref<512xf32, #tpu.memory_space<vmem>>[vector<16xi32>], vector<16xf32>,
        %gather3A_742 = tpu.vector_load_idx %arg8[%get3A_737] : memref<512xf32, #tpu.memory_space<vmem>>[vector<16xi32>], vector<16xf32>,
        %sub3A_743 = arith.subf %gather3A_741, %gather3A_742 : vector<16xf32>
        %gather3A_744 = tpu.vector_load_idx %arg9[%get3A_729] : memref<512xf32, #tpu.memory_space<vmem>>[vector<16xi32>], vector<16xf32>,
        %gather3A_745 = tpu.vector_load_idx %arg9[%get3A_737] : memref<512xf32, #tpu.memory_space<vmem>>[vector<16xi32>], vector<16xf32>,
        %sub3A_746 = arith.subf %gather3A_744, %gather3A_745 : vector<16xf32>
        %mul3A_747 = arith.mulf %sub3A_740, %sub3A_740 : vector<16xf32>
        %mul3A_748 = arith.mulf %sub3A_743, %sub3A_743 : vector<16xf32>
        %add3A_749 = arith.addf %mul3A_747, %mul3A_748 : vector<16xf32>
        %mul3A_750 = arith.mulf %sub3A_746, %sub3A_746 : vector<16xf32>
        %add3A_751 = arith.addf %add3A_749, %mul3A_750 : vector<16xf32>
        %swap3A_752 = arith.constant 0 : i32
        %swap3A_753 = arith.constant 0 : i32
        %swap3A_754 = arith.constant 0 : i32
        %swap3A_755 = tpu.memref_slice %run_scoped3A_10[%rem3A_458, %swap3A_753, %swap3A_754] : memref<2x1x256xf32, #tpu.memory_space<vmem>> -> memref<1x1x256xf32, #tpu.memory_space<vmem>>
        %swap3A_756 = tpu.memref_squeeze %swap3A_755 : memref<1x1x256xf32, #tpu.memory_space<vmem>> -> memref<1x256xf32, #tpu.memory_space<vmem>>
        %swap3A_757 = arith.index_cast %swap3A_752 : i32 to index
        %swap3A_758 = arith.constant 112 : index
        %swap3A_759 = tpu.vector_load %swap3A_756[%swap3A_757, %swap3A_758] {strides = array<i32>} : memref<1x256xf32, #tpu.memory_space<vmem>>, vector<16xf32>,
        tpu.vector_store %swap3A_756[%swap3A_757, %swap3A_758], %add3A_751 {strides = array<i32>} : memref<1x256xf32, #tpu.memory_space<vmem>>, vector<16xf32>,
        %get3A_760 = arith.constant 0 : i32
        %get3A_761 = arith.constant 0 : i32
        %get3A_762 = arith.constant 0 : i32
        %get3A_763 = tpu.memref_slice %run_scoped3A[%rem3A_454, %get3A_761, %get3A_762] : memref<2x1x256xi32, #tpu.memory_space<vmem>> -> memref<1x1x256xi32, #tpu.memory_space<vmem>>
        %get3A_764 = tpu.memref_squeeze %get3A_763 : memref<1x1x256xi32, #tpu.memory_space<vmem>> -> memref<1x256xi32, #tpu.memory_space<vmem>>
        %get3A_765 = arith.index_cast %get3A_760 : i32 to index
        %get3A_766 = arith.constant 128 : index
        %get3A_767 = tpu.vector_load %get3A_764[%get3A_765, %get3A_766] {strides = array<i32>} : memref<1x256xi32, #tpu.memory_space<vmem>>, vector<16xi32>,
        %get3A_768 = arith.constant 0 : i32
        %get3A_769 = arith.constant 0 : i32
        %get3A_770 = arith.constant 0 : i32
        %get3A_771 = tpu.memref_slice %run_scoped3A_8[%rem3A_456, %get3A_769, %get3A_770] : memref<2x1x256xi32, #tpu.memory_space<vmem>> -> memref<1x1x256xi32, #tpu.memory_space<vmem>>
        %get3A_772 = tpu.memref_squeeze %get3A_771 : memref<1x1x256xi32, #tpu.memory_space<vmem>> -> memref<1x256xi32, #tpu.memory_space<vmem>>
        %get3A_773 = arith.index_cast %get3A_768 : i32 to index
        %get3A_774 = arith.constant 128 : index
        %get3A_775 = tpu.vector_load %get3A_772[%get3A_773, %get3A_774] {strides = array<i32>} : memref<1x256xi32, #tpu.memory_space<vmem>>, vector<16xi32>,
        %gather3A_776 = tpu.vector_load_idx %arg7[%get3A_767] : memref<512xf32, #tpu.memory_space<vmem>>[vector<16xi32>], vector<16xf32>,
        %gather3A_777 = tpu.vector_load_idx %arg7[%get3A_775] : memref<512xf32, #tpu.memory_space<vmem>>[vector<16xi32>], vector<16xf32>,
        %sub3A_778 = arith.subf %gather3A_776, %gather3A_777 : vector<16xf32>
        %gather3A_779 = tpu.vector_load_idx %arg8[%get3A_767] : memref<512xf32, #tpu.memory_space<vmem>>[vector<16xi32>], vector<16xf32>,
        %gather3A_780 = tpu.vector_load_idx %arg8[%get3A_775] : memref<512xf32, #tpu.memory_space<vmem>>[vector<16xi32>], vector<16xf32>,
        %sub3A_781 = arith.subf %gather3A_779, %gather3A_780 : vector<16xf32>
        %gather3A_782 = tpu.vector_load_idx %arg9[%get3A_767] : memref<512xf32, #tpu.memory_space<vmem>>[vector<16xi32>], vector<16xf32>,
        %gather3A_783 = tpu.vector_load_idx %arg9[%get3A_775] : memref<512xf32, #tpu.memory_space<vmem>>[vector<16xi32>], vector<16xf32>,
        %sub3A_784 = arith.subf %gather3A_782, %gather3A_783 : vector<16xf32>
        %mul3A_785 = arith.mulf %sub3A_778, %sub3A_778 : vector<16xf32>
        %mul3A_786 = arith.mulf %sub3A_781, %sub3A_781 : vector<16xf32>
        %add3A_787 = arith.addf %mul3A_785, %mul3A_786 : vector<16xf32>
        %mul3A_788 = arith.mulf %sub3A_784, %sub3A_784 : vector<16xf32>
        %add3A_789 = arith.addf %add3A_787, %mul3A_788 : vector<16xf32>
        %swap3A_790 = arith.constant 0 : i32
        %swap3A_791 = arith.constant 0 : i32
        %swap3A_792 = arith.constant 0 : i32
        %swap3A_793 = tpu.memref_slice %run_scoped3A_10[%rem3A_458, %swap3A_791, %swap3A_792] : memref<2x1x256xf32, #tpu.memory_space<vmem>> -> memref<1x1x256xf32, #tpu.memory_space<vmem>>
        %swap3A_794 = tpu.memref_squeeze %swap3A_793 : memref<1x1x256xf32, #tpu.memory_space<vmem>> -> memref<1x256xf32, #tpu.memory_space<vmem>>
        %swap3A_795 = arith.index_cast %swap3A_790 : i32 to index
        %swap3A_796 = arith.constant 128 : index
        %swap3A_797 = tpu.vector_load %swap3A_794[%swap3A_795, %swap3A_796] {strides = array<i32>} : memref<1x256xf32, #tpu.memory_space<vmem>>, vector<16xf32>,
        tpu.vector_store %swap3A_794[%swap3A_795, %swap3A_796], %add3A_789 {strides = array<i32>} : memref<1x256xf32, #tpu.memory_space<vmem>>, vector<16xf32>,
        %get3A_798 = arith.constant 0 : i32
        %get3A_799 = arith.constant 0 : i32
        %get3A_800 = arith.constant 0 : i32
        %get3A_801 = tpu.memref_slice %run_scoped3A[%rem3A_454, %get3A_799, %get3A_800] : memref<2x1x256xi32, #tpu.memory_space<vmem>> -> memref<1x1x256xi32, #tpu.memory_space<vmem>>
        %get3A_802 = tpu.memref_squeeze %get3A_801 : memref<1x1x256xi32, #tpu.memory_space<vmem>> -> memref<1x256xi32, #tpu.memory_space<vmem>>
        %get3A_803 = arith.index_cast %get3A_798 : i32 to index
        %get3A_804 = arith.constant 144 : index
        %get3A_805 = tpu.vector_load %get3A_802[%get3A_803, %get3A_804] {strides = array<i32>} : memref<1x256xi32, #tpu.memory_space<vmem>>, vector<16xi32>,
        %get3A_806 = arith.constant 0 : i32
        %get3A_807 = arith.constant 0 : i32
        %get3A_808 = arith.constant 0 : i32
        %get3A_809 = tpu.memref_slice %run_scoped3A_8[%rem3A_456, %get3A_807, %get3A_808] : memref<2x1x256xi32, #tpu.memory_space<vmem>> -> memref<1x1x256xi32, #tpu.memory_space<vmem>>
        %get3A_810 = tpu.memref_squeeze %get3A_809 : memref<1x1x256xi32, #tpu.memory_space<vmem>> -> memref<1x256xi32, #tpu.memory_space<vmem>>
        %get3A_811 = arith.index_cast %get3A_806 : i32 to index
        %get3A_812 = arith.constant 144 : index
        %get3A_813 = tpu.vector_load %get3A_810[%get3A_811, %get3A_812] {strides = array<i32>} : memref<1x256xi32, #tpu.memory_space<vmem>>, vector<16xi32>,
        %gather3A_814 = tpu.vector_load_idx %arg7[%get3A_805] : memref<512xf32, #tpu.memory_space<vmem>>[vector<16xi32>], vector<16xf32>,
        %gather3A_815 = tpu.vector_load_idx %arg7[%get3A_813] : memref<512xf32, #tpu.memory_space<vmem>>[vector<16xi32>], vector<16xf32>,
        %sub3A_816 = arith.subf %gather3A_814, %gather3A_815 : vector<16xf32>
        %gather3A_817 = tpu.vector_load_idx %arg8[%get3A_805] : memref<512xf32, #tpu.memory_space<vmem>>[vector<16xi32>], vector<16xf32>,
        %gather3A_818 = tpu.vector_load_idx %arg8[%get3A_813] : memref<512xf32, #tpu.memory_space<vmem>>[vector<16xi32>], vector<16xf32>,
        %sub3A_819 = arith.subf %gather3A_817, %gather3A_818 : vector<16xf32>
        %gather3A_820 = tpu.vector_load_idx %arg9[%get3A_805] : memref<512xf32, #tpu.memory_space<vmem>>[vector<16xi32>], vector<16xf32>,
        %gather3A_821 = tpu.vector_load_idx %arg9[%get3A_813] : memref<512xf32, #tpu.memory_space<vmem>>[vector<16xi32>], vector<16xf32>,
        %sub3A_822 = arith.subf %gather3A_820, %gather3A_821 : vector<16xf32>
        %mul3A_823 = arith.mulf %sub3A_816, %sub3A_816 : vector<16xf32>
        %mul3A_824 = arith.mulf %sub3A_819, %sub3A_819 : vector<16xf32>
        %add3A_825 = arith.addf %mul3A_823, %mul3A_824 : vector<16xf32>
        %mul3A_826 = arith.mulf %sub3A_822, %sub3A_822 : vector<16xf32>
        %add3A_827 = arith.addf %add3A_825, %mul3A_826 : vector<16xf32>
        %swap3A_828 = arith.constant 0 : i32
        %swap3A_829 = arith.constant 0 : i32
        %swap3A_830 = arith.constant 0 : i32
        %swap3A_831 = tpu.memref_slice %run_scoped3A_10[%rem3A_458, %swap3A_829, %swap3A_830] : memref<2x1x256xf32, #tpu.memory_space<vmem>> -> memref<1x1x256xf32, #tpu.memory_space<vmem>>
        %swap3A_832 = tpu.memref_squeeze %swap3A_831 : memref<1x1x256xf32, #tpu.memory_space<vmem>> -> memref<1x256xf32, #tpu.memory_space<vmem>>
        %swap3A_833 = arith.index_cast %swap3A_828 : i32 to index
        %swap3A_834 = arith.constant 144 : index
        %swap3A_835 = tpu.vector_load %swap3A_832[%swap3A_833, %swap3A_834] {strides = array<i32>} : memref<1x256xf32, #tpu.memory_space<vmem>>, vector<16xf32>,
        tpu.vector_store %swap3A_832[%swap3A_833, %swap3A_834], %add3A_827 {strides = array<i32>} : memref<1x256xf32, #tpu.memory_space<vmem>>, vector<16xf32>,
        %get3A_836 = arith.constant 0 : i32
        %get3A_837 = arith.constant 0 : i32
        %get3A_838 = arith.constant 0 : i32
        %get3A_839 = tpu.memref_slice %run_scoped3A[%rem3A_454, %get3A_837, %get3A_838] : memref<2x1x256xi32, #tpu.memory_space<vmem>> -> memref<1x1x256xi32, #tpu.memory_space<vmem>>
        %get3A_840 = tpu.memref_squeeze %get3A_839 : memref<1x1x256xi32, #tpu.memory_space<vmem>> -> memref<1x256xi32, #tpu.memory_space<vmem>>
        %get3A_841 = arith.index_cast %get3A_836 : i32 to index
        %get3A_842 = arith.constant 160 : index
        %get3A_843 = tpu.vector_load %get3A_840[%get3A_841, %get3A_842] {strides = array<i32>} : memref<1x256xi32, #tpu.memory_space<vmem>>, vector<16xi32>,
        %get3A_844 = arith.constant 0 : i32
        %get3A_845 = arith.constant 0 : i32
        %get3A_846 = arith.constant 0 : i32
        %get3A_847 = tpu.memref_slice %run_scoped3A_8[%rem3A_456, %get3A_845, %get3A_846] : memref<2x1x256xi32, #tpu.memory_space<vmem>> -> memref<1x1x256xi32, #tpu.memory_space<vmem>>
        %get3A_848 = tpu.memref_squeeze %get3A_847 : memref<1x1x256xi32, #tpu.memory_space<vmem>> -> memref<1x256xi32, #tpu.memory_space<vmem>>
        %get3A_849 = arith.index_cast %get3A_844 : i32 to index
        %get3A_850 = arith.constant 160 : index
        %get3A_851 = tpu.vector_load %get3A_848[%get3A_849, %get3A_850] {strides = array<i32>} : memref<1x256xi32, #tpu.memory_space<vmem>>, vector<16xi32>,
        %gather3A_852 = tpu.vector_load_idx %arg7[%get3A_843] : memref<512xf32, #tpu.memory_space<vmem>>[vector<16xi32>], vector<16xf32>,
        %gather3A_853 = tpu.vector_load_idx %arg7[%get3A_851] : memref<512xf32, #tpu.memory_space<vmem>>[vector<16xi32>], vector<16xf32>,
        %sub3A_854 = arith.subf %gather3A_852, %gather3A_853 : vector<16xf32>
        %gather3A_855 = tpu.vector_load_idx %arg8[%get3A_843] : memref<512xf32, #tpu.memory_space<vmem>>[vector<16xi32>], vector<16xf32>,
        %gather3A_856 = tpu.vector_load_idx %arg8[%get3A_851] : memref<512xf32, #tpu.memory_space<vmem>>[vector<16xi32>], vector<16xf32>,
        %sub3A_857 = arith.subf %gather3A_855, %gather3A_856 : vector<16xf32>
        %gather3A_858 = tpu.vector_load_idx %arg9[%get3A_843] : memref<512xf32, #tpu.memory_space<vmem>>[vector<16xi32>], vector<16xf32>,
        %gather3A_859 = tpu.vector_load_idx %arg9[%get3A_851] : memref<512xf32, #tpu.memory_space<vmem>>[vector<16xi32>], vector<16xf32>,
        %sub3A_860 = arith.subf %gather3A_858, %gather3A_859 : vector<16xf32>
        %mul3A_861 = arith.mulf %sub3A_854, %sub3A_854 : vector<16xf32>
        %mul3A_862 = arith.mulf %sub3A_857, %sub3A_857 : vector<16xf32>
        %add3A_863 = arith.addf %mul3A_861, %mul3A_862 : vector<16xf32>
        %mul3A_864 = arith.mulf %sub3A_860, %sub3A_860 : vector<16xf32>
        %add3A_865 = arith.addf %add3A_863, %mul3A_864 : vector<16xf32>
        %swap3A_866 = arith.constant 0 : i32
        %swap3A_867 = arith.constant 0 : i32
        %swap3A_868 = arith.constant 0 : i32
        %swap3A_869 = tpu.memref_slice %run_scoped3A_10[%rem3A_458, %swap3A_867, %swap3A_868] : memref<2x1x256xf32, #tpu.memory_space<vmem>> -> memref<1x1x256xf32, #tpu.memory_space<vmem>>
        %swap3A_870 = tpu.memref_squeeze %swap3A_869 : memref<1x1x256xf32, #tpu.memory_space<vmem>> -> memref<1x256xf32, #tpu.memory_space<vmem>>
        %swap3A_871 = arith.index_cast %swap3A_866 : i32 to index
        %swap3A_872 = arith.constant 160 : index
        %swap3A_873 = tpu.vector_load %swap3A_870[%swap3A_871, %swap3A_872] {strides = array<i32>} : memref<1x256xf32, #tpu.memory_space<vmem>>, vector<16xf32>,
        tpu.vector_store %swap3A_870[%swap3A_871, %swap3A_872], %add3A_865 {strides = array<i32>} : memref<1x256xf32, #tpu.memory_space<vmem>>, vector<16xf32>,
        %get3A_874 = arith.constant 0 : i32
        %get3A_875 = arith.constant 0 : i32
        %get3A_876 = arith.constant 0 : i32
        %get3A_877 = tpu.memref_slice %run_scoped3A[%rem3A_454, %get3A_875, %get3A_876] : memref<2x1x256xi32, #tpu.memory_space<vmem>> -> memref<1x1x256xi32, #tpu.memory_space<vmem>>
        %get3A_878 = tpu.memref_squeeze %get3A_877 : memref<1x1x256xi32, #tpu.memory_space<vmem>> -> memref<1x256xi32, #tpu.memory_space<vmem>>
        %get3A_879 = arith.index_cast %get3A_874 : i32 to index
        %get3A_880 = arith.constant 176 : index
        %get3A_881 = tpu.vector_load %get3A_878[%get3A_879, %get3A_880] {strides = array<i32>} : memref<1x256xi32, #tpu.memory_space<vmem>>, vector<16xi32>,
        %get3A_882 = arith.constant 0 : i32
        %get3A_883 = arith.constant 0 : i32
        %get3A_884 = arith.constant 0 : i32
        %get3A_885 = tpu.memref_slice %run_scoped3A_8[%rem3A_456, %get3A_883, %get3A_884] : memref<2x1x256xi32, #tpu.memory_space<vmem>> -> memref<1x1x256xi32, #tpu.memory_space<vmem>>
        %get3A_886 = tpu.memref_squeeze %get3A_885 : memref<1x1x256xi32, #tpu.memory_space<vmem>> -> memref<1x256xi32, #tpu.memory_space<vmem>>
        %get3A_887 = arith.index_cast %get3A_882 : i32 to index
        %get3A_888 = arith.constant 176 : index
        %get3A_889 = tpu.vector_load %get3A_886[%get3A_887, %get3A_888] {strides = array<i32>} : memref<1x256xi32, #tpu.memory_space<vmem>>, vector<16xi32>,
        %gather3A_890 = tpu.vector_load_idx %arg7[%get3A_881] : memref<512xf32, #tpu.memory_space<vmem>>[vector<16xi32>], vector<16xf32>,
        %gather3A_891 = tpu.vector_load_idx %arg7[%get3A_889] : memref<512xf32, #tpu.memory_space<vmem>>[vector<16xi32>], vector<16xf32>,
        %sub3A_892 = arith.subf %gather3A_890, %gather3A_891 : vector<16xf32>
        %gather3A_893 = tpu.vector_load_idx %arg8[%get3A_881] : memref<512xf32, #tpu.memory_space<vmem>>[vector<16xi32>], vector<16xf32>,
        %gather3A_894 = tpu.vector_load_idx %arg8[%get3A_889] : memref<512xf32, #tpu.memory_space<vmem>>[vector<16xi32>], vector<16xf32>,
        %sub3A_895 = arith.subf %gather3A_893, %gather3A_894 : vector<16xf32>
        %gather3A_896 = tpu.vector_load_idx %arg9[%get3A_881] : memref<512xf32, #tpu.memory_space<vmem>>[vector<16xi32>], vector<16xf32>,
        %gather3A_897 = tpu.vector_load_idx %arg9[%get3A_889] : memref<512xf32, #tpu.memory_space<vmem>>[vector<16xi32>], vector<16xf32>,
        %sub3A_898 = arith.subf %gather3A_896, %gather3A_897 : vector<16xf32>
        %mul3A_899 = arith.mulf %sub3A_892, %sub3A_892 : vector<16xf32>
        %mul3A_900 = arith.mulf %sub3A_895, %sub3A_895 : vector<16xf32>
        %add3A_901 = arith.addf %mul3A_899, %mul3A_900 : vector<16xf32>
        %mul3A_902 = arith.mulf %sub3A_898, %sub3A_898 : vector<16xf32>
        %add3A_903 = arith.addf %add3A_901, %mul3A_902 : vector<16xf32>
        %swap3A_904 = arith.constant 0 : i32
        %swap3A_905 = arith.constant 0 : i32
        %swap3A_906 = arith.constant 0 : i32
        %swap3A_907 = tpu.memref_slice %run_scoped3A_10[%rem3A_458, %swap3A_905, %swap3A_906] : memref<2x1x256xf32, #tpu.memory_space<vmem>> -> memref<1x1x256xf32, #tpu.memory_space<vmem>>
        %swap3A_908 = tpu.memref_squeeze %swap3A_907 : memref<1x1x256xf32, #tpu.memory_space<vmem>> -> memref<1x256xf32, #tpu.memory_space<vmem>>
        %swap3A_909 = arith.index_cast %swap3A_904 : i32 to index
        %swap3A_910 = arith.constant 176 : index
        %swap3A_911 = tpu.vector_load %swap3A_908[%swap3A_909, %swap3A_910] {strides = array<i32>} : memref<1x256xf32, #tpu.memory_space<vmem>>, vector<16xf32>,
        tpu.vector_store %swap3A_908[%swap3A_909, %swap3A_910], %add3A_903 {strides = array<i32>} : memref<1x256xf32, #tpu.memory_space<vmem>>, vector<16xf32>,
        %get3A_912 = arith.constant 0 : i32
        %get3A_913 = arith.constant 0 : i32
        %get3A_914 = arith.constant 0 : i32
        %get3A_915 = tpu.memref_slice %run_scoped3A[%rem3A_454, %get3A_913, %get3A_914] : memref<2x1x256xi32, #tpu.memory_space<vmem>> -> memref<1x1x256xi32, #tpu.memory_space<vmem>>
        %get3A_916 = tpu.memref_squeeze %get3A_915 : memref<1x1x256xi32, #tpu.memory_space<vmem>> -> memref<1x256xi32, #tpu.memory_space<vmem>>
        %get3A_917 = arith.index_cast %get3A_912 : i32 to index
        %get3A_918 = arith.constant 192 : index
        %get3A_919 = tpu.vector_load %get3A_916[%get3A_917, %get3A_918] {strides = array<i32>} : memref<1x256xi32, #tpu.memory_space<vmem>>, vector<16xi32>,
        %get3A_920 = arith.constant 0 : i32
        %get3A_921 = arith.constant 0 : i32
        %get3A_922 = arith.constant 0 : i32
        %get3A_923 = tpu.memref_slice %run_scoped3A_8[%rem3A_456, %get3A_921, %get3A_922] : memref<2x1x256xi32, #tpu.memory_space<vmem>> -> memref<1x1x256xi32, #tpu.memory_space<vmem>>
        %get3A_924 = tpu.memref_squeeze %get3A_923 : memref<1x1x256xi32, #tpu.memory_space<vmem>> -> memref<1x256xi32, #tpu.memory_space<vmem>>
        %get3A_925 = arith.index_cast %get3A_920 : i32 to index
        %get3A_926 = arith.constant 192 : index
        %get3A_927 = tpu.vector_load %get3A_924[%get3A_925, %get3A_926] {strides = array<i32>} : memref<1x256xi32, #tpu.memory_space<vmem>>, vector<16xi32>,
        %gather3A_928 = tpu.vector_load_idx %arg7[%get3A_919] : memref<512xf32, #tpu.memory_space<vmem>>[vector<16xi32>], vector<16xf32>,
        %gather3A_929 = tpu.vector_load_idx %arg7[%get3A_927] : memref<512xf32, #tpu.memory_space<vmem>>[vector<16xi32>], vector<16xf32>,
        %sub3A_930 = arith.subf %gather3A_928, %gather3A_929 : vector<16xf32>
        %gather3A_931 = tpu.vector_load_idx %arg8[%get3A_919] : memref<512xf32, #tpu.memory_space<vmem>>[vector<16xi32>], vector<16xf32>,
        %gather3A_932 = tpu.vector_load_idx %arg8[%get3A_927] : memref<512xf32, #tpu.memory_space<vmem>>[vector<16xi32>], vector<16xf32>,
        %sub3A_933 = arith.subf %gather3A_931, %gather3A_932 : vector<16xf32>
        %gather3A_934 = tpu.vector_load_idx %arg9[%get3A_919] : memref<512xf32, #tpu.memory_space<vmem>>[vector<16xi32>], vector<16xf32>,
        %gather3A_935 = tpu.vector_load_idx %arg9[%get3A_927] : memref<512xf32, #tpu.memory_space<vmem>>[vector<16xi32>], vector<16xf32>,
        %sub3A_936 = arith.subf %gather3A_934, %gather3A_935 : vector<16xf32>
        %mul3A_937 = arith.mulf %sub3A_930, %sub3A_930 : vector<16xf32>
        %mul3A_938 = arith.mulf %sub3A_933, %sub3A_933 : vector<16xf32>
        %add3A_939 = arith.addf %mul3A_937, %mul3A_938 : vector<16xf32>
        %mul3A_940 = arith.mulf %sub3A_936, %sub3A_936 : vector<16xf32>
        %add3A_941 = arith.addf %add3A_939, %mul3A_940 : vector<16xf32>
        %swap3A_942 = arith.constant 0 : i32
        %swap3A_943 = arith.constant 0 : i32
        %swap3A_944 = arith.constant 0 : i32
        %swap3A_945 = tpu.memref_slice %run_scoped3A_10[%rem3A_458, %swap3A_943, %swap3A_944] : memref<2x1x256xf32, #tpu.memory_space<vmem>> -> memref<1x1x256xf32, #tpu.memory_space<vmem>>
        %swap3A_946 = tpu.memref_squeeze %swap3A_945 : memref<1x1x256xf32, #tpu.memory_space<vmem>> -> memref<1x256xf32, #tpu.memory_space<vmem>>
        %swap3A_947 = arith.index_cast %swap3A_942 : i32 to index
        %swap3A_948 = arith.constant 192 : index
        %swap3A_949 = tpu.vector_load %swap3A_946[%swap3A_947, %swap3A_948] {strides = array<i32>} : memref<1x256xf32, #tpu.memory_space<vmem>>, vector<16xf32>,
        tpu.vector_store %swap3A_946[%swap3A_947, %swap3A_948], %add3A_941 {strides = array<i32>} : memref<1x256xf32, #tpu.memory_space<vmem>>, vector<16xf32>,
        %get3A_950 = arith.constant 0 : i32
        %get3A_951 = arith.constant 0 : i32
        %get3A_952 = arith.constant 0 : i32
        %get3A_953 = tpu.memref_slice %run_scoped3A[%rem3A_454, %get3A_951, %get3A_952] : memref<2x1x256xi32, #tpu.memory_space<vmem>> -> memref<1x1x256xi32, #tpu.memory_space<vmem>>
        %get3A_954 = tpu.memref_squeeze %get3A_953 : memref<1x1x256xi32, #tpu.memory_space<vmem>> -> memref<1x256xi32, #tpu.memory_space<vmem>>
        %get3A_955 = arith.index_cast %get3A_950 : i32 to index
        %get3A_956 = arith.constant 208 : index
        %get3A_957 = tpu.vector_load %get3A_954[%get3A_955, %get3A_956] {strides = array<i32>} : memref<1x256xi32, #tpu.memory_space<vmem>>, vector<16xi32>,
        %get3A_958 = arith.constant 0 : i32
        %get3A_959 = arith.constant 0 : i32
        %get3A_960 = arith.constant 0 : i32
        %get3A_961 = tpu.memref_slice %run_scoped3A_8[%rem3A_456, %get3A_959, %get3A_960] : memref<2x1x256xi32, #tpu.memory_space<vmem>> -> memref<1x1x256xi32, #tpu.memory_space<vmem>>
        %get3A_962 = tpu.memref_squeeze %get3A_961 : memref<1x1x256xi32, #tpu.memory_space<vmem>> -> memref<1x256xi32, #tpu.memory_space<vmem>>
        %get3A_963 = arith.index_cast %get3A_958 : i32 to index
        %get3A_964 = arith.constant 208 : index
        %get3A_965 = tpu.vector_load %get3A_962[%get3A_963, %get3A_964] {strides = array<i32>} : memref<1x256xi32, #tpu.memory_space<vmem>>, vector<16xi32>,
        %gather3A_966 = tpu.vector_load_idx %arg7[%get3A_957] : memref<512xf32, #tpu.memory_space<vmem>>[vector<16xi32>], vector<16xf32>,
        %gather3A_967 = tpu.vector_load_idx %arg7[%get3A_965] : memref<512xf32, #tpu.memory_space<vmem>>[vector<16xi32>], vector<16xf32>,
        %sub3A_968 = arith.subf %gather3A_966, %gather3A_967 : vector<16xf32>
        %gather3A_969 = tpu.vector_load_idx %arg8[%get3A_957] : memref<512xf32, #tpu.memory_space<vmem>>[vector<16xi32>], vector<16xf32>,
        %gather3A_970 = tpu.vector_load_idx %arg8[%get3A_965] : memref<512xf32, #tpu.memory_space<vmem>>[vector<16xi32>], vector<16xf32>,
        %sub3A_971 = arith.subf %gather3A_969, %gather3A_970 : vector<16xf32>
        %gather3A_972 = tpu.vector_load_idx %arg9[%get3A_957] : memref<512xf32, #tpu.memory_space<vmem>>[vector<16xi32>], vector<16xf32>,
        %gather3A_973 = tpu.vector_load_idx %arg9[%get3A_965] : memref<512xf32, #tpu.memory_space<vmem>>[vector<16xi32>], vector<16xf32>,
        %sub3A_974 = arith.subf %gather3A_972, %gather3A_973 : vector<16xf32>
        %mul3A_975 = arith.mulf %sub3A_968, %sub3A_968 : vector<16xf32>
        %mul3A_976 = arith.mulf %sub3A_971, %sub3A_971 : vector<16xf32>
        %add3A_977 = arith.addf %mul3A_975, %mul3A_976 : vector<16xf32>
        %mul3A_978 = arith.mulf %sub3A_974, %sub3A_974 : vector<16xf32>
        %add3A_979 = arith.addf %add3A_977, %mul3A_978 : vector<16xf32>
        %swap3A_980 = arith.constant 0 : i32
        %swap3A_981 = arith.constant 0 : i32
        %swap3A_982 = arith.constant 0 : i32
        %swap3A_983 = tpu.memref_slice %run_scoped3A_10[%rem3A_458, %swap3A_981, %swap3A_982] : memref<2x1x256xf32, #tpu.memory_space<vmem>> -> memref<1x1x256xf32, #tpu.memory_space<vmem>>
        %swap3A_984 = tpu.memref_squeeze %swap3A_983 : memref<1x1x256xf32, #tpu.memory_space<vmem>> -> memref<1x256xf32, #tpu.memory_space<vmem>>
        %swap3A_985 = arith.index_cast %swap3A_980 : i32 to index
        %swap3A_986 = arith.constant 208 : index
        %swap3A_987 = tpu.vector_load %swap3A_984[%swap3A_985, %swap3A_986] {strides = array<i32>} : memref<1x256xf32, #tpu.memory_space<vmem>>, vector<16xf32>,
        tpu.vector_store %swap3A_984[%swap3A_985, %swap3A_986], %add3A_979 {strides = array<i32>} : memref<1x256xf32, #tpu.memory_space<vmem>>, vector<16xf32>,
        %get3A_988 = arith.constant 0 : i32
        %get3A_989 = arith.constant 0 : i32
        %get3A_990 = arith.constant 0 : i32
        %get3A_991 = tpu.memref_slice %run_scoped3A[%rem3A_454, %get3A_989, %get3A_990] : memref<2x1x256xi32, #tpu.memory_space<vmem>> -> memref<1x1x256xi32, #tpu.memory_space<vmem>>
        %get3A_992 = tpu.memref_squeeze %get3A_991 : memref<1x1x256xi32, #tpu.memory_space<vmem>> -> memref<1x256xi32, #tpu.memory_space<vmem>>
        %get3A_993 = arith.index_cast %get3A_988 : i32 to index
        %get3A_994 = arith.constant 224 : index
        %get3A_995 = tpu.vector_load %get3A_992[%get3A_993, %get3A_994] {strides = array<i32>} : memref<1x256xi32, #tpu.memory_space<vmem>>, vector<16xi32>,
        %get3A_996 = arith.constant 0 : i32
        %get3A_997 = arith.constant 0 : i32
        %get3A_998 = arith.constant 0 : i32
        %get3A_999 = tpu.memref_slice %run_scoped3A_8[%rem3A_456, %get3A_997, %get3A_998] : memref<2x1x256xi32, #tpu.memory_space<vmem>> -> memref<1x1x256xi32, #tpu.memory_space<vmem>>
        %get3A_1000 = tpu.memref_squeeze %get3A_999 : memref<1x1x256xi32, #tpu.memory_space<vmem>> -> memref<1x256xi32, #tpu.memory_space<vmem>>
        %get3A_1001 = arith.index_cast %get3A_996 : i32 to index
        %get3A_1002 = arith.constant 224 : index
        %get3A_1003 = tpu.vector_load %get3A_1000[%get3A_1001, %get3A_1002] {strides = array<i32>} : memref<1x256xi32, #tpu.memory_space<vmem>>, vector<16xi32>,
        %gather3A_1004 = tpu.vector_load_idx %arg7[%get3A_995] : memref<512xf32, #tpu.memory_space<vmem>>[vector<16xi32>], vector<16xf32>,
        %gather3A_1005 = tpu.vector_load_idx %arg7[%get3A_1003] : memref<512xf32, #tpu.memory_space<vmem>>[vector<16xi32>], vector<16xf32>,
        %sub3A_1006 = arith.subf %gather3A_1004, %gather3A_1005 : vector<16xf32>
        %gather3A_1007 = tpu.vector_load_idx %arg8[%get3A_995] : memref<512xf32, #tpu.memory_space<vmem>>[vector<16xi32>], vector<16xf32>,
        %gather3A_1008 = tpu.vector_load_idx %arg8[%get3A_1003] : memref<512xf32, #tpu.memory_space<vmem>>[vector<16xi32>], vector<16xf32>,
        %sub3A_1009 = arith.subf %gather3A_1007, %gather3A_1008 : vector<16xf32>
        %gather3A_1010 = tpu.vector_load_idx %arg9[%get3A_995] : memref<512xf32, #tpu.memory_space<vmem>>[vector<16xi32>], vector<16xf32>,
        %gather3A_1011 = tpu.vector_load_idx %arg9[%get3A_1003] : memref<512xf32, #tpu.memory_space<vmem>>[vector<16xi32>], vector<16xf32>,
        %sub3A_1012 = arith.subf %gather3A_1010, %gather3A_1011 : vector<16xf32>
        %mul3A_1013 = arith.mulf %sub3A_1006, %sub3A_1006 : vector<16xf32>
        %mul3A_1014 = arith.mulf %sub3A_1009, %sub3A_1009 : vector<16xf32>
        %add3A_1015 = arith.addf %mul3A_1013, %mul3A_1014 : vector<16xf32>
        %mul3A_1016 = arith.mulf %sub3A_1012, %sub3A_1012 : vector<16xf32>
        %add3A_1017 = arith.addf %add3A_1015, %mul3A_1016 : vector<16xf32>
        %swap3A_1018 = arith.constant 0 : i32
        %swap3A_1019 = arith.constant 0 : i32
        %swap3A_1020 = arith.constant 0 : i32
        %swap3A_1021 = tpu.memref_slice %run_scoped3A_10[%rem3A_458, %swap3A_1019, %swap3A_1020] : memref<2x1x256xf32, #tpu.memory_space<vmem>> -> memref<1x1x256xf32, #tpu.memory_space<vmem>>
        %swap3A_1022 = tpu.memref_squeeze %swap3A_1021 : memref<1x1x256xf32, #tpu.memory_space<vmem>> -> memref<1x256xf32, #tpu.memory_space<vmem>>
        %swap3A_1023 = arith.index_cast %swap3A_1018 : i32 to index
        %swap3A_1024 = arith.constant 224 : index
        %swap3A_1025 = tpu.vector_load %swap3A_1022[%swap3A_1023, %swap3A_1024] {strides = array<i32>} : memref<1x256xf32, #tpu.memory_space<vmem>>, vector<16xf32>,
        tpu.vector_store %swap3A_1022[%swap3A_1023, %swap3A_1024], %add3A_1017 {strides = array<i32>} : memref<1x256xf32, #tpu.memory_space<vmem>>, vector<16xf32>,
        %get3A_1026 = arith.constant 0 : i32
        %get3A_1027 = arith.constant 0 : i32
        %get3A_1028 = arith.constant 0 : i32
        %get3A_1029 = tpu.memref_slice %run_scoped3A[%rem3A_454, %get3A_1027, %get3A_1028] : memref<2x1x256xi32, #tpu.memory_space<vmem>> -> memref<1x1x256xi32, #tpu.memory_space<vmem>>
        %get3A_1030 = tpu.memref_squeeze %get3A_1029 : memref<1x1x256xi32, #tpu.memory_space<vmem>> -> memref<1x256xi32, #tpu.memory_space<vmem>>
        %get3A_1031 = arith.index_cast %get3A_1026 : i32 to index
        %get3A_1032 = arith.constant 240 : index
        %get3A_1033 = tpu.vector_load %get3A_1030[%get3A_1031, %get3A_1032] {strides = array<i32>} : memref<1x256xi32, #tpu.memory_space<vmem>>, vector<16xi32>,
        %get3A_1034 = arith.constant 0 : i32
        %get3A_1035 = arith.constant 0 : i32
        %get3A_1036 = arith.constant 0 : i32
        %get3A_1037 = tpu.memref_slice %run_scoped3A_8[%rem3A_456, %get3A_1035, %get3A_1036] : memref<2x1x256xi32, #tpu.memory_space<vmem>> -> memref<1x1x256xi32, #tpu.memory_space<vmem>>
        %get3A_1038 = tpu.memref_squeeze %get3A_1037 : memref<1x1x256xi32, #tpu.memory_space<vmem>> -> memref<1x256xi32, #tpu.memory_space<vmem>>
        %get3A_1039 = arith.index_cast %get3A_1034 : i32 to index
        %get3A_1040 = arith.constant 240 : index
        %get3A_1041 = tpu.vector_load %get3A_1038[%get3A_1039, %get3A_1040] {strides = array<i32>} : memref<1x256xi32, #tpu.memory_space<vmem>>, vector<16xi32>,
        %gather3A_1042 = tpu.vector_load_idx %arg7[%get3A_1033] : memref<512xf32, #tpu.memory_space<vmem>>[vector<16xi32>], vector<16xf32>,
        %gather3A_1043 = tpu.vector_load_idx %arg7[%get3A_1041] : memref<512xf32, #tpu.memory_space<vmem>>[vector<16xi32>], vector<16xf32>,
        %sub3A_1044 = arith.subf %gather3A_1042, %gather3A_1043 : vector<16xf32>
        %gather3A_1045 = tpu.vector_load_idx %arg8[%get3A_1033] : memref<512xf32, #tpu.memory_space<vmem>>[vector<16xi32>], vector<16xf32>,
        %gather3A_1046 = tpu.vector_load_idx %arg8[%get3A_1041] : memref<512xf32, #tpu.memory_space<vmem>>[vector<16xi32>], vector<16xf32>,
        %sub3A_1047 = arith.subf %gather3A_1045, %gather3A_1046 : vector<16xf32>
        %gather3A_1048 = tpu.vector_load_idx %arg9[%get3A_1033] : memref<512xf32, #tpu.memory_space<vmem>>[vector<16xi32>], vector<16xf32>,
        %gather3A_1049 = tpu.vector_load_idx %arg9[%get3A_1041] : memref<512xf32, #tpu.memory_space<vmem>>[vector<16xi32>], vector<16xf32>,
        %sub3A_1050 = arith.subf %gather3A_1048, %gather3A_1049 : vector<16xf32>
        %mul3A_1051 = arith.mulf %sub3A_1044, %sub3A_1044 : vector<16xf32>
        %mul3A_1052 = arith.mulf %sub3A_1047, %sub3A_1047 : vector<16xf32>
        %add3A_1053 = arith.addf %mul3A_1051, %mul3A_1052 : vector<16xf32>
        %mul3A_1054 = arith.mulf %sub3A_1050, %sub3A_1050 : vector<16xf32>
        %add3A_1055 = arith.addf %add3A_1053, %mul3A_1054 : vector<16xf32>
        %swap3A_1056 = arith.constant 0 : i32
        %swap3A_1057 = arith.constant 0 : i32
        %swap3A_1058 = arith.constant 0 : i32
        %swap3A_1059 = tpu.memref_slice %run_scoped3A_10[%rem3A_458, %swap3A_1057, %swap3A_1058] : memref<2x1x256xf32, #tpu.memory_space<vmem>> -> memref<1x1x256xf32, #tpu.memory_space<vmem>>
        %swap3A_1060 = tpu.memref_squeeze %swap3A_1059 : memref<1x1x256xf32, #tpu.memory_space<vmem>> -> memref<1x256xf32, #tpu.memory_space<vmem>>
        %swap3A_1061 = arith.index_cast %swap3A_1056 : i32 to index
        %swap3A_1062 = arith.constant 240 : index
        %swap3A_1063 = tpu.vector_load %swap3A_1060[%swap3A_1061, %swap3A_1062] {strides = array<i32>} : memref<1x256xf32, #tpu.memory_space<vmem>>, vector<16xf32>,
        tpu.vector_store %swap3A_1060[%swap3A_1061, %swap3A_1062], %add3A_1055 {strides = array<i32>} : memref<1x256xf32, #tpu.memory_space<vmem>>, vector<16xf32>,
        "tpu.trace_stop"() : () -> ()
        %ne3A_1064 = arith.cmpi ne, %add3A_197, %add3A_215 : i32
        %or3A_1065 = arith.constant false
        %or3A_1066 = arith.ori %or3A_1065, %ne3A_1064 : i1
        %or3A_1067 = arith.ori %or3A_1066, %eq3A_196 : i1
        %convert_element_type3A_1068 = arith.extui %or3A_1067 : i1 to i32
        %cond3A_1069 = arith.constant 0 : i32
        %cond3A_1070 = arith.cmpi ne, %convert_element_type3A_1068, %cond3A_1069 : i32
        scf.if %cond3A_1070 {
        } else {
        }
        %and3A_1071 = arith.constant false
        %and3A_1072 = arith.andi %or3A_1067, %and3A_1071 : i1
        %add3A_1073 = arith.constant 1024 : i32
        %add3A_1074 = arith.addi %add3A_197, %add3A_1073 : i32
        %add3A_1075 = arith.constant 1024 : i32
        %add3A_1076 = arith.addi %add3A_215, %add3A_1075 : i32
        %ne3A_1077 = arith.cmpi ne, %add3A_1074, %add3A_1076 : i32
        %or3A_1078 = arith.constant false
        %or3A_1079 = arith.ori %or3A_1078, %ne3A_1077 : i1
        %or3A_1080 = arith.ori %or3A_1079, %eq3A_196 : i1
        %convert_element_type3A_1081 = arith.extui %or3A_1080 : i1 to i32
        %cond3A_1082 = arith.constant 0 : i32
        %cond3A_1083 = arith.cmpi ne, %convert_element_type3A_1081, %cond3A_1082 : i32
        scf.if %cond3A_1083 {
        } else {
        }
        %and3A_1084 = arith.constant false
        %and3A_1085 = arith.andi %or3A_1080, %and3A_1084 : i1
        %jit3A_1086 = arith.constant 32 : i32
        %div3A_1087 = arith.divsi %add3A_197, %jit3A_1086 : i32
        %sign3A_1088 = arith.constant 0 : i32
        %sign3A_1089 = arith.cmpi sgt, %add3A_197, %sign3A_1088 : i32
        %sign3A_1090 = arith.extui %sign3A_1089 : i1 to i32
        %sign3A_1091 = arith.constant 0 : i32
        %sign3A_1092 = arith.cmpi slt, %add3A_197, %sign3A_1091 : i32
        %sign3A_1093 = arith.extui %sign3A_1092 : i1 to i32
        %sign3A_1094 = arith.subi %sign3A_1090, %sign3A_1093 : i32
        %sign3A_1095 = arith.constant 0 : i32
        %sign3A_1096 = arith.cmpi sgt, %jit3A_1086, %sign3A_1095 : i32
        %sign3A_1097 = arith.extui %sign3A_1096 : i1 to i32
        %sign3A_1098 = arith.constant 0 : i32
        %sign3A_1099 = arith.cmpi slt, %jit3A_1086, %sign3A_1098 : i32
        %sign3A_1100 = arith.extui %sign3A_1099 : i1 to i32
        %sign3A_1101 = arith.subi %sign3A_1097, %sign3A_1100 : i32
        %ne3A_1102 = arith.cmpi ne, %sign3A_1094, %sign3A_1101 : i32
        %rem3A_1103 = arith.remsi %add3A_197, %jit3A_1086 : i32
        %ne3A_1104 = arith.constant 0 : i32
        %ne3A_1105 = arith.cmpi ne, %rem3A_1103, %ne3A_1104 : i32
        %and3A_1106 = arith.andi %ne3A_1102, %ne3A_1105 : i1
        %sub3A_1107 = arith.constant 1 : i32
        %sub3A_1108 = arith.subi %div3A_1087, %sub3A_1107 : i32
        %select_n3A_1109 = arith.select %and3A_1106, %sub3A_1108, %div3A_1087 : i32
        %jit3A_1110 = arith.constant 32 : i32
        %eq3A_1111 = arith.constant 0 : i32
        %eq3A_1112 = arith.cmpi eq, %jit3A_1110, %eq3A_1111 : i32
        %jit3A_1113 = arith.constant 1 : i32
        %select_n3A_1114 = arith.select %eq3A_1112, %jit3A_1113, %jit3A_1110 : i32
        %rem3A_1115 = arith.remsi %add3A_197, %select_n3A_1114 : i32
        %ne3A_1116 = arith.constant 0 : i32
        %ne3A_1117 = arith.cmpi ne, %rem3A_1115, %ne3A_1116 : i32
        %lt3A_1118 = arith.constant 0 : i32
        %lt3A_1119 = arith.cmpi slt, %rem3A_1115, %lt3A_1118 : i32
        %lt3A_1120 = arith.constant 0 : i32
        %lt3A_1121 = arith.cmpi slt, %select_n3A_1114, %lt3A_1120 : i32
        %ne3A_1122 = arith.xori %lt3A_1119, %lt3A_1121 : i1
        %and3A_1123 = arith.andi %ne3A_1122, %ne3A_1117 : i1
        %add3A_1124 = arith.addi %rem3A_1115, %select_n3A_1114 : i32
        %select_n3A_1125 = arith.select %and3A_1123, %add3A_1124, %rem3A_1115 : i32
        %jit3A_1126 = arith.constant 32 : i32
        %div3A_1127 = arith.divsi %add3A_215, %jit3A_1126 : i32
        %sign3A_1128 = arith.constant 0 : i32
        %sign3A_1129 = arith.cmpi sgt, %add3A_215, %sign3A_1128 : i32
        %sign3A_1130 = arith.extui %sign3A_1129 : i1 to i32
        %sign3A_1131 = arith.constant 0 : i32
        %sign3A_1132 = arith.cmpi slt, %add3A_215, %sign3A_1131 : i32
        %sign3A_1133 = arith.extui %sign3A_1132 : i1 to i32
        %sign3A_1134 = arith.subi %sign3A_1130, %sign3A_1133 : i32
        %sign3A_1135 = arith.constant 0 : i32
        %sign3A_1136 = arith.cmpi sgt, %jit3A_1126, %sign3A_1135 : i32
        %sign3A_1137 = arith.extui %sign3A_1136 : i1 to i32
        %sign3A_1138 = arith.constant 0 : i32
        %sign3A_1139 = arith.cmpi slt, %jit3A_1126, %sign3A_1138 : i32
        %sign3A_1140 = arith.extui %sign3A_1139 : i1 to i32
        %sign3A_1141 = arith.subi %sign3A_1137, %sign3A_1140 : i32
        %ne3A_1142 = arith.cmpi ne, %sign3A_1134, %sign3A_1141 : i32
        %rem3A_1143 = arith.remsi %add3A_215, %jit3A_1126 : i32
        %ne3A_1144 = arith.constant 0 : i32
        %ne3A_1145 = arith.cmpi ne, %rem3A_1143, %ne3A_1144 : i32
        %and3A_1146 = arith.andi %ne3A_1142, %ne3A_1145 : i1
        %sub3A_1147 = arith.constant 1 : i32
        %sub3A_1148 = arith.subi %div3A_1127, %sub3A_1147 : i32
        %select_n3A_1149 = arith.select %and3A_1146, %sub3A_1148, %div3A_1127 : i32
        %jit3A_1150 = arith.constant 32 : i32
        %eq3A_1151 = arith.constant 0 : i32
        %eq3A_1152 = arith.cmpi eq, %jit3A_1150, %eq3A_1151 : i32
        %jit3A_1153 = arith.constant 1 : i32
        %select_n3A_1154 = arith.select %eq3A_1152, %jit3A_1153, %jit3A_1150 : i32
        %rem3A_1155 = arith.remsi %add3A_215, %select_n3A_1154 : i32
        %ne3A_1156 = arith.constant 0 : i32
        %ne3A_1157 = arith.cmpi ne, %rem3A_1155, %ne3A_1156 : i32
        %lt3A_1158 = arith.constant 0 : i32
        %lt3A_1159 = arith.cmpi slt, %rem3A_1155, %lt3A_1158 : i32
        %lt3A_1160 = arith.constant 0 : i32
        %lt3A_1161 = arith.cmpi slt, %select_n3A_1154, %lt3A_1160 : i32
        %ne3A_1162 = arith.xori %lt3A_1159, %lt3A_1161 : i1
        %and3A_1163 = arith.andi %ne3A_1162, %ne3A_1157 : i1
        %add3A_1164 = arith.addi %rem3A_1155, %select_n3A_1154 : i32
        %select_n3A_1165 = arith.select %and3A_1163, %add3A_1164, %rem3A_1155 : i32
        %ne3A_1166 = arith.cmpi ne, %select_n3A_1109, %select_n3A_1149 : i32
        %ne3A_1167 = arith.cmpi ne, %select_n3A_1125, %select_n3A_1165 : i32
        %or3A_1168 = arith.constant false
        %or3A_1169 = arith.ori %or3A_1168, %ne3A_1166 : i1
        %or3A_1170 = arith.ori %or3A_1169, %ne3A_1167 : i1
        %or3A_1171 = arith.ori %or3A_1170, %eq3A_196 : i1
        %convert_element_type3A_1172 = arith.extui %or3A_1171 : i1 to i32
        %cond3A_1173 = arith.constant 0 : i32
        %cond3A_1174 = arith.cmpi ne, %convert_element_type3A_1172, %cond3A_1173 : i32
        scf.if %cond3A_1174 {
          "tpu.trace_start"() <{level = 10 : i32, message = "ep_copy_out"}> : () -> ()
          %rem3A_1328 = arith.constant 2 : i32
          %rem3A_1329 = arith.remui %scan3A_190, %rem3A_1328 : i32
          %jit3A_1330 = arith.constant 32 : i32
          %div3A_1331 = arith.divsi %add3A_197, %jit3A_1330 : i32
          %sign3A_1332 = arith.constant 0 : i32
          %sign3A_1333 = arith.cmpi sgt, %add3A_197, %sign3A_1332 : i32
          %sign3A_1334 = arith.extui %sign3A_1333 : i1 to i32
          %sign3A_1335 = arith.constant 0 : i32
          %sign3A_1336 = arith.cmpi slt, %add3A_197, %sign3A_1335 : i32
          %sign3A_1337 = arith.extui %sign3A_1336 : i1 to i32
          %sign3A_1338 = arith.subi %sign3A_1334, %sign3A_1337 : i32
          %sign3A_1339 = arith.constant 0 : i32
          %sign3A_1340 = arith.cmpi sgt, %jit3A_1330, %sign3A_1339 : i32
          %sign3A_1341 = arith.extui %sign3A_1340 : i1 to i32
          %sign3A_1342 = arith.constant 0 : i32
          %sign3A_1343 = arith.cmpi slt, %jit3A_1330, %sign3A_1342 : i32
          %sign3A_1344 = arith.extui %sign3A_1343 : i1 to i32
          %sign3A_1345 = arith.subi %sign3A_1341, %sign3A_1344 : i32
          %ne3A_1346 = arith.cmpi ne, %sign3A_1338, %sign3A_1345 : i32
          %rem3A_1347 = arith.remsi %add3A_197, %jit3A_1330 : i32
          %ne3A_1348 = arith.constant 0 : i32
          %ne3A_1349 = arith.cmpi ne, %rem3A_1347, %ne3A_1348 : i32
          %and3A_1350 = arith.andi %ne3A_1346, %ne3A_1349 : i1
          %sub3A_1351 = arith.constant 1 : i32
          %sub3A_1352 = arith.subi %div3A_1331, %sub3A_1351 : i32
          %select_n3A_1353 = arith.select %and3A_1350, %sub3A_1352, %div3A_1331 : i32
          %jit3A_1354 = arith.constant 32 : i32
          %eq3A_1355 = arith.constant 0 : i32
          %eq3A_1356 = arith.cmpi eq, %jit3A_1354, %eq3A_1355 : i32
          %jit3A_1357 = arith.constant 1 : i32
          %select_n3A_1358 = arith.select %eq3A_1356, %jit3A_1357, %jit3A_1354 : i32
          %rem3A_1359 = arith.remsi %add3A_197, %select_n3A_1358 : i32
          %ne3A_1360 = arith.constant 0 : i32
          %ne3A_1361 = arith.cmpi ne, %rem3A_1359, %ne3A_1360 : i32
          %lt3A_1362 = arith.constant 0 : i32
          %lt3A_1363 = arith.cmpi slt, %rem3A_1359, %lt3A_1362 : i32
          %lt3A_1364 = arith.constant 0 : i32
          %lt3A_1365 = arith.cmpi slt, %select_n3A_1358, %lt3A_1364 : i32
          %ne3A_1366 = arith.xori %lt3A_1363, %lt3A_1365 : i1
          %and3A_1367 = arith.andi %ne3A_1366, %ne3A_1361 : i1
          %add3A_1368 = arith.addi %rem3A_1359, %select_n3A_1358 : i32
          %select_n3A_1369 = arith.select %and3A_1367, %add3A_1368, %rem3A_1359 : i32
          %mul3A_1370 = arith.constant 1 : i32
          %mul3A_1371 = arith.muli %mul3A_1370, %select_n3A_1353 : i32
          %mul3A_1372 = arith.constant 256 : i32
          %mul3A_1373 = arith.muli %mul3A_1372, %select_n3A_1369 : i32
          %dma_start3A_1374 = arith.constant 0 : i32
          %dma_start3A_1375 = arith.constant 0 : i32
          %dma_start3A_1376 = tpu.memref_slice %run_scoped3A_10[%rem3A_1329, %dma_start3A_1374, %dma_start3A_1375] : memref<2x1x256xf32, #tpu.memory_space<vmem>> -> memref<1x1x256xf32, #tpu.memory_space<vmem>>
          %dma_start3A_1377 = tpu.memref_squeeze %dma_start3A_1376 : memref<1x1x256xf32, #tpu.memory_space<vmem>> -> memref<1x256xf32, #tpu.memory_space<vmem>>
          %dma_start3A_1378 = tpu.memref_slice %arg6[%mul3A_1371, %mul3A_1373] : memref<32x8192xf32, #tpu.memory_space<hbm>> -> memref<1x256xf32, #tpu.memory_space<hbm>>
          %dma_start3A_1379 = tpu.memref_slice %run_scoped3A_11[%rem3A_1329] : memref<2x!tpu.dma_semaphore, #tpu.memory_space<semaphore_mem>> -> memref<1x!tpu.dma_semaphore, #tpu.memory_space<semaphore_mem>>
          %dma_start3A_1380 = tpu.memref_squeeze %dma_start3A_1379 : memref<1x!tpu.dma_semaphore, #tpu.memory_space<semaphore_mem>> -> memref<!tpu.dma_semaphore, #tpu.memory_space<semaphore_mem>>
          %dma_start3A_1381 = tpu.memref_slice %arg6[%mul3A_1371, %mul3A_1373] : memref<32x8192xf32, #tpu.memory_space<hbm>> -> memref<1x256xf32, #tpu.memory_space<hbm>>
          %dma_start3A_1382 = arith.constant 0 : i32
          %dma_start3A_1383 = arith.constant 0 : i32
          %dma_start3A_1384 = tpu.memref_slice %run_scoped3A_10[%rem3A_1329, %dma_start3A_1382, %dma_start3A_1383] : memref<2x1x256xf32, #tpu.memory_space<vmem>> -> memref<1x1x256xf32, #tpu.memory_space<vmem>>
          %dma_start3A_1385 = tpu.memref_squeeze %dma_start3A_1384 : memref<1x1x256xf32, #tpu.memory_space<vmem>> -> memref<1x256xf32, #tpu.memory_space<vmem>>
          tpu.enqueue_dma source(%dma_start3A_1385 : memref<1x256xf32, #tpu.memory_space<vmem>>) target(%dma_start3A_1381 : memref<1x256xf32, #tpu.memory_space<hbm>>) target_semaphore(%dma_start3A_1380 : memref<!tpu.dma_semaphore, #tpu.memory_space<semaphore_mem>>)
          "tpu.trace_stop"() : () -> ()
        } else {
        }
        %and3A_1175 = arith.constant true
        %and3A_1176 = arith.andi %or3A_1171, %and3A_1175 : i1
        %add3A_1177 = arith.constant 1 : i32
        %add3A_1178 = arith.addi %scan3A_190, %add3A_1177 : i32
        %select_n3A_1179 = arith.select %and3A_1176, %add3A_1178, %scan3A_190 : i32
        %ne3A_1180 = arith.cmpi ne, %add3A_197, %add3A_206 : i32
        %or3A_1181 = arith.constant false
        %or3A_1182 = arith.ori %or3A_1181, %ne3A_1180 : i1
        %not3A_1183 = arith.constant true
        %not3A_1184 = arith.xori %eq3A_194, %not3A_1183 : i1
        %and3A_1185 = arith.andi %or3A_1182, %not3A_1184 : i1
        %convert_element_type3A_1186 = arith.extui %and3A_1185 : i1 to i32
        %cond3A_1187 = arith.constant 0 : i32
        %cond3A_1188 = arith.cmpi ne, %convert_element_type3A_1186, %cond3A_1187 : i32
        scf.if %cond3A_1188 {
        } else {
        }
        %and3A_1189 = arith.constant false
        %and3A_1190 = arith.andi %and3A_1185, %and3A_1189 : i1
        %add3A_1191 = arith.constant 1024 : i32
        %add3A_1192 = arith.addi %add3A_197, %add3A_1191 : i32
        %add3A_1193 = arith.constant 1024 : i32
        %add3A_1194 = arith.addi %add3A_206, %add3A_1193 : i32
        %ne3A_1195 = arith.cmpi ne, %add3A_1192, %add3A_1194 : i32
        %or3A_1196 = arith.constant false
        %or3A_1197 = arith.ori %or3A_1196, %ne3A_1195 : i1
        %not3A_1198 = arith.constant true
        %not3A_1199 = arith.xori %eq3A_194, %not3A_1198 : i1
        %and3A_1200 = arith.andi %or3A_1197, %not3A_1199 : i1
        %convert_element_type3A_1201 = arith.extui %and3A_1200 : i1 to i32
        %cond3A_1202 = arith.constant 0 : i32
        %cond3A_1203 = arith.cmpi ne, %convert_element_type3A_1201, %cond3A_1202 : i32
        scf.if %cond3A_1203 {
        } else {
        }
        %and3A_1204 = arith.constant false
        %and3A_1205 = arith.andi %and3A_1200, %and3A_1204 : i1
        %jit3A_1206 = arith.constant 32 : i32
        %div3A_1207 = arith.divsi %add3A_197, %jit3A_1206 : i32
        %sign3A_1208 = arith.constant 0 : i32
        %sign3A_1209 = arith.cmpi sgt, %add3A_197, %sign3A_1208 : i32
        %sign3A_1210 = arith.extui %sign3A_1209 : i1 to i32
        %sign3A_1211 = arith.constant 0 : i32
        %sign3A_1212 = arith.cmpi slt, %add3A_197, %sign3A_1211 : i32
        %sign3A_1213 = arith.extui %sign3A_1212 : i1 to i32
        %sign3A_1214 = arith.subi %sign3A_1210, %sign3A_1213 : i32
        %sign3A_1215 = arith.constant 0 : i32
        %sign3A_1216 = arith.cmpi sgt, %jit3A_1206, %sign3A_1215 : i32
        %sign3A_1217 = arith.extui %sign3A_1216 : i1 to i32
        %sign3A_1218 = arith.constant 0 : i32
        %sign3A_1219 = arith.cmpi slt, %jit3A_1206, %sign3A_1218 : i32
        %sign3A_1220 = arith.extui %sign3A_1219 : i1 to i32
        %sign3A_1221 = arith.subi %sign3A_1217, %sign3A_1220 : i32
        %ne3A_1222 = arith.cmpi ne, %sign3A_1214, %sign3A_1221 : i32
        %rem3A_1223 = arith.remsi %add3A_197, %jit3A_1206 : i32
        %ne3A_1224 = arith.constant 0 : i32
        %ne3A_1225 = arith.cmpi ne, %rem3A_1223, %ne3A_1224 : i32
        %and3A_1226 = arith.andi %ne3A_1222, %ne3A_1225 : i1
        %sub3A_1227 = arith.constant 1 : i32
        %sub3A_1228 = arith.subi %div3A_1207, %sub3A_1227 : i32
        %select_n3A_1229 = arith.select %and3A_1226, %sub3A_1228, %div3A_1207 : i32
        %jit3A_1230 = arith.constant 32 : i32
        %eq3A_1231 = arith.constant 0 : i32
        %eq3A_1232 = arith.cmpi eq, %jit3A_1230, %eq3A_1231 : i32
        %jit3A_1233 = arith.constant 1 : i32
        %select_n3A_1234 = arith.select %eq3A_1232, %jit3A_1233, %jit3A_1230 : i32
        %rem3A_1235 = arith.remsi %add3A_197, %select_n3A_1234 : i32
        %ne3A_1236 = arith.constant 0 : i32
        %ne3A_1237 = arith.cmpi ne, %rem3A_1235, %ne3A_1236 : i32
        %lt3A_1238 = arith.constant 0 : i32
        %lt3A_1239 = arith.cmpi slt, %rem3A_1235, %lt3A_1238 : i32
        %lt3A_1240 = arith.constant 0 : i32
        %lt3A_1241 = arith.cmpi slt, %select_n3A_1234, %lt3A_1240 : i32
        %ne3A_1242 = arith.xori %lt3A_1239, %lt3A_1241 : i1
        %and3A_1243 = arith.andi %ne3A_1242, %ne3A_1237 : i1
        %add3A_1244 = arith.addi %rem3A_1235, %select_n3A_1234 : i32
        %select_n3A_1245 = arith.select %and3A_1243, %add3A_1244, %rem3A_1235 : i32
        %jit3A_1246 = arith.constant 32 : i32
        %div3A_1247 = arith.divsi %add3A_206, %jit3A_1246 : i32
        %sign3A_1248 = arith.constant 0 : i32
        %sign3A_1249 = arith.cmpi sgt, %add3A_206, %sign3A_1248 : i32
        %sign3A_1250 = arith.extui %sign3A_1249 : i1 to i32
        %sign3A_1251 = arith.constant 0 : i32
        %sign3A_1252 = arith.cmpi slt, %add3A_206, %sign3A_1251 : i32
        %sign3A_1253 = arith.extui %sign3A_1252 : i1 to i32
        %sign3A_1254 = arith.subi %sign3A_1250, %sign3A_1253 : i32
        %sign3A_1255 = arith.constant 0 : i32
        %sign3A_1256 = arith.cmpi sgt, %jit3A_1246, %sign3A_1255 : i32
        %sign3A_1257 = arith.extui %sign3A_1256 : i1 to i32
        %sign3A_1258 = arith.constant 0 : i32
        %sign3A_1259 = arith.cmpi slt, %jit3A_1246, %sign3A_1258 : i32
        %sign3A_1260 = arith.extui %sign3A_1259 : i1 to i32
        %sign3A_1261 = arith.subi %sign3A_1257, %sign3A_1260 : i32
        %ne3A_1262 = arith.cmpi ne, %sign3A_1254, %sign3A_1261 : i32
        %rem3A_1263 = arith.remsi %add3A_206, %jit3A_1246 : i32
        %ne3A_1264 = arith.constant 0 : i32
        %ne3A_1265 = arith.cmpi ne, %rem3A_1263, %ne3A_1264 : i32
        %and3A_1266 = arith.andi %ne3A_1262, %ne3A_1265 : i1
        %sub3A_1267 = arith.constant 1 : i32
        %sub3A_1268 = arith.subi %div3A_1247, %sub3A_1267 : i32
        %select_n3A_1269 = arith.select %and3A_1266, %sub3A_1268, %div3A_1247 : i32
        %jit3A_1270 = arith.constant 32 : i32
        %eq3A_1271 = arith.constant 0 : i32
        %eq3A_1272 = arith.cmpi eq, %jit3A_1270, %eq3A_1271 : i32
        %jit3A_1273 = arith.constant 1 : i32
        %select_n3A_1274 = arith.select %eq3A_1272, %jit3A_1273, %jit3A_1270 : i32
        %rem3A_1275 = arith.remsi %add3A_206, %select_n3A_1274 : i32
        %ne3A_1276 = arith.constant 0 : i32
        %ne3A_1277 = arith.cmpi ne, %rem3A_1275, %ne3A_1276 : i32
        %lt3A_1278 = arith.constant 0 : i32
        %lt3A_1279 = arith.cmpi slt, %rem3A_1275, %lt3A_1278 : i32
        %lt3A_1280 = arith.constant 0 : i32
        %lt3A_1281 = arith.cmpi slt, %select_n3A_1274, %lt3A_1280 : i32
        %ne3A_1282 = arith.xori %lt3A_1279, %lt3A_1281 : i1
        %and3A_1283 = arith.andi %ne3A_1282, %ne3A_1277 : i1
        %add3A_1284 = arith.addi %rem3A_1275, %select_n3A_1274 : i32
        %select_n3A_1285 = arith.select %and3A_1283, %add3A_1284, %rem3A_1275 : i32
        %ne3A_1286 = arith.cmpi ne, %select_n3A_1229, %select_n3A_1269 : i32
        %ne3A_1287 = arith.cmpi ne, %select_n3A_1245, %select_n3A_1285 : i32
        %or3A_1288 = arith.constant false
        %or3A_1289 = arith.ori %or3A_1288, %ne3A_1286 : i1
        %or3A_1290 = arith.ori %or3A_1289, %ne3A_1287 : i1
        %not3A_1291 = arith.constant true
        %not3A_1292 = arith.xori %eq3A_194, %not3A_1291 : i1
        %and3A_1293 = arith.andi %or3A_1290, %not3A_1292 : i1
        %convert_element_type3A_1294 = arith.extui %and3A_1293 : i1 to i32
        %cond3A_1295 = arith.constant 0 : i32
        %cond3A_1296 = arith.cmpi ne, %convert_element_type3A_1294, %cond3A_1295 : i32
        scf.if %cond3A_1296 {
          "tpu.trace_start"() <{level = 10 : i32, message = "ep_wait_out"}> : () -> ()
          %rem3A_1328 = arith.constant 2 : i32
          %rem3A_1329 = arith.remui %scan3A_191, %rem3A_1328 : i32
          %jit3A_1330 = arith.constant 32 : i32
          %div3A_1331 = arith.divsi %add3A_206, %jit3A_1330 : i32
          %sign3A_1332 = arith.constant 0 : i32
          %sign3A_1333 = arith.cmpi sgt, %add3A_206, %sign3A_1332 : i32
          %sign3A_1334 = arith.extui %sign3A_1333 : i1 to i32
          %sign3A_1335 = arith.constant 0 : i32
          %sign3A_1336 = arith.cmpi slt, %add3A_206, %sign3A_1335 : i32
          %sign3A_1337 = arith.extui %sign3A_1336 : i1 to i32
          %sign3A_1338 = arith.subi %sign3A_1334, %sign3A_1337 : i32
          %sign3A_1339 = arith.constant 0 : i32
          %sign3A_1340 = arith.cmpi sgt, %jit3A_1330, %sign3A_1339 : i32
          %sign3A_1341 = arith.extui %sign3A_1340 : i1 to i32
          %sign3A_1342 = arith.constant 0 : i32
          %sign3A_1343 = arith.cmpi slt, %jit3A_1330, %sign3A_1342 : i32
          %sign3A_1344 = arith.extui %sign3A_1343 : i1 to i32
          %sign3A_1345 = arith.subi %sign3A_1341, %sign3A_1344 : i32
          %ne3A_1346 = arith.cmpi ne, %sign3A_1338, %sign3A_1345 : i32
          %rem3A_1347 = arith.remsi %add3A_206, %jit3A_1330 : i32
          %ne3A_1348 = arith.constant 0 : i32
          %ne3A_1349 = arith.cmpi ne, %rem3A_1347, %ne3A_1348 : i32
          %and3A_1350 = arith.andi %ne3A_1346, %ne3A_1349 : i1
          %sub3A_1351 = arith.constant 1 : i32
          %sub3A_1352 = arith.subi %div3A_1331, %sub3A_1351 : i32
          %select_n3A_1353 = arith.select %and3A_1350, %sub3A_1352, %div3A_1331 : i32
          %jit3A_1354 = arith.constant 32 : i32
          %eq3A_1355 = arith.constant 0 : i32
          %eq3A_1356 = arith.cmpi eq, %jit3A_1354, %eq3A_1355 : i32
          %jit3A_1357 = arith.constant 1 : i32
          %select_n3A_1358 = arith.select %eq3A_1356, %jit3A_1357, %jit3A_1354 : i32
          %rem3A_1359 = arith.remsi %add3A_206, %select_n3A_1358 : i32
          %ne3A_1360 = arith.constant 0 : i32
          %ne3A_1361 = arith.cmpi ne, %rem3A_1359, %ne3A_1360 : i32
          %lt3A_1362 = arith.constant 0 : i32
          %lt3A_1363 = arith.cmpi slt, %rem3A_1359, %lt3A_1362 : i32
          %lt3A_1364 = arith.constant 0 : i32
          %lt3A_1365 = arith.cmpi slt, %select_n3A_1358, %lt3A_1364 : i32
          %ne3A_1366 = arith.xori %lt3A_1363, %lt3A_1365 : i1
          %and3A_1367 = arith.andi %ne3A_1366, %ne3A_1361 : i1
          %add3A_1368 = arith.addi %rem3A_1359, %select_n3A_1358 : i32
          %select_n3A_1369 = arith.select %and3A_1367, %add3A_1368, %rem3A_1359 : i32
          %mul3A_1370 = arith.constant 1 : i32
          %mul3A_1371 = arith.muli %mul3A_1370, %select_n3A_1353 : i32
          %mul3A_1372 = arith.constant 256 : i32
          %mul3A_1373 = arith.muli %mul3A_1372, %select_n3A_1369 : i32
          %dma_wait3A_1374 = arith.constant 0 : i32
          %dma_wait3A_1375 = arith.constant 0 : i32
          %dma_wait3A_1376 = tpu.memref_slice %run_scoped3A_10[%rem3A_1329, %dma_wait3A_1374, %dma_wait3A_1375] : memref<2x1x256xf32, #tpu.memory_space<vmem>> -> memref<1x1x256xf32, #tpu.memory_space<vmem>>
          %dma_wait3A_1377 = tpu.memref_squeeze %dma_wait3A_1376 : memref<1x1x256xf32, #tpu.memory_space<vmem>> -> memref<1x256xf32, #tpu.memory_space<vmem>>
          %dma_wait3A_1378 = tpu.memref_slice %arg6[%mul3A_1371, %mul3A_1373] : memref<32x8192xf32, #tpu.memory_space<hbm>> -> memref<1x256xf32, #tpu.memory_space<hbm>>
          %dma_wait3A_1379 = tpu.memref_slice %run_scoped3A_11[%rem3A_1329] : memref<2x!tpu.dma_semaphore, #tpu.memory_space<semaphore_mem>> -> memref<1x!tpu.dma_semaphore, #tpu.memory_space<semaphore_mem>>
          %dma_wait3A_1380 = tpu.memref_squeeze %dma_wait3A_1379 : memref<1x!tpu.dma_semaphore, #tpu.memory_space<semaphore_mem>> -> memref<!tpu.dma_semaphore, #tpu.memory_space<semaphore_mem>>
          %dma_wait3A_1381 = tpu.memref_slice %arg6[%mul3A_1371, %mul3A_1373] : memref<32x8192xf32, #tpu.memory_space<hbm>> -> memref<1x256xf32, #tpu.memory_space<hbm>>
          %dma_wait3A_1382 = arith.constant 0 : i32
          %dma_wait3A_1383 = arith.constant 0 : i32
          %dma_wait3A_1384 = tpu.memref_slice %run_scoped3A_10[%rem3A_1329, %dma_wait3A_1382, %dma_wait3A_1383] : memref<2x1x256xf32, #tpu.memory_space<vmem>> -> memref<1x1x256xf32, #tpu.memory_space<vmem>>
          %dma_wait3A_1385 = tpu.memref_squeeze %dma_wait3A_1384 : memref<1x1x256xf32, #tpu.memory_space<vmem>> -> memref<1x256xf32, #tpu.memory_space<vmem>>
          tpu.wait_dma2 semaphore(%dma_wait3A_1380 : memref<!tpu.dma_semaphore, #tpu.memory_space<semaphore_mem>>) src(%dma_wait3A_1385 : memref<1x256xf32, #tpu.memory_space<vmem>>) dst(%dma_wait3A_1381 : memref<1x256xf32, #tpu.memory_space<hbm>>)
          "tpu.trace_stop"() : () -> ()
        } else {
        }
        %and3A_1297 = arith.constant true
        %and3A_1298 = arith.andi %and3A_1293, %and3A_1297 : i1
        %add3A_1299 = arith.constant 1 : i32
        %add3A_1300 = arith.addi %scan3A_191, %add3A_1299 : i32
        %select_n3A_1301 = arith.select %and3A_1298, %add3A_1300, %scan3A_191 : i32
        %ne3A_1302 = arith.cmpi ne, %add3A_197, %add3A_215 : i32
        %or3A_1303 = arith.constant false
        %or3A_1304 = arith.ori %or3A_1303, %ne3A_1302 : i1
        %or3A_1305 = arith.ori %or3A_1304, %eq3A_196 : i1
        %add3A_1306 = arith.constant 1 : i32
        %add3A_1307 = arith.addi %scan3A_187, %add3A_1306 : i32
        %select_n3A_1308 = arith.select %or3A_1305, %add3A_1307, %scan3A_187 : i32
        %add3A_1309 = arith.constant 1024 : i32
        %add3A_1310 = arith.addi %add3A_197, %add3A_1309 : i32
        %add3A_1311 = arith.constant 1024 : i32
        %add3A_1312 = arith.addi %add3A_215, %add3A_1311 : i32
        %ne3A_1313 = arith.cmpi ne, %add3A_1310, %add3A_1312 : i32
        %or3A_1314 = arith.constant false
        %or3A_1315 = arith.ori %or3A_1314, %ne3A_1313 : i1
        %or3A_1316 = arith.ori %or3A_1315, %eq3A_196 : i1
        %add3A_1317 = arith.constant 1 : i32
        %add3A_1318 = arith.addi %scan3A_189, %add3A_1317 : i32
        %select_n3A_1319 = arith.select %or3A_1316, %add3A_1318, %scan3A_189 : i32
        %add3A_1320 = arith.constant 1 : i32
        %add3A_1321 = arith.addi %scan3A_192, %add3A_1320 : i32
        %select_n3A_1322 = arith.constant true
        %select_n3A_1323 = arith.select %select_n3A_1322, %add3A_1321, %scan3A_192 : i32
        %eq3A_1324 = arith.constant 32 : i32
        %eq3A_1325 = arith.cmpi eq, %select_n3A_1323, %eq3A_1324 : i32
        %select_n3A_1326 = arith.constant 0 : i32
        %select_n3A_1327 = arith.select %eq3A_1325, %select_n3A_1326, %select_n3A_1323 : i32
        scf.yield %select_n3A_235, %select_n3A_1308, %select_n3A_255, %select_n3A_1319, %select_n3A_1179, %select_n3A_1301, %select_n3A_1327 : i32, i32, i32, i32, i32, i32, i32
      }
      %scan3A_98 = arith.constant 32 : i32
      %sub3A = arith.constant 1 : i32
      %sub3A_99 = arith.subi %scan3A_97#6, %sub3A : i32
      %select_n3A_100 = arith.constant true
      %select_n3A_101 = arith.select %select_n3A_100, %sub3A_99, %scan3A_97#6 : i32
      %eq3A_102 = arith.constant -1 : i32
      %eq3A_103 = arith.cmpi eq, %select_n3A_101, %eq3A_102 : i32
      %select_n3A_104 = arith.constant 31 : i32
      %select_n3A_105 = arith.select %eq3A_103, %select_n3A_104, %select_n3A_101 : i32
      %add3A_106 = arith.addi %select_n3A_105, %mul3A_6 : i32
      %sub3A_107 = arith.constant 1 : i32
      %sub3A_108 = arith.subi %select_n3A_105, %sub3A_107 : i32
      %select_n3A_109 = arith.constant true
      %select_n3A_110 = arith.select %select_n3A_109, %sub3A_108, %select_n3A_105 : i32
      %eq3A_111 = arith.constant -1 : i32
      %eq3A_112 = arith.cmpi eq, %select_n3A_110, %eq3A_111 : i32
      %select_n3A_113 = arith.constant 31 : i32
      %select_n3A_114 = arith.select %eq3A_112, %select_n3A_113, %select_n3A_110 : i32
      %add3A_115 = arith.addi %select_n3A_114, %mul3A_6 : i32
      %add3A_116 = arith.constant 1 : i32
      %add3A_117 = arith.addi %select_n3A_105, %add3A_116 : i32
      %select_n3A_118 = arith.constant true
      %select_n3A_119 = arith.select %select_n3A_118, %add3A_117, %select_n3A_105 : i32
      %eq3A_120 = arith.constant 32 : i32
      %eq3A_121 = arith.cmpi eq, %select_n3A_119, %eq3A_120 : i32
      %select_n3A_122 = arith.constant 0 : i32
      %select_n3A_123 = arith.select %eq3A_121, %select_n3A_122, %select_n3A_119 : i32
      %add3A_124 = arith.addi %select_n3A_123, %mul3A_6 : i32
      %add3A_125 = arith.constant 1 : i32
      %add3A_126 = arith.addi %select_n3A_123, %add3A_125 : i32
      %select_n3A_127 = arith.constant true
      %select_n3A_128 = arith.select %select_n3A_127, %add3A_126, %select_n3A_123 : i32
      %eq3A_129 = arith.constant 32 : i32
      %eq3A_130 = arith.cmpi eq, %select_n3A_128, %eq3A_129 : i32
      %select_n3A_131 = arith.constant 0 : i32
      %select_n3A_132 = arith.select %eq3A_130, %select_n3A_131, %select_n3A_128 : i32
      %add3A_133 = arith.addi %select_n3A_132, %mul3A_6 : i32
      "tpu.trace_start"() <{level = 10 : i32, message = "ep_finalize"}> : () -> ()
      %rem3A_134 = arith.constant 2 : i32
      %rem3A_135 = arith.remui %scan3A_97#5, %rem3A_134 : i32
      %jit3A = arith.constant 32 : i32
      %div3A = arith.divsi %add3A_106, %jit3A : i32
      %sign3A = arith.constant 0 : i32
      %sign3A_136 = arith.cmpi sgt, %add3A_106, %sign3A : i32
      %sign3A_137 = arith.extui %sign3A_136 : i1 to i32
      %sign3A_138 = arith.constant 0 : i32
      %sign3A_139 = arith.cmpi slt, %add3A_106, %sign3A_138 : i32
      %sign3A_140 = arith.extui %sign3A_139 : i1 to i32
      %sign3A_141 = arith.subi %sign3A_137, %sign3A_140 : i32
      %sign3A_142 = arith.constant 0 : i32
      %sign3A_143 = arith.cmpi sgt, %jit3A, %sign3A_142 : i32
      %sign3A_144 = arith.extui %sign3A_143 : i1 to i32
      %sign3A_145 = arith.constant 0 : i32
      %sign3A_146 = arith.cmpi slt, %jit3A, %sign3A_145 : i32
      %sign3A_147 = arith.extui %sign3A_146 : i1 to i32
      %sign3A_148 = arith.subi %sign3A_144, %sign3A_147 : i32
      %ne3A = arith.cmpi ne, %sign3A_141, %sign3A_148 : i32
      %rem3A_149 = arith.remsi %add3A_106, %jit3A : i32
      %ne3A_150 = arith.constant 0 : i32
      %ne3A_151 = arith.cmpi ne, %rem3A_149, %ne3A_150 : i32
      %and3A = arith.andi %ne3A, %ne3A_151 : i1
      %sub3A_152 = arith.constant 1 : i32
      %sub3A_153 = arith.subi %div3A, %sub3A_152 : i32
      %select_n3A_154 = arith.select %and3A, %sub3A_153, %div3A : i32
      %jit3A_155 = arith.constant 32 : i32
      %eq3A_156 = arith.constant 0 : i32
      %eq3A_157 = arith.cmpi eq, %jit3A_155, %eq3A_156 : i32
      %jit3A_158 = arith.constant 1 : i32
      %select_n3A_159 = arith.select %eq3A_157, %jit3A_158, %jit3A_155 : i32
      %rem3A_160 = arith.remsi %add3A_106, %select_n3A_159 : i32
      %ne3A_161 = arith.constant 0 : i32
      %ne3A_162 = arith.cmpi ne, %rem3A_160, %ne3A_161 : i32
      %lt3A = arith.constant 0 : i32
      %lt3A_163 = arith.cmpi slt, %rem3A_160, %lt3A : i32
      %lt3A_164 = arith.constant 0 : i32
      %lt3A_165 = arith.cmpi slt, %select_n3A_159, %lt3A_164 : i32
      %ne3A_166 = arith.xori %lt3A_163, %lt3A_165 : i1
      %and3A_167 = arith.andi %ne3A_166, %ne3A_162 : i1
      %add3A_168 = arith.addi %rem3A_160, %select_n3A_159 : i32
      %select_n3A_169 = arith.select %and3A_167, %add3A_168, %rem3A_160 : i32
      %mul3A_170 = arith.constant 1 : i32
      %mul3A_171 = arith.muli %mul3A_170, %select_n3A_154 : i32
      %mul3A_172 = arith.constant 256 : i32
      %mul3A_173 = arith.muli %mul3A_172, %select_n3A_169 : i32
      %dma_wait3A = arith.constant 0 : i32
      %dma_wait3A_174 = arith.constant 0 : i32
      %dma_wait3A_175 = tpu.memref_slice %run_scoped3A_10[%rem3A_135, %dma_wait3A, %dma_wait3A_174] : memref<2x1x256xf32, #tpu.memory_space<vmem>> -> memref<1x1x256xf32, #tpu.memory_space<vmem>>
      %dma_wait3A_176 = tpu.memref_squeeze %dma_wait3A_175 : memref<1x1x256xf32, #tpu.memory_space<vmem>> -> memref<1x256xf32, #tpu.memory_space<vmem>>
      %dma_wait3A_177 = tpu.memref_slice %arg6[%mul3A_171, %mul3A_173] : memref<32x8192xf32, #tpu.memory_space<hbm>> -> memref<1x256xf32, #tpu.memory_space<hbm>>
      %dma_wait3A_178 = tpu.memref_slice %run_scoped3A_11[%rem3A_135] : memref<2x!tpu.dma_semaphore, #tpu.memory_space<semaphore_mem>> -> memref<1x!tpu.dma_semaphore, #tpu.memory_space<semaphore_mem>>
      %dma_wait3A_179 = tpu.memref_squeeze %dma_wait3A_178 : memref<1x!tpu.dma_semaphore, #tpu.memory_space<semaphore_mem>> -> memref<!tpu.dma_semaphore, #tpu.memory_space<semaphore_mem>>
      %dma_wait3A_180 = tpu.memref_slice %arg6[%mul3A_171, %mul3A_173] : memref<32x8192xf32, #tpu.memory_space<hbm>> -> memref<1x256xf32, #tpu.memory_space<hbm>>
      %dma_wait3A_181 = arith.constant 0 : i32
      %dma_wait3A_182 = arith.constant 0 : i32
      %dma_wait3A_183 = tpu.memref_slice %run_scoped3A_10[%rem3A_135, %dma_wait3A_181, %dma_wait3A_182] : memref<2x1x256xf32, #tpu.memory_space<vmem>> -> memref<1x1x256xf32, #tpu.memory_space<vmem>>
      %dma_wait3A_184 = tpu.memref_squeeze %dma_wait3A_183 : memref<1x1x256xf32, #tpu.memory_space<vmem>> -> memref<1x256xf32, #tpu.memory_space<vmem>>
      tpu.wait_dma2 semaphore(%dma_wait3A_179 : memref<!tpu.dma_semaphore, #tpu.memory_space<semaphore_mem>>) src(%dma_wait3A_184 : memref<1x256xf32, #tpu.memory_space<vmem>>) dst(%dma_wait3A_180 : memref<1x256xf32, #tpu.memory_space<hbm>>)
      "tpu.trace_stop"() : () -> ()
      tpu.yield
    }) : () -> ()
    return
  }
}

module attributes {stable_mosaic.version = 14 : i64} {
  func.func @_mlp_t_kernel(%arg0: memref<64x512xf32, #tpu.memory_space<vmem>>, %arg1: memref<128x64xf32, #tpu.memory_space<vmem>>, %arg2: memref<128x1xf32, #tpu.memory_space<vmem>>, %arg3: memref<128x128xf32, #tpu.memory_space<vmem>>, %arg4: memref<128x1xf32, #tpu.memory_space<vmem>>, %arg5: memref<128x512xf32, #tpu.memory_space<vmem>>) attributes {dimension_semantics = [], scalar_prefetch = 0 : i64, scratch_operands = 0 : i64, tpu.core_type = #tpu.core_type<tc>} {
    %get3A = arith.constant 0 : index
    %get3A_0 = arith.constant 0 : index
    %get3A_1 = vector.load %arg1[%get3A, %get3A_0] : memref<128x64xf32, #tpu.memory_space<vmem>>, vector<128x64xf32>
    %get3A_2 = arith.constant 0 : index
    %get3A_3 = arith.constant 0 : index
    %get3A_4 = vector.load %arg0[%get3A_2, %get3A_3] : memref<64x512xf32, #tpu.memory_space<vmem>>, vector<64x512xf32>
    %dot_general3A = arith.constant dense<0.000000e+00> : vector<128x512xf32>
    %dot_general3A_5 = tpu.matmul %get3A_1, %get3A_4, %dot_general3A {dimension_numbers = #tpu.dot_dimension_numbers<[1], [0], [0], [1], [0, 0, 1, 1], [], []>, transpose_lhs_hint = false} : vector<128x64xf32>, vector<64x512xf32>, vector<128x512xf32> -> vector<128x512xf32>
    %get3A_6 = arith.constant 0 : index
    %get3A_7 = arith.constant 0 : index
    %get3A_8 = vector.load %arg2[%get3A_6, %get3A_7] : memref<128x1xf32, #tpu.memory_space<vmem>>, vector<128x1xf32>
    %add3A = vector.broadcast %get3A_8 : vector<128x1xf32> to vector<128x512xf32>
    %add3A_9 = arith.addf %dot_general3A_5, %add3A : vector<128x512xf32>
    %max3A = arith.constant 0.000000e+00 : f32
    %max3A_10 = vector.broadcast %max3A : f32 to vector<128x512xf32>
    %max3A_11 = arith.maximumf %add3A_9, %max3A_10 : vector<128x512xf32>
    %get3A_12 = arith.constant 0 : index
    %get3A_13 = arith.constant 0 : index
    %get3A_14 = vector.load %arg3[%get3A_12, %get3A_13] : memref<128x128xf32, #tpu.memory_space<vmem>>, vector<128x128xf32>
    %dot_general3A_15 = arith.constant dense<0.000000e+00> : vector<128x512xf32>
    %dot_general3A_16 = tpu.matmul %get3A_14, %max3A_11, %dot_general3A_15 {dimension_numbers = #tpu.dot_dimension_numbers<[1], [0], [0], [1], [0, 0, 1, 1], [], []>, transpose_lhs_hint = false} : vector<128x128xf32>, vector<128x512xf32>, vector<128x512xf32> -> vector<128x512xf32>
    %get3A_17 = arith.constant 0 : index
    %get3A_18 = arith.constant 0 : index
    %get3A_19 = vector.load %arg4[%get3A_17, %get3A_18] : memref<128x1xf32, #tpu.memory_space<vmem>>, vector<128x1xf32>
    %add3A_20 = vector.broadcast %get3A_19 : vector<128x1xf32> to vector<128x512xf32>
    %add3A_21 = arith.addf %dot_general3A_16, %add3A_20 : vector<128x512xf32>
    %swap3A = arith.constant 0 : index
    %swap3A_22 = arith.constant 0 : index
    %swap3A_23 = vector.load %arg5[%swap3A, %swap3A_22] : memref<128x512xf32, #tpu.memory_space<vmem>>, vector<128x512xf32>
    tpu.vector_store %arg5[%swap3A, %swap3A_22], %add3A_21 {strides = array<i32>} : memref<128x512xf32, #tpu.memory_space<vmem>>, vector<128x512xf32>,
    return
  }
}

module attributes {stable_mosaic.version = 14 : i64} {
  func.func @_edge_kernel(%arg0: i32, %arg1: memref<128x512xf32, #tpu.memory_space<vmem>>, %arg2: memref<4x512xf32, #tpu.memory_space<vmem>>, %arg3: memref<32x8192xf32, #tpu.memory_space<vmem>>, %arg4: memref<16x8192xbf16, #tpu.memory_space<vmem>>, %arg5: memref<128x128xbf16, #tpu.memory_space<vmem>>, %arg6: memref<128x128xbf16, #tpu.memory_space<vmem>>, %arg7: memref<128x1xf32, #tpu.memory_space<vmem>>, %arg8: memref<128x1xf32, #tpu.memory_space<vmem>>, %arg9: memref<128x128xbf16, #tpu.memory_space<vmem>>, %arg10: memref<128x1xf32, #tpu.memory_space<vmem>>, %arg11: memref<1x128xbf16, #tpu.memory_space<vmem>>, %arg12: memref<1x1xf32, #tpu.memory_space<vmem>>, %arg13: memref<128x128xbf16, #tpu.memory_space<vmem>>, %arg14: memref<128x1xf32, #tpu.memory_space<vmem>>, %arg15: memref<1x128xbf16, #tpu.memory_space<vmem>>, %arg16: memref<1x1xf32, #tpu.memory_space<vmem>>, %arg17: memref<128x512xf32, #tpu.memory_space<vmem>>, %arg18: memref<4x512xf32, #tpu.memory_space<vmem>>) attributes {dimension_semantics = [#tpu.dimension_semantics<arbitrary>], iteration_bounds = array<i64: 32>, scalar_prefetch = 0 : i64, scratch_operands = 0 : i64, tpu.core_type = #tpu.core_type<tc>, window_params = [{pipeline_mode = #tpu.pipeline_mode<synchronous>, transform_indices = @transform_0, window_bounds = array<i64: 128, 512>}, {pipeline_mode = #tpu.pipeline_mode<synchronous>, transform_indices = @transform_1, window_bounds = array<i64: 4, 512>}, {pipeline_mode = #tpu.pipeline_mode<synchronous>, transform_indices = @transform_2, window_bounds = array<i64: 32, 8192>}, {pipeline_mode = #tpu.pipeline_mode<synchronous>, transform_indices = @transform_3, window_bounds = array<i64: 16, 8192>}, {pipeline_mode = #tpu.pipeline_mode<synchronous>, transform_indices = @transform_4, window_bounds = array<i64: 128, 128>}, {pipeline_mode = #tpu.pipeline_mode<synchronous>, transform_indices = @transform_5, window_bounds = array<i64: 128, 128>}, {pipeline_mode = #tpu.pipeline_mode<synchronous>, transform_indices = @transform_6, window_bounds = array<i64: 128, 1>}, {pipeline_mode = #tpu.pipeline_mode<synchronous>, transform_indices = @transform_7, window_bounds = array<i64: 128, 1>}, {pipeline_mode = #tpu.pipeline_mode<synchronous>, transform_indices = @transform_8, window_bounds = array<i64: 128, 128>}, {pipeline_mode = #tpu.pipeline_mode<synchronous>, transform_indices = @transform_9, window_bounds = array<i64: 128, 1>}, {pipeline_mode = #tpu.pipeline_mode<synchronous>, transform_indices = @transform_10, window_bounds = array<i64: 1, 128>}, {pipeline_mode = #tpu.pipeline_mode<synchronous>, transform_indices = @transform_11, window_bounds = array<i64: 1, 1>}, {pipeline_mode = #tpu.pipeline_mode<synchronous>, transform_indices = @transform_12, window_bounds = array<i64: 128, 128>}, {pipeline_mode = #tpu.pipeline_mode<synchronous>, transform_indices = @transform_13, window_bounds = array<i64: 128, 1>}, {pipeline_mode = #tpu.pipeline_mode<synchronous>, transform_indices = @transform_14, window_bounds = array<i64: 1, 128>}, {pipeline_mode = #tpu.pipeline_mode<synchronous>, transform_indices = @transform_15, window_bounds = array<i64: 1, 1>}, {pipeline_mode = #tpu.pipeline_mode<synchronous>, transform_indices = @transform_16, window_bounds = array<i64: 128, 512>}, {pipeline_mode = #tpu.pipeline_mode<synchronous>, transform_indices = @transform_17, window_bounds = array<i64: 4, 512>}]} {
    %get3A = arith.constant 0 : index
    %get3A_0 = arith.constant 0 : index
    %get3A_1 = vector.load %arg1[%get3A, %get3A_0] : memref<128x512xf32, #tpu.memory_space<vmem>>, vector<128x512xf32>
    %convert_element_type3A = arith.truncf %get3A_1 : vector<128x512xf32> to vector<128x512xbf16>
    %get3A_2 = arith.constant 0 : index
    %get3A_3 = arith.constant 0 : index
    %get3A_4 = vector.load %arg5[%get3A_2, %get3A_3] : memref<128x128xbf16, #tpu.memory_space<vmem>>, vector<128x128xbf16>
    %dot_general3A = arith.constant dense<0.000000e+00> : vector<128x512xf32>
    %dot_general3A_5 = tpu.matmul %get3A_4, %convert_element_type3A, %dot_general3A {dimension_numbers = #tpu.dot_dimension_numbers<[1], [0], [0], [1], [0, 0, 1, 1], [], []>, transpose_lhs_hint = false} : vector<128x128xbf16>, vector<128x512xbf16>, vector<128x512xf32> -> vector<128x512xf32>
    %get3A_6 = arith.constant 0 : index
    %get3A_7 = arith.constant 0 : index
    %get3A_8 = vector.load %arg8[%get3A_6, %get3A_7] : memref<128x1xf32, #tpu.memory_space<vmem>>, vector<128x1xf32>
    %add3A = vector.broadcast %get3A_8 : vector<128x1xf32> to vector<128x512xf32>
    %add3A_9 = arith.addf %dot_general3A_5, %add3A : vector<128x512xf32>
    %iota3A = tpu.iota {dimensions = array<i32: 0>} : vector<512x16xi32>
    %mul3A = arith.constant 16 : i32
    %mul3A_10 = arith.muli %mul3A, %arg0 : i32
    %iota3A_11 = tpu.iota {dimensions = array<i32: 1>} : vector<512x16xi32>
    %add3A_12 = vector.broadcast %mul3A_10 : i32 to vector<512x16xi32>
    %add3A_13 = arith.addi %add3A_12, %iota3A_11 : vector<512x16xi32>
    %eq3A = arith.cmpi eq, %iota3A, %add3A_13 : vector<512x16xi32>
    %convert_element_type3A_14 = arith.extui %eq3A : vector<512x16xi1> to vector<512x16xi32>
    %convert_element_type3A_15 = arith.sitofp %convert_element_type3A_14 : vector<512x16xi32> to vector<512x16xf32>
    %convert_element_type3A_16 = arith.truncf %convert_element_type3A_15 : vector<512x16xf32> to vector<512x16xbf16>
    %dot_general3A_17 = arith.constant dense<0.000000e+00> : vector<128x16xf32>
    %dot_general3A_18 = tpu.matmul %convert_element_type3A, %convert_element_type3A_16, %dot_general3A_17 {dimension_numbers = #tpu.dot_dimension_numbers<[1], [0], [0], [1], [0, 0, 1, 1], [], []>, transpose_lhs_hint = false} : vector<128x512xbf16>, vector<512x16xbf16>, vector<128x16xf32> -> vector<128x16xf32>
    %convert_element_type3A_19 = arith.truncf %dot_general3A_18 : vector<128x16xf32> to vector<128x16xbf16>
    %get3A_20 = arith.constant 0 : index
    %get3A_21 = arith.constant 0 : index
    %get3A_22 = vector.load %arg6[%get3A_20, %get3A_21] : memref<128x128xbf16, #tpu.memory_space<vmem>>, vector<128x128xbf16>
    %dot_general3A_23 = arith.constant dense<0.000000e+00> : vector<128x16xf32>
    %dot_general3A_24 = tpu.matmul %get3A_22, %convert_element_type3A_19, %dot_general3A_23 {dimension_numbers = #tpu.dot_dimension_numbers<[1], [0], [0], [1], [0, 0, 1, 1], [], []>, transpose_lhs_hint = false} : vector<128x128xbf16>, vector<128x16xbf16>, vector<128x16xf32> -> vector<128x16xf32>
    %convert_element_type3A_25 = arith.truncf %dot_general3A_24 : vector<128x16xf32> to vector<128x16xbf16>
    %get3A_26 = arith.constant 0 : index
    %get3A_27 = arith.constant 0 : index
    %get3A_28 = vector.load %arg2[%get3A_26, %get3A_27] : memref<4x512xf32, #tpu.memory_space<vmem>>, vector<4x512xf32>
    %convert_element_type3A_29 = arith.truncf %get3A_28 : vector<4x512xf32> to vector<4x512xbf16>
    %dot_general3A_30 = arith.constant dense<0.000000e+00> : vector<4x16xf32>
    %dot_general3A_31 = tpu.matmul %convert_element_type3A_29, %convert_element_type3A_16, %dot_general3A_30 {dimension_numbers = #tpu.dot_dimension_numbers<[1], [0], [0], [1], [0, 0, 1, 1], [], []>, transpose_lhs_hint = false} : vector<4x512xbf16>, vector<512x16xbf16>, vector<4x16xf32> -> vector<4x16xf32>
    %get3A_32 = arith.index_cast %arg0 : i32 to index
    %get3A_33 = arith.constant 0 : index
    %get3A_34 = vector.load %arg3[%get3A_32, %get3A_33] : memref<32x8192xf32, #tpu.memory_space<vmem>>, vector<1x8192xf32>
    %sqrt3A = math.sqrt %get3A_34 : vector<1x8192xf32>
    %concatenate3A = tpu.concatenate %add3A_9, %add3A_9, %add3A_9, %add3A_9, %add3A_9, %add3A_9, %add3A_9, %add3A_9, %add3A_9, %add3A_9, %add3A_9, %add3A_9, %add3A_9, %add3A_9, %add3A_9, %add3A_9 in 1 : vector<128x512xf32>, vector<128x512xf32>, vector<128x512xf32>, vector<128x512xf32>, vector<128x512xf32>, vector<128x512xf32>, vector<128x512xf32>, vector<128x512xf32>, vector<128x512xf32>, vector<128x512xf32>, vector<128x512xf32>, vector<128x512xf32>, vector<128x512xf32>, vector<128x512xf32>, vector<128x512xf32>, vector<128x512xf32> -> vector<128x8192xf32>
    %get3A_35 = arith.constant 0 : index
    %get3A_36 = arith.constant 0 : index
    %get3A_37 = vector.load %arg4[%get3A_35, %get3A_36] : memref<16x8192xbf16, #tpu.memory_space<vmem>>, vector<16x8192xbf16>
    %dot_general3A_38 = arith.constant dense<0.000000e+00> : vector<128x8192xf32>
    %dot_general3A_39 = tpu.matmul %convert_element_type3A_25, %get3A_37, %dot_general3A_38 {dimension_numbers = #tpu.dot_dimension_numbers<[1], [0], [0], [1], [0, 0, 1, 1], [], []>, transpose_lhs_hint = false} : vector<128x16xbf16>, vector<16x8192xbf16>, vector<128x8192xf32> -> vector<128x8192xf32>
    %add3A_40 = arith.addf %concatenate3A, %dot_general3A_39 : vector<128x8192xf32>
    %get3A_41 = arith.constant 0 : index
    %get3A_42 = arith.constant 0 : index
    %get3A_43 = vector.load %arg7[%get3A_41, %get3A_42] : memref<128x1xf32, #tpu.memory_space<vmem>>, vector<128x1xf32>
    %mul3A_44 = vector.broadcast %get3A_43 : vector<128x1xf32> to vector<128x8192xf32>
    %mul3A_45 = vector.broadcast %sqrt3A : vector<1x8192xf32> to vector<128x8192xf32>
    %mul3A_46 = arith.mulf %mul3A_44, %mul3A_45 : vector<128x8192xf32>
    %add3A_47 = arith.addf %add3A_40, %mul3A_46 : vector<128x8192xf32>
    %max3A = arith.constant 0.000000e+00 : f32
    %max3A_48 = vector.broadcast %max3A : f32 to vector<128x8192xf32>
    %max3A_49 = arith.maximumf %add3A_47, %max3A_48 : vector<128x8192xf32>
    %convert_element_type3A_50 = arith.truncf %max3A_49 : vector<128x8192xf32> to vector<128x8192xbf16>
    %get3A_51 = arith.constant 0 : index
    %get3A_52 = arith.constant 0 : index
    %get3A_53 = vector.load %arg9[%get3A_51, %get3A_52] : memref<128x128xbf16, #tpu.memory_space<vmem>>, vector<128x128xbf16>
    %dot_general3A_54 = arith.constant dense<0.000000e+00> : vector<128x8192xf32>
    %dot_general3A_55 = tpu.matmul %get3A_53, %convert_element_type3A_50, %dot_general3A_54 {dimension_numbers = #tpu.dot_dimension_numbers<[1], [0], [0], [1], [0, 0, 1, 1], [], []>, transpose_lhs_hint = false} : vector<128x128xbf16>, vector<128x8192xbf16>, vector<128x8192xf32> -> vector<128x8192xf32>
    %get3A_56 = arith.constant 0 : index
    %get3A_57 = arith.constant 0 : index
    %get3A_58 = vector.load %arg10[%get3A_56, %get3A_57] : memref<128x1xf32, #tpu.memory_space<vmem>>, vector<128x1xf32>
    %add3A_59 = vector.broadcast %get3A_58 : vector<128x1xf32> to vector<128x8192xf32>
    %add3A_60 = arith.addf %dot_general3A_55, %add3A_59 : vector<128x8192xf32>
    %get3A_61 = arith.constant 0 : index
    %get3A_62 = arith.constant 0 : index
    %get3A_63 = vector.load %arg11[%get3A_61, %get3A_62] : memref<1x128xbf16, #tpu.memory_space<vmem>>, vector<1x128xbf16>
    %dot_general3A_64 = arith.constant dense<0.000000e+00> : vector<1x8192xf32>
    %dot_general3A_65 = tpu.matmul %get3A_63, %convert_element_type3A_50, %dot_general3A_64 {dimension_numbers = #tpu.dot_dimension_numbers<[1], [0], [0], [1], [0, 0, 1, 1], [], []>, transpose_lhs_hint = false} : vector<1x128xbf16>, vector<128x8192xbf16>, vector<1x8192xf32> -> vector<1x8192xf32>
    %get3A_66 = arith.constant 0 : index
    %get3A_67 = arith.constant 0 : index
    %get3A_68 = vector.load %arg12[%get3A_66, %get3A_67] : memref<1x1xf32, #tpu.memory_space<vmem>>, vector<1x1xf32>
    %add3A_69 = vector.broadcast %get3A_68 : vector<1x1xf32> to vector<1x8192xf32>
    %add3A_70 = arith.addf %dot_general3A_65, %add3A_69 : vector<1x8192xf32>
    %logistic3A = arith.negf %add3A_70 : vector<1x8192xf32>
    %logistic3A_71 = math.exp %logistic3A : vector<1x8192xf32>
    %logistic3A_72 = arith.constant 1.000000e+00 : f32
    %logistic3A_73 = vector.broadcast %logistic3A_72 : f32 to vector<1x8192xf32>
    %logistic3A_74 = arith.addf %logistic3A_73, %logistic3A_71 : vector<1x8192xf32>
    %logistic3A_75 = arith.divf %logistic3A_73, %logistic3A_74 : vector<1x8192xf32>
    %mul3A_76 = vector.broadcast %logistic3A_75 : vector<1x8192xf32> to vector<128x8192xf32>
    %mul3A_77 = arith.mulf %add3A_60, %mul3A_76 : vector<128x8192xf32>
    %get3A_78 = arith.constant 0 : index
    %get3A_79 = arith.constant 0 : index
    %get3A_80 = vector.load %arg13[%get3A_78, %get3A_79] : memref<128x128xbf16, #tpu.memory_space<vmem>>, vector<128x128xbf16>
    %convert_element_type3A_81 = arith.truncf %mul3A_77 : vector<128x8192xf32> to vector<128x8192xbf16>
    %dot_general3A_82 = arith.constant dense<0.000000e+00> : vector<128x8192xf32>
    %dot_general3A_83 = tpu.matmul %get3A_80, %convert_element_type3A_81, %dot_general3A_82 {dimension_numbers = #tpu.dot_dimension_numbers<[1], [0], [0], [1], [0, 0, 1, 1], [], []>, transpose_lhs_hint = false} : vector<128x128xbf16>, vector<128x8192xbf16>, vector<128x8192xf32> -> vector<128x8192xf32>
    %get3A_84 = arith.constant 0 : index
    %get3A_85 = arith.constant 0 : index
    %get3A_86 = vector.load %arg14[%get3A_84, %get3A_85] : memref<128x1xf32, #tpu.memory_space<vmem>>, vector<128x1xf32>
    %add3A_87 = vector.broadcast %get3A_86 : vector<128x1xf32> to vector<128x8192xf32>
    %add3A_88 = arith.addf %dot_general3A_83, %add3A_87 : vector<128x8192xf32>
    %max3A_89 = arith.constant 0.000000e+00 : f32
    %max3A_90 = vector.broadcast %max3A_89 : f32 to vector<128x8192xf32>
    %max3A_91 = arith.maximumf %add3A_88, %max3A_90 : vector<128x8192xf32>
    %get3A_92 = arith.constant 0 : index
    %get3A_93 = arith.constant 0 : index
    %get3A_94 = vector.load %arg15[%get3A_92, %get3A_93] : memref<1x128xbf16, #tpu.memory_space<vmem>>, vector<1x128xbf16>
    %convert_element_type3A_95 = arith.truncf %max3A_91 : vector<128x8192xf32> to vector<128x8192xbf16>
    %dot_general3A_96 = arith.constant dense<0.000000e+00> : vector<1x8192xf32>
    %dot_general3A_97 = tpu.matmul %get3A_94, %convert_element_type3A_95, %dot_general3A_96 {dimension_numbers = #tpu.dot_dimension_numbers<[1], [0], [0], [1], [0, 0, 1, 1], [], []>, transpose_lhs_hint = false} : vector<1x128xbf16>, vector<128x8192xbf16>, vector<1x8192xf32> -> vector<1x8192xf32>
    %get3A_98 = arith.constant 0 : index
    %get3A_99 = arith.constant 0 : index
    %get3A_100 = vector.load %arg16[%get3A_98, %get3A_99] : memref<1x1xf32, #tpu.memory_space<vmem>>, vector<1x1xf32>
    %add3A_101 = vector.broadcast %get3A_100 : vector<1x1xf32> to vector<1x8192xf32>
    %add3A_102 = arith.addf %dot_general3A_97, %add3A_101 : vector<1x8192xf32>
    %broadcast_in_dim3A = arith.constant 0.000000e+00 : f32
    %broadcast_in_dim3A_103 = vector.broadcast %broadcast_in_dim3A : f32 to vector<128x512xf32>
    %broadcast_in_dim3A_104 = arith.constant 0.000000e+00 : f32
    %broadcast_in_dim3A_105 = vector.broadcast %broadcast_in_dim3A_104 : f32 to vector<4x512xf32>
    %slice3A = vector.extract_strided_slice %mul3A_77 {offsets = [0, 0], sizes = [128, 512], strides = [1, 1]} : vector<128x8192xf32> to vector<128x512xf32>
    %add3A_106 = arith.addf %broadcast_in_dim3A_103, %slice3A : vector<128x512xf32>
    %slice3A_107 = vector.extract_strided_slice %dot_general3A_31 {offsets = [0, 0], sizes = [4, 1], strides = [1, 1]} : vector<4x16xf32> to vector<4x1xf32>
    %slice3A_108 = vector.extract_strided_slice %add3A_102 {offsets = [0, 0], sizes = [1, 512], strides = [1, 1]} : vector<1x8192xf32> to vector<1x512xf32>
    %mul3A_109 = vector.broadcast %slice3A_107 : vector<4x1xf32> to vector<4x512xf32>
    %mul3A_110 = vector.broadcast %slice3A_108 : vector<1x512xf32> to vector<4x512xf32>
    %mul3A_111 = arith.mulf %mul3A_109, %mul3A_110 : vector<4x512xf32>
    %add3A_112 = arith.addf %broadcast_in_dim3A_105, %mul3A_111 : vector<4x512xf32>
    %slice3A_113 = vector.extract_strided_slice %mul3A_77 {offsets = [0, 512], sizes = [128, 512], strides = [1, 1]} : vector<128x8192xf32> to vector<128x512xf32>
    %add3A_114 = arith.addf %add3A_106, %slice3A_113 : vector<128x512xf32>
    %slice3A_115 = vector.extract_strided_slice %dot_general3A_31 {offsets = [0, 1], sizes = [4, 1], strides = [1, 1]} : vector<4x16xf32> to vector<4x1xf32>
    %slice3A_116 = vector.extract_strided_slice %add3A_102 {offsets = [0, 512], sizes = [1, 512], strides = [1, 1]} : vector<1x8192xf32> to vector<1x512xf32>
    %mul3A_117 = vector.broadcast %slice3A_115 : vector<4x1xf32> to vector<4x512xf32>
    %mul3A_118 = vector.broadcast %slice3A_116 : vector<1x512xf32> to vector<4x512xf32>
    %mul3A_119 = arith.mulf %mul3A_117, %mul3A_118 : vector<4x512xf32>
    %add3A_120 = arith.addf %add3A_112, %mul3A_119 : vector<4x512xf32>
    %slice3A_121 = vector.extract_strided_slice %mul3A_77 {offsets = [0, 1024], sizes = [128, 512], strides = [1, 1]} : vector<128x8192xf32> to vector<128x512xf32>
    %add3A_122 = arith.addf %add3A_114, %slice3A_121 : vector<128x512xf32>
    %slice3A_123 = vector.extract_strided_slice %dot_general3A_31 {offsets = [0, 2], sizes = [4, 1], strides = [1, 1]} : vector<4x16xf32> to vector<4x1xf32>
    %slice3A_124 = vector.extract_strided_slice %add3A_102 {offsets = [0, 1024], sizes = [1, 512], strides = [1, 1]} : vector<1x8192xf32> to vector<1x512xf32>
    %mul3A_125 = vector.broadcast %slice3A_123 : vector<4x1xf32> to vector<4x512xf32>
    %mul3A_126 = vector.broadcast %slice3A_124 : vector<1x512xf32> to vector<4x512xf32>
    %mul3A_127 = arith.mulf %mul3A_125, %mul3A_126 : vector<4x512xf32>
    %add3A_128 = arith.addf %add3A_120, %mul3A_127 : vector<4x512xf32>
    %slice3A_129 = vector.extract_strided_slice %mul3A_77 {offsets = [0, 1536], sizes = [128, 512], strides = [1, 1]} : vector<128x8192xf32> to vector<128x512xf32>
    %add3A_130 = arith.addf %add3A_122, %slice3A_129 : vector<128x512xf32>
    %slice3A_131 = vector.extract_strided_slice %dot_general3A_31 {offsets = [0, 3], sizes = [4, 1], strides = [1, 1]} : vector<4x16xf32> to vector<4x1xf32>
    %slice3A_132 = vector.extract_strided_slice %add3A_102 {offsets = [0, 1536], sizes = [1, 512], strides = [1, 1]} : vector<1x8192xf32> to vector<1x512xf32>
    %mul3A_133 = vector.broadcast %slice3A_131 : vector<4x1xf32> to vector<4x512xf32>
    %mul3A_134 = vector.broadcast %slice3A_132 : vector<1x512xf32> to vector<4x512xf32>
    %mul3A_135 = arith.mulf %mul3A_133, %mul3A_134 : vector<4x512xf32>
    %add3A_136 = arith.addf %add3A_128, %mul3A_135 : vector<4x512xf32>
    %slice3A_137 = vector.extract_strided_slice %mul3A_77 {offsets = [0, 2048], sizes = [128, 512], strides = [1, 1]} : vector<128x8192xf32> to vector<128x512xf32>
    %add3A_138 = arith.addf %add3A_130, %slice3A_137 : vector<128x512xf32>
    %slice3A_139 = vector.extract_strided_slice %dot_general3A_31 {offsets = [0, 4], sizes = [4, 1], strides = [1, 1]} : vector<4x16xf32> to vector<4x1xf32>
    %slice3A_140 = vector.extract_strided_slice %add3A_102 {offsets = [0, 2048], sizes = [1, 512], strides = [1, 1]} : vector<1x8192xf32> to vector<1x512xf32>
    %mul3A_141 = vector.broadcast %slice3A_139 : vector<4x1xf32> to vector<4x512xf32>
    %mul3A_142 = vector.broadcast %slice3A_140 : vector<1x512xf32> to vector<4x512xf32>
    %mul3A_143 = arith.mulf %mul3A_141, %mul3A_142 : vector<4x512xf32>
    %add3A_144 = arith.addf %add3A_136, %mul3A_143 : vector<4x512xf32>
    %slice3A_145 = vector.extract_strided_slice %mul3A_77 {offsets = [0, 2560], sizes = [128, 512], strides = [1, 1]} : vector<128x8192xf32> to vector<128x512xf32>
    %add3A_146 = arith.addf %add3A_138, %slice3A_145 : vector<128x512xf32>
    %slice3A_147 = vector.extract_strided_slice %dot_general3A_31 {offsets = [0, 5], sizes = [4, 1], strides = [1, 1]} : vector<4x16xf32> to vector<4x1xf32>
    %slice3A_148 = vector.extract_strided_slice %add3A_102 {offsets = [0, 2560], sizes = [1, 512], strides = [1, 1]} : vector<1x8192xf32> to vector<1x512xf32>
    %mul3A_149 = vector.broadcast %slice3A_147 : vector<4x1xf32> to vector<4x512xf32>
    %mul3A_150 = vector.broadcast %slice3A_148 : vector<1x512xf32> to vector<4x512xf32>
    %mul3A_151 = arith.mulf %mul3A_149, %mul3A_150 : vector<4x512xf32>
    %add3A_152 = arith.addf %add3A_144, %mul3A_151 : vector<4x512xf32>
    %slice3A_153 = vector.extract_strided_slice %mul3A_77 {offsets = [0, 3072], sizes = [128, 512], strides = [1, 1]} : vector<128x8192xf32> to vector<128x512xf32>
    %add3A_154 = arith.addf %add3A_146, %slice3A_153 : vector<128x512xf32>
    %slice3A_155 = vector.extract_strided_slice %dot_general3A_31 {offsets = [0, 6], sizes = [4, 1], strides = [1, 1]} : vector<4x16xf32> to vector<4x1xf32>
    %slice3A_156 = vector.extract_strided_slice %add3A_102 {offsets = [0, 3072], sizes = [1, 512], strides = [1, 1]} : vector<1x8192xf32> to vector<1x512xf32>
    %mul3A_157 = vector.broadcast %slice3A_155 : vector<4x1xf32> to vector<4x512xf32>
    %mul3A_158 = vector.broadcast %slice3A_156 : vector<1x512xf32> to vector<4x512xf32>
    %mul3A_159 = arith.mulf %mul3A_157, %mul3A_158 : vector<4x512xf32>
    %add3A_160 = arith.addf %add3A_152, %mul3A_159 : vector<4x512xf32>
    %slice3A_161 = vector.extract_strided_slice %mul3A_77 {offsets = [0, 3584], sizes = [128, 512], strides = [1, 1]} : vector<128x8192xf32> to vector<128x512xf32>
    %add3A_162 = arith.addf %add3A_154, %slice3A_161 : vector<128x512xf32>
    %slice3A_163 = vector.extract_strided_slice %dot_general3A_31 {offsets = [0, 7], sizes = [4, 1], strides = [1, 1]} : vector<4x16xf32> to vector<4x1xf32>
    %slice3A_164 = vector.extract_strided_slice %add3A_102 {offsets = [0, 3584], sizes = [1, 512], strides = [1, 1]} : vector<1x8192xf32> to vector<1x512xf32>
    %mul3A_165 = vector.broadcast %slice3A_163 : vector<4x1xf32> to vector<4x512xf32>
    %mul3A_166 = vector.broadcast %slice3A_164 : vector<1x512xf32> to vector<4x512xf32>
    %mul3A_167 = arith.mulf %mul3A_165, %mul3A_166 : vector<4x512xf32>
    %add3A_168 = arith.addf %add3A_160, %mul3A_167 : vector<4x512xf32>
    %slice3A_169 = vector.extract_strided_slice %mul3A_77 {offsets = [0, 4096], sizes = [128, 512], strides = [1, 1]} : vector<128x8192xf32> to vector<128x512xf32>
    %add3A_170 = arith.addf %add3A_162, %slice3A_169 : vector<128x512xf32>
    %slice3A_171 = vector.extract_strided_slice %dot_general3A_31 {offsets = [0, 8], sizes = [4, 1], strides = [1, 1]} : vector<4x16xf32> to vector<4x1xf32>
    %slice3A_172 = vector.extract_strided_slice %add3A_102 {offsets = [0, 4096], sizes = [1, 512], strides = [1, 1]} : vector<1x8192xf32> to vector<1x512xf32>
    %mul3A_173 = vector.broadcast %slice3A_171 : vector<4x1xf32> to vector<4x512xf32>
    %mul3A_174 = vector.broadcast %slice3A_172 : vector<1x512xf32> to vector<4x512xf32>
    %mul3A_175 = arith.mulf %mul3A_173, %mul3A_174 : vector<4x512xf32>
    %add3A_176 = arith.addf %add3A_168, %mul3A_175 : vector<4x512xf32>
    %slice3A_177 = vector.extract_strided_slice %mul3A_77 {offsets = [0, 4608], sizes = [128, 512], strides = [1, 1]} : vector<128x8192xf32> to vector<128x512xf32>
    %add3A_178 = arith.addf %add3A_170, %slice3A_177 : vector<128x512xf32>
    %slice3A_179 = vector.extract_strided_slice %dot_general3A_31 {offsets = [0, 9], sizes = [4, 1], strides = [1, 1]} : vector<4x16xf32> to vector<4x1xf32>
    %slice3A_180 = vector.extract_strided_slice %add3A_102 {offsets = [0, 4608], sizes = [1, 512], strides = [1, 1]} : vector<1x8192xf32> to vector<1x512xf32>
    %mul3A_181 = vector.broadcast %slice3A_179 : vector<4x1xf32> to vector<4x512xf32>
    %mul3A_182 = vector.broadcast %slice3A_180 : vector<1x512xf32> to vector<4x512xf32>
    %mul3A_183 = arith.mulf %mul3A_181, %mul3A_182 : vector<4x512xf32>
    %add3A_184 = arith.addf %add3A_176, %mul3A_183 : vector<4x512xf32>
    %slice3A_185 = vector.extract_strided_slice %mul3A_77 {offsets = [0, 5120], sizes = [128, 512], strides = [1, 1]} : vector<128x8192xf32> to vector<128x512xf32>
    %add3A_186 = arith.addf %add3A_178, %slice3A_185 : vector<128x512xf32>
    %slice3A_187 = vector.extract_strided_slice %dot_general3A_31 {offsets = [0, 10], sizes = [4, 1], strides = [1, 1]} : vector<4x16xf32> to vector<4x1xf32>
    %slice3A_188 = vector.extract_strided_slice %add3A_102 {offsets = [0, 5120], sizes = [1, 512], strides = [1, 1]} : vector<1x8192xf32> to vector<1x512xf32>
    %mul3A_189 = vector.broadcast %slice3A_187 : vector<4x1xf32> to vector<4x512xf32>
    %mul3A_190 = vector.broadcast %slice3A_188 : vector<1x512xf32> to vector<4x512xf32>
    %mul3A_191 = arith.mulf %mul3A_189, %mul3A_190 : vector<4x512xf32>
    %add3A_192 = arith.addf %add3A_184, %mul3A_191 : vector<4x512xf32>
    %slice3A_193 = vector.extract_strided_slice %mul3A_77 {offsets = [0, 5632], sizes = [128, 512], strides = [1, 1]} : vector<128x8192xf32> to vector<128x512xf32>
    %add3A_194 = arith.addf %add3A_186, %slice3A_193 : vector<128x512xf32>
    %slice3A_195 = vector.extract_strided_slice %dot_general3A_31 {offsets = [0, 11], sizes = [4, 1], strides = [1, 1]} : vector<4x16xf32> to vector<4x1xf32>
    %slice3A_196 = vector.extract_strided_slice %add3A_102 {offsets = [0, 5632], sizes = [1, 512], strides = [1, 1]} : vector<1x8192xf32> to vector<1x512xf32>
    %mul3A_197 = vector.broadcast %slice3A_195 : vector<4x1xf32> to vector<4x512xf32>
    %mul3A_198 = vector.broadcast %slice3A_196 : vector<1x512xf32> to vector<4x512xf32>
    %mul3A_199 = arith.mulf %mul3A_197, %mul3A_198 : vector<4x512xf32>
    %add3A_200 = arith.addf %add3A_192, %mul3A_199 : vector<4x512xf32>
    %slice3A_201 = vector.extract_strided_slice %mul3A_77 {offsets = [0, 6144], sizes = [128, 512], strides = [1, 1]} : vector<128x8192xf32> to vector<128x512xf32>
    %add3A_202 = arith.addf %add3A_194, %slice3A_201 : vector<128x512xf32>
    %slice3A_203 = vector.extract_strided_slice %dot_general3A_31 {offsets = [0, 12], sizes = [4, 1], strides = [1, 1]} : vector<4x16xf32> to vector<4x1xf32>
    %slice3A_204 = vector.extract_strided_slice %add3A_102 {offsets = [0, 6144], sizes = [1, 512], strides = [1, 1]} : vector<1x8192xf32> to vector<1x512xf32>
    %mul3A_205 = vector.broadcast %slice3A_203 : vector<4x1xf32> to vector<4x512xf32>
    %mul3A_206 = vector.broadcast %slice3A_204 : vector<1x512xf32> to vector<4x512xf32>
    %mul3A_207 = arith.mulf %mul3A_205, %mul3A_206 : vector<4x512xf32>
    %add3A_208 = arith.addf %add3A_200, %mul3A_207 : vector<4x512xf32>
    %slice3A_209 = vector.extract_strided_slice %mul3A_77 {offsets = [0, 6656], sizes = [128, 512], strides = [1, 1]} : vector<128x8192xf32> to vector<128x512xf32>
    %add3A_210 = arith.addf %add3A_202, %slice3A_209 : vector<128x512xf32>
    %slice3A_211 = vector.extract_strided_slice %dot_general3A_31 {offsets = [0, 13], sizes = [4, 1], strides = [1, 1]} : vector<4x16xf32> to vector<4x1xf32>
    %slice3A_212 = vector.extract_strided_slice %add3A_102 {offsets = [0, 6656], sizes = [1, 512], strides = [1, 1]} : vector<1x8192xf32> to vector<1x512xf32>
    %mul3A_213 = vector.broadcast %slice3A_211 : vector<4x1xf32> to vector<4x512xf32>
    %mul3A_214 = vector.broadcast %slice3A_212 : vector<1x512xf32> to vector<4x512xf32>
    %mul3A_215 = arith.mulf %mul3A_213, %mul3A_214 : vector<4x512xf32>
    %add3A_216 = arith.addf %add3A_208, %mul3A_215 : vector<4x512xf32>
    %slice3A_217 = vector.extract_strided_slice %mul3A_77 {offsets = [0, 7168], sizes = [128, 512], strides = [1, 1]} : vector<128x8192xf32> to vector<128x512xf32>
    %add3A_218 = arith.addf %add3A_210, %slice3A_217 : vector<128x512xf32>
    %slice3A_219 = vector.extract_strided_slice %dot_general3A_31 {offsets = [0, 14], sizes = [4, 1], strides = [1, 1]} : vector<4x16xf32> to vector<4x1xf32>
    %slice3A_220 = vector.extract_strided_slice %add3A_102 {offsets = [0, 7168], sizes = [1, 512], strides = [1, 1]} : vector<1x8192xf32> to vector<1x512xf32>
    %mul3A_221 = vector.broadcast %slice3A_219 : vector<4x1xf32> to vector<4x512xf32>
    %mul3A_222 = vector.broadcast %slice3A_220 : vector<1x512xf32> to vector<4x512xf32>
    %mul3A_223 = arith.mulf %mul3A_221, %mul3A_222 : vector<4x512xf32>
    %add3A_224 = arith.addf %add3A_216, %mul3A_223 : vector<4x512xf32>
    %slice3A_225 = vector.extract_strided_slice %mul3A_77 {offsets = [0, 7680], sizes = [128, 512], strides = [1, 1]} : vector<128x8192xf32> to vector<128x512xf32>
    %add3A_226 = arith.addf %add3A_218, %slice3A_225 : vector<128x512xf32>
    %slice3A_227 = vector.extract_strided_slice %dot_general3A_31 {offsets = [0, 15], sizes = [4, 1], strides = [1, 1]} : vector<4x16xf32> to vector<4x1xf32>
    %slice3A_228 = vector.extract_strided_slice %add3A_102 {offsets = [0, 7680], sizes = [1, 512], strides = [1, 1]} : vector<1x8192xf32> to vector<1x512xf32>
    %mul3A_229 = vector.broadcast %slice3A_227 : vector<4x1xf32> to vector<4x512xf32>
    %mul3A_230 = vector.broadcast %slice3A_228 : vector<1x512xf32> to vector<4x512xf32>
    %mul3A_231 = arith.mulf %mul3A_229, %mul3A_230 : vector<4x512xf32>
    %add3A_232 = arith.addf %add3A_224, %mul3A_231 : vector<4x512xf32>
    %eq3A_233 = arith.constant 0 : i32
    %eq3A_234 = arith.cmpi eq, %arg0, %eq3A_233 : i32
    %convert_element_type3A_235 = arith.extui %eq3A_234 : i1 to i32
    %cond3A = arith.constant 0 : i32
    %cond3A_236 = arith.cmpi ne, %convert_element_type3A_235, %cond3A : i32
    scf.if %cond3A_236 {
      %swap3A = arith.constant 0 : index
      %swap3A_241 = arith.constant 0 : index
      %swap3A_242 = vector.load %arg17[%swap3A, %swap3A_241] : memref<128x512xf32, #tpu.memory_space<vmem>>, vector<128x512xf32>
      tpu.vector_store %arg17[%swap3A, %swap3A_241], %add3A_226 {strides = array<i32>} : memref<128x512xf32, #tpu.memory_space<vmem>>, vector<128x512xf32>,
      %swap3A_243 = arith.constant 0 : index
      %swap3A_244 = arith.constant 0 : index
      %swap3A_245 = vector.load %arg18[%swap3A_243, %swap3A_244] : memref<4x512xf32, #tpu.memory_space<vmem>>, vector<4x512xf32>
      tpu.vector_store %arg18[%swap3A_243, %swap3A_244], %add3A_232 {strides = array<i32>} : memref<4x512xf32, #tpu.memory_space<vmem>>, vector<4x512xf32>,
    } else {
    }
    %gt3A = arith.constant 0 : i32
    %gt3A_237 = arith.cmpi sgt, %arg0, %gt3A : i32
    %convert_element_type3A_238 = arith.extui %gt3A_237 : i1 to i32
    %cond3A_239 = arith.constant 0 : i32
    %cond3A_240 = arith.cmpi ne, %convert_element_type3A_238, %cond3A_239 : i32
    scf.if %cond3A_240 {
      %get3A_241 = arith.constant 0 : index
      %get3A_242 = arith.constant 0 : index
      %get3A_243 = vector.load %arg17[%get3A_241, %get3A_242] : memref<128x512xf32, #tpu.memory_space<vmem>>, vector<128x512xf32>
      %add3A_244 = arith.addf %get3A_243, %add3A_226 : vector<128x512xf32>
      %swap3A = arith.constant 0 : index
      %swap3A_245 = arith.constant 0 : index
      %swap3A_246 = vector.load %arg17[%swap3A, %swap3A_245] : memref<128x512xf32, #tpu.memory_space<vmem>>, vector<128x512xf32>
      tpu.vector_store %arg17[%swap3A, %swap3A_245], %add3A_244 {strides = array<i32>} : memref<128x512xf32, #tpu.memory_space<vmem>>, vector<128x512xf32>,
      %get3A_247 = arith.constant 0 : index
      %get3A_248 = arith.constant 0 : index
      %get3A_249 = vector.load %arg18[%get3A_247, %get3A_248] : memref<4x512xf32, #tpu.memory_space<vmem>>, vector<4x512xf32>
      %add3A_250 = arith.addf %get3A_249, %add3A_232 : vector<4x512xf32>
      %swap3A_251 = arith.constant 0 : index
      %swap3A_252 = arith.constant 0 : index
      %swap3A_253 = vector.load %arg18[%swap3A_251, %swap3A_252] : memref<4x512xf32, #tpu.memory_space<vmem>>, vector<4x512xf32>
      tpu.vector_store %arg18[%swap3A_251, %swap3A_252], %add3A_250 {strides = array<i32>} : memref<4x512xf32, #tpu.memory_space<vmem>>, vector<4x512xf32>,
    } else {
    }
    return
  }
  func.func @transform_0(%arg0: i32) -> (i32, i32) {
    %c0_i32 = arith.constant 0 : i32
    %c0_i32_0 = arith.constant 0 : i32
    %c0_i32_1 = arith.constant 0 : i32
    return %c0_i32, %c0_i32_0 : i32, i32
  }
  func.func @transform_1(%arg0: i32) -> (i32, i32) {
    %c0_i32 = arith.constant 0 : i32
    %c0_i32_0 = arith.constant 0 : i32
    %c0_i32_1 = arith.constant 0 : i32
    return %c0_i32, %c0_i32_0 : i32, i32
  }
  func.func @transform_2(%arg0: i32) -> (i32, i32) {
    %c0_i32 = arith.constant 0 : i32
    %c0_i32_0 = arith.constant 0 : i32
    %c0_i32_1 = arith.constant 0 : i32
    return %c0_i32, %c0_i32_0 : i32, i32
  }
  func.func @transform_3(%arg0: i32) -> (i32, i32) {
    %c0_i32 = arith.constant 0 : i32
    %c0_i32_0 = arith.constant 0 : i32
    %c0_i32_1 = arith.constant 0 : i32
    return %c0_i32, %c0_i32_0 : i32, i32
  }
  func.func @transform_4(%arg0: i32) -> (i32, i32) {
    %c0_i32 = arith.constant 0 : i32
    %c0_i32_0 = arith.constant 0 : i32
    %c0_i32_1 = arith.constant 0 : i32
    return %c0_i32, %c0_i32_0 : i32, i32
  }
  func.func @transform_5(%arg0: i32) -> (i32, i32) {
    %c0_i32 = arith.constant 0 : i32
    %c0_i32_0 = arith.constant 0 : i32
    %c0_i32_1 = arith.constant 0 : i32
    return %c0_i32, %c0_i32_0 : i32, i32
  }
  func.func @transform_6(%arg0: i32) -> (i32, i32) {
    %c0_i32 = arith.constant 0 : i32
    %c0_i32_0 = arith.constant 0 : i32
    %c0_i32_1 = arith.constant 0 : i32
    return %c0_i32, %c0_i32_0 : i32, i32
  }
  func.func @transform_7(%arg0: i32) -> (i32, i32) {
    %c0_i32 = arith.constant 0 : i32
    %c0_i32_0 = arith.constant 0 : i32
    %c0_i32_1 = arith.constant 0 : i32
    return %c0_i32, %c0_i32_0 : i32, i32
  }
  func.func @transform_8(%arg0: i32) -> (i32, i32) {
    %c0_i32 = arith.constant 0 : i32
    %c0_i32_0 = arith.constant 0 : i32
    %c0_i32_1 = arith.constant 0 : i32
    return %c0_i32, %c0_i32_0 : i32, i32
  }
  func.func @transform_9(%arg0: i32) -> (i32, i32) {
    %c0_i32 = arith.constant 0 : i32
    %c0_i32_0 = arith.constant 0 : i32
    %c0_i32_1 = arith.constant 0 : i32
    return %c0_i32, %c0_i32_0 : i32, i32
  }
  func.func @transform_10(%arg0: i32) -> (i32, i32) {
    %c0_i32 = arith.constant 0 : i32
    %c0_i32_0 = arith.constant 0 : i32
    %c0_i32_1 = arith.constant 0 : i32
    return %c0_i32, %c0_i32_0 : i32, i32
  }
  func.func @transform_11(%arg0: i32) -> (i32, i32) {
    %c0_i32 = arith.constant 0 : i32
    %c0_i32_0 = arith.constant 0 : i32
    %c0_i32_1 = arith.constant 0 : i32
    return %c0_i32, %c0_i32_0 : i32, i32
  }
  func.func @transform_12(%arg0: i32) -> (i32, i32) {
    %c0_i32 = arith.constant 0 : i32
    %c0_i32_0 = arith.constant 0 : i32
    %c0_i32_1 = arith.constant 0 : i32
    return %c0_i32, %c0_i32_0 : i32, i32
  }
  func.func @transform_13(%arg0: i32) -> (i32, i32) {
    %c0_i32 = arith.constant 0 : i32
    %c0_i32_0 = arith.constant 0 : i32
    %c0_i32_1 = arith.constant 0 : i32
    return %c0_i32, %c0_i32_0 : i32, i32
  }
  func.func @transform_14(%arg0: i32) -> (i32, i32) {
    %c0_i32 = arith.constant 0 : i32
    %c0_i32_0 = arith.constant 0 : i32
    %c0_i32_1 = arith.constant 0 : i32
    return %c0_i32, %c0_i32_0 : i32, i32
  }
  func.func @transform_15(%arg0: i32) -> (i32, i32) {
    %c0_i32 = arith.constant 0 : i32
    %c0_i32_0 = arith.constant 0 : i32
    %c0_i32_1 = arith.constant 0 : i32
    return %c0_i32, %c0_i32_0 : i32, i32
  }
  func.func @transform_16(%arg0: i32) -> (i32, i32) {
    %c0_i32 = arith.constant 0 : i32
    %c0_i32_0 = arith.constant 0 : i32
    %c0_i32_1 = arith.constant 0 : i32
    return %c0_i32, %c0_i32_0 : i32, i32
  }
  func.func @transform_17(%arg0: i32) -> (i32, i32) {
    %c0_i32 = arith.constant 0 : i32
    %c0_i32_0 = arith.constant 0 : i32
    %c0_i32_1 = arith.constant 0 : i32
    return %c0_i32, %c0_i32_0 : i32, i32
  }
}

module attributes {stable_mosaic.version = 14 : i64} {
  func.func @_node_kernel(%arg0: memref<128x512xf32, #tpu.memory_space<vmem>>, %arg1: memref<128x512xf32, #tpu.memory_space<vmem>>, %arg2: memref<4x512xf32, #tpu.memory_space<vmem>>, %arg3: memref<4x512xf32, #tpu.memory_space<vmem>>, %arg4: memref<128x128xf32, #tpu.memory_space<vmem>>, %arg5: memref<128x128xf32, #tpu.memory_space<vmem>>, %arg6: memref<128x1xf32, #tpu.memory_space<vmem>>, %arg7: memref<128x128xf32, #tpu.memory_space<vmem>>, %arg8: memref<128x1xf32, #tpu.memory_space<vmem>>, %arg9: memref<128x512xf32, #tpu.memory_space<vmem>>, %arg10: memref<4x512xf32, #tpu.memory_space<vmem>>) attributes {dimension_semantics = [], scalar_prefetch = 0 : i64, scratch_operands = 0 : i64, tpu.core_type = #tpu.core_type<tc>} {
    %get3A = arith.constant 0 : index
    %get3A_0 = arith.constant 0 : index
    %get3A_1 = vector.load %arg0[%get3A, %get3A_0] : memref<128x512xf32, #tpu.memory_space<vmem>>, vector<128x512xf32>
    %get3A_2 = arith.constant 0 : index
    %get3A_3 = arith.constant 0 : index
    %get3A_4 = vector.load %arg1[%get3A_2, %get3A_3] : memref<128x512xf32, #tpu.memory_space<vmem>>, vector<128x512xf32>
    %mul3A = arith.constant 0.001953125 : f32
    %mul3A_5 = vector.broadcast %mul3A : f32 to vector<128x512xf32>
    %mul3A_6 = arith.mulf %get3A_4, %mul3A_5 : vector<128x512xf32>
    %get3A_7 = arith.constant 0 : index
    %get3A_8 = arith.constant 0 : index
    %get3A_9 = vector.load %arg4[%get3A_7, %get3A_8] : memref<128x128xf32, #tpu.memory_space<vmem>>, vector<128x128xf32>
    %dot_general3A = arith.constant dense<0.000000e+00> : vector<128x512xf32>
    %dot_general3A_10 = tpu.matmul %get3A_9, %get3A_1, %dot_general3A {dimension_numbers = #tpu.dot_dimension_numbers<[1], [0], [0], [1], [0, 0, 1, 1], [], []>, transpose_lhs_hint = false} : vector<128x128xf32>, vector<128x512xf32>, vector<128x512xf32> -> vector<128x512xf32>
    %get3A_11 = arith.constant 0 : index
    %get3A_12 = arith.constant 0 : index
    %get3A_13 = vector.load %arg5[%get3A_11, %get3A_12] : memref<128x128xf32, #tpu.memory_space<vmem>>, vector<128x128xf32>
    %dot_general3A_14 = arith.constant dense<0.000000e+00> : vector<128x512xf32>
    %dot_general3A_15 = tpu.matmul %get3A_13, %mul3A_6, %dot_general3A_14 {dimension_numbers = #tpu.dot_dimension_numbers<[1], [0], [0], [1], [0, 0, 1, 1], [], []>, transpose_lhs_hint = false} : vector<128x128xf32>, vector<128x512xf32>, vector<128x512xf32> -> vector<128x512xf32>
    %add3A = arith.addf %dot_general3A_10, %dot_general3A_15 : vector<128x512xf32>
    %get3A_16 = arith.constant 0 : index
    %get3A_17 = arith.constant 0 : index
    %get3A_18 = vector.load %arg6[%get3A_16, %get3A_17] : memref<128x1xf32, #tpu.memory_space<vmem>>, vector<128x1xf32>
    %add3A_19 = vector.broadcast %get3A_18 : vector<128x1xf32> to vector<128x512xf32>
    %add3A_20 = arith.addf %add3A, %add3A_19 : vector<128x512xf32>
    %max3A = arith.constant 0.000000e+00 : f32
    %max3A_21 = vector.broadcast %max3A : f32 to vector<128x512xf32>
    %max3A_22 = arith.maximumf %add3A_20, %max3A_21 : vector<128x512xf32>
    %get3A_23 = arith.constant 0 : index
    %get3A_24 = arith.constant 0 : index
    %get3A_25 = vector.load %arg7[%get3A_23, %get3A_24] : memref<128x128xf32, #tpu.memory_space<vmem>>, vector<128x128xf32>
    %dot_general3A_26 = arith.constant dense<0.000000e+00> : vector<128x512xf32>
    %dot_general3A_27 = tpu.matmul %get3A_25, %max3A_22, %dot_general3A_26 {dimension_numbers = #tpu.dot_dimension_numbers<[1], [0], [0], [1], [0, 0, 1, 1], [], []>, transpose_lhs_hint = false} : vector<128x128xf32>, vector<128x512xf32>, vector<128x512xf32> -> vector<128x512xf32>
    %get3A_28 = arith.constant 0 : index
    %get3A_29 = arith.constant 0 : index
    %get3A_30 = vector.load %arg8[%get3A_28, %get3A_29] : memref<128x1xf32, #tpu.memory_space<vmem>>, vector<128x1xf32>
    %add3A_31 = vector.broadcast %get3A_30 : vector<128x1xf32> to vector<128x512xf32>
    %add3A_32 = arith.addf %dot_general3A_27, %add3A_31 : vector<128x512xf32>
    %swap3A = arith.constant 0 : index
    %swap3A_33 = arith.constant 0 : index
    %swap3A_34 = vector.load %arg9[%swap3A, %swap3A_33] : memref<128x512xf32, #tpu.memory_space<vmem>>, vector<128x512xf32>
    tpu.vector_store %arg9[%swap3A, %swap3A_33], %add3A_32 {strides = array<i32>} : memref<128x512xf32, #tpu.memory_space<vmem>>, vector<128x512xf32>,
    %get3A_35 = arith.constant 0 : index
    %get3A_36 = arith.constant 0 : index
    %get3A_37 = vector.load %arg3[%get3A_35, %get3A_36] : memref<4x512xf32, #tpu.memory_space<vmem>>, vector<4x512xf32>
    %get3A_38 = arith.constant 0 : index
    %get3A_39 = arith.constant 0 : index
    %get3A_40 = vector.load %arg2[%get3A_38, %get3A_39] : memref<4x512xf32, #tpu.memory_space<vmem>>, vector<4x512xf32>
    %slice3A = vector.extract_strided_slice %get3A_40 {offsets = [3, 0], sizes = [1, 512], strides = [1, 1]} : vector<4x512xf32> to vector<1x512xf32>
    %mul3A_41 = vector.broadcast %slice3A : vector<1x512xf32> to vector<4x512xf32>
    %mul3A_42 = arith.mulf %get3A_37, %mul3A_41 : vector<4x512xf32>
    %sub3A = arith.subf %mul3A_42, %get3A_40 : vector<4x512xf32>
    %mul3A_43 = arith.constant 0.001953125 : f32
    %mul3A_44 = vector.broadcast %mul3A_43 : f32 to vector<4x512xf32>
    %mul3A_45 = arith.mulf %sub3A, %mul3A_44 : vector<4x512xf32>
    %add3A_46 = arith.addf %get3A_37, %mul3A_45 : vector<4x512xf32>
    %swap3A_47 = arith.constant 0 : index
    %swap3A_48 = arith.constant 0 : index
    %swap3A_49 = vector.load %arg10[%swap3A_47, %swap3A_48] : memref<4x512xf32, #tpu.memory_space<vmem>>, vector<4x512xf32>
    tpu.vector_store %arg10[%swap3A_47, %swap3A_48], %add3A_46 {strides = array<i32>} : memref<4x512xf32, #tpu.memory_space<vmem>>, vector<4x512xf32>,
    return
  }
}

module attributes {stable_mosaic.version = 14 : i64} {
  func.func @_node_kernel(%arg0: memref<128x512xf32, #tpu.memory_space<vmem>>, %arg1: memref<128x512xf32, #tpu.memory_space<vmem>>, %arg2: memref<4x512xf32, #tpu.memory_space<vmem>>, %arg3: memref<4x512xf32, #tpu.memory_space<vmem>>, %arg4: memref<128x128xf32, #tpu.memory_space<vmem>>, %arg5: memref<128x128xf32, #tpu.memory_space<vmem>>, %arg6: memref<128x1xf32, #tpu.memory_space<vmem>>, %arg7: memref<128x128xf32, #tpu.memory_space<vmem>>, %arg8: memref<128x1xf32, #tpu.memory_space<vmem>>, %arg9: memref<128x512xf32, #tpu.memory_space<vmem>>, %arg10: memref<4x512xf32, #tpu.memory_space<vmem>>) attributes {dimension_semantics = [], scalar_prefetch = 0 : i64, scratch_operands = 0 : i64, tpu.core_type = #tpu.core_type<tc>} {
    %get3A = arith.constant 0 : index
    %get3A_0 = arith.constant 0 : index
    %get3A_1 = vector.load %arg0[%get3A, %get3A_0] : memref<128x512xf32, #tpu.memory_space<vmem>>, vector<128x512xf32>
    %get3A_2 = arith.constant 0 : index
    %get3A_3 = arith.constant 0 : index
    %get3A_4 = vector.load %arg1[%get3A_2, %get3A_3] : memref<128x512xf32, #tpu.memory_space<vmem>>, vector<128x512xf32>
    %mul3A = arith.constant 0.001953125 : f32
    %mul3A_5 = vector.broadcast %mul3A : f32 to vector<128x512xf32>
    %mul3A_6 = arith.mulf %get3A_4, %mul3A_5 : vector<128x512xf32>
    %get3A_7 = arith.constant 0 : index
    %get3A_8 = arith.constant 0 : index
    %get3A_9 = vector.load %arg4[%get3A_7, %get3A_8] : memref<128x128xf32, #tpu.memory_space<vmem>>, vector<128x128xf32>
    %dot_general3A = arith.constant dense<0.000000e+00> : vector<128x512xf32>
    %dot_general3A_10 = tpu.matmul %get3A_9, %get3A_1, %dot_general3A {dimension_numbers = #tpu.dot_dimension_numbers<[1], [0], [0], [1], [0, 0, 1, 1], [], []>, transpose_lhs_hint = false} : vector<128x128xf32>, vector<128x512xf32>, vector<128x512xf32> -> vector<128x512xf32>
    %get3A_11 = arith.constant 0 : index
    %get3A_12 = arith.constant 0 : index
    %get3A_13 = vector.load %arg5[%get3A_11, %get3A_12] : memref<128x128xf32, #tpu.memory_space<vmem>>, vector<128x128xf32>
    %dot_general3A_14 = arith.constant dense<0.000000e+00> : vector<128x512xf32>
    %dot_general3A_15 = tpu.matmul %get3A_13, %mul3A_6, %dot_general3A_14 {dimension_numbers = #tpu.dot_dimension_numbers<[1], [0], [0], [1], [0, 0, 1, 1], [], []>, transpose_lhs_hint = false} : vector<128x128xf32>, vector<128x512xf32>, vector<128x512xf32> -> vector<128x512xf32>
    %add3A = arith.addf %dot_general3A_10, %dot_general3A_15 : vector<128x512xf32>
    %get3A_16 = arith.constant 0 : index
    %get3A_17 = arith.constant 0 : index
    %get3A_18 = vector.load %arg6[%get3A_16, %get3A_17] : memref<128x1xf32, #tpu.memory_space<vmem>>, vector<128x1xf32>
    %add3A_19 = vector.broadcast %get3A_18 : vector<128x1xf32> to vector<128x512xf32>
    %add3A_20 = arith.addf %add3A, %add3A_19 : vector<128x512xf32>
    %max3A = arith.constant 0.000000e+00 : f32
    %max3A_21 = vector.broadcast %max3A : f32 to vector<128x512xf32>
    %max3A_22 = arith.maximumf %add3A_20, %max3A_21 : vector<128x512xf32>
    %get3A_23 = arith.constant 0 : index
    %get3A_24 = arith.constant 0 : index
    %get3A_25 = vector.load %arg7[%get3A_23, %get3A_24] : memref<128x128xf32, #tpu.memory_space<vmem>>, vector<128x128xf32>
    %dot_general3A_26 = arith.constant dense<0.000000e+00> : vector<128x512xf32>
    %dot_general3A_27 = tpu.matmul %get3A_25, %max3A_22, %dot_general3A_26 {dimension_numbers = #tpu.dot_dimension_numbers<[1], [0], [0], [1], [0, 0, 1, 1], [], []>, transpose_lhs_hint = false} : vector<128x128xf32>, vector<128x512xf32>, vector<128x512xf32> -> vector<128x512xf32>
    %get3A_28 = arith.constant 0 : index
    %get3A_29 = arith.constant 0 : index
    %get3A_30 = vector.load %arg8[%get3A_28, %get3A_29] : memref<128x1xf32, #tpu.memory_space<vmem>>, vector<128x1xf32>
    %add3A_31 = vector.broadcast %get3A_30 : vector<128x1xf32> to vector<128x512xf32>
    %add3A_32 = arith.addf %dot_general3A_27, %add3A_31 : vector<128x512xf32>
    %swap3A = arith.constant 0 : index
    %swap3A_33 = arith.constant 0 : index
    %swap3A_34 = vector.load %arg9[%swap3A, %swap3A_33] : memref<128x512xf32, #tpu.memory_space<vmem>>, vector<128x512xf32>
    tpu.vector_store %arg9[%swap3A, %swap3A_33], %add3A_32 {strides = array<i32>} : memref<128x512xf32, #tpu.memory_space<vmem>>, vector<128x512xf32>,
    %get3A_35 = arith.constant 0 : index
    %get3A_36 = arith.constant 0 : index
    %get3A_37 = vector.load %arg3[%get3A_35, %get3A_36] : memref<4x512xf32, #tpu.memory_space<vmem>>, vector<4x512xf32>
    %get3A_38 = arith.constant 0 : index
    %get3A_39 = arith.constant 0 : index
    %get3A_40 = vector.load %arg2[%get3A_38, %get3A_39] : memref<4x512xf32, #tpu.memory_space<vmem>>, vector<4x512xf32>
    %slice3A = vector.extract_strided_slice %get3A_40 {offsets = [3, 0], sizes = [1, 512], strides = [1, 1]} : vector<4x512xf32> to vector<1x512xf32>
    %mul3A_41 = vector.broadcast %slice3A : vector<1x512xf32> to vector<4x512xf32>
    %mul3A_42 = arith.mulf %get3A_37, %mul3A_41 : vector<4x512xf32>
    %sub3A = arith.subf %mul3A_42, %get3A_40 : vector<4x512xf32>
    %mul3A_43 = arith.constant 0.001953125 : f32
    %mul3A_44 = vector.broadcast %mul3A_43 : f32 to vector<4x512xf32>
    %mul3A_45 = arith.mulf %sub3A, %mul3A_44 : vector<4x512xf32>
    %add3A_46 = arith.addf %get3A_37, %mul3A_45 : vector<4x512xf32>
    %swap3A_47 = arith.constant 0 : index
    %swap3A_48 = arith.constant 0 : index
    %swap3A_49 = vector.load %arg10[%swap3A_47, %swap3A_48] : memref<4x512xf32, #tpu.memory_space<vmem>>, vector<4x512xf32>
    tpu.vector_store %arg10[%swap3A_47, %swap3A_48], %add3A_46 {strides = array<i32>} : memref<4x512xf32, #tpu.memory_space<vmem>>, vector<4x512xf32>,
    return
  }
}

module attributes {stable_mosaic.version = 14 : i64} {
  func.func @_pool_kernel(%arg0: memref<128x512xf32, #tpu.memory_space<vmem>>, %arg1: memref<512x1xi32, #tpu.memory_space<vmem>>, %arg2: memref<128x128xf32, #tpu.memory_space<vmem>>, %arg3: memref<128x1xf32, #tpu.memory_space<vmem>>, %arg4: memref<32x128xf32, #tpu.memory_space<vmem>>, %arg5: memref<32x1xf32, #tpu.memory_space<vmem>>, %arg6: memref<32x16xf32, #tpu.memory_space<vmem>>) attributes {dimension_semantics = [], scalar_prefetch = 0 : i64, scratch_operands = 0 : i64, tpu.core_type = #tpu.core_type<tc>} {
    %iota3A = tpu.iota {dimensions = array<i32: 1>} : vector<512x16xi32>
    %get3A = arith.constant 0 : index
    %get3A_0 = arith.constant 0 : index
    %get3A_1 = vector.load %arg1[%get3A, %get3A_0] : memref<512x1xi32, #tpu.memory_space<vmem>>, vector<512x1xi32>
    %eq3A = vector.broadcast %get3A_1 : vector<512x1xi32> to vector<512x16xi32>
    %eq3A_2 = arith.cmpi eq, %eq3A, %iota3A : vector<512x16xi32>
    %convert_element_type3A = arith.extui %eq3A_2 : vector<512x16xi1> to vector<512x16xi32>
    %convert_element_type3A_3 = arith.sitofp %convert_element_type3A : vector<512x16xi32> to vector<512x16xf32>
    %get3A_4 = arith.constant 0 : index
    %get3A_5 = arith.constant 0 : index
    %get3A_6 = vector.load %arg0[%get3A_4, %get3A_5] : memref<128x512xf32, #tpu.memory_space<vmem>>, vector<128x512xf32>
    %dot_general3A = arith.constant dense<0.000000e+00> : vector<128x16xf32>
    %dot_general3A_7 = tpu.matmul %get3A_6, %convert_element_type3A_3, %dot_general3A {dimension_numbers = #tpu.dot_dimension_numbers<[1], [0], [0], [1], [0, 0, 1, 1], [], []>, transpose_lhs_hint = false} : vector<128x512xf32>, vector<512x16xf32>, vector<128x16xf32> -> vector<128x16xf32>
    %get3A_8 = arith.constant 0 : index
    %get3A_9 = arith.constant 0 : index
    %get3A_10 = vector.load %arg2[%get3A_8, %get3A_9] : memref<128x128xf32, #tpu.memory_space<vmem>>, vector<128x128xf32>
    %dot_general3A_11 = arith.constant dense<0.000000e+00> : vector<128x16xf32>
    %dot_general3A_12 = tpu.matmul %get3A_10, %dot_general3A_7, %dot_general3A_11 {dimension_numbers = #tpu.dot_dimension_numbers<[1], [0], [0], [1], [0, 0, 1, 1], [], []>, transpose_lhs_hint = false} : vector<128x128xf32>, vector<128x16xf32>, vector<128x16xf32> -> vector<128x16xf32>
    %get3A_13 = arith.constant 0 : index
    %get3A_14 = arith.constant 0 : index
    %get3A_15 = vector.load %arg3[%get3A_13, %get3A_14] : memref<128x1xf32, #tpu.memory_space<vmem>>, vector<128x1xf32>
    %add3A = vector.broadcast %get3A_15 : vector<128x1xf32> to vector<128x16xf32>
    %add3A_16 = arith.addf %dot_general3A_12, %add3A : vector<128x16xf32>
    %max3A = arith.constant 0.000000e+00 : f32
    %max3A_17 = vector.broadcast %max3A : f32 to vector<128x16xf32>
    %max3A_18 = arith.maximumf %add3A_16, %max3A_17 : vector<128x16xf32>
    %get3A_19 = arith.constant 0 : index
    %get3A_20 = arith.constant 0 : index
    %get3A_21 = vector.load %arg4[%get3A_19, %get3A_20] : memref<32x128xf32, #tpu.memory_space<vmem>>, vector<32x128xf32>
    %dot_general3A_22 = arith.constant dense<0.000000e+00> : vector<32x16xf32>
    %dot_general3A_23 = tpu.matmul %get3A_21, %max3A_18, %dot_general3A_22 {dimension_numbers = #tpu.dot_dimension_numbers<[1], [0], [0], [1], [0, 0, 1, 1], [], []>, transpose_lhs_hint = false} : vector<32x128xf32>, vector<128x16xf32>, vector<32x16xf32> -> vector<32x16xf32>
    %get3A_24 = arith.constant 0 : index
    %get3A_25 = arith.constant 0 : index
    %get3A_26 = vector.load %arg5[%get3A_24, %get3A_25] : memref<32x1xf32, #tpu.memory_space<vmem>>, vector<32x1xf32>
    %add3A_27 = vector.broadcast %get3A_26 : vector<32x1xf32> to vector<32x16xf32>
    %add3A_28 = arith.addf %dot_general3A_23, %add3A_27 : vector<32x16xf32>
    %swap3A = arith.constant 0 : index
    %swap3A_29 = arith.constant 0 : index
    %swap3A_30 = vector.load %arg6[%swap3A, %swap3A_29] : memref<32x16xf32, #tpu.memory_space<vmem>>, vector<32x16xf32>
    tpu.vector_store %arg6[%swap3A, %swap3A_29], %add3A_28 {strides = array<i32>} : memref<32x16xf32, #tpu.memory_space<vmem>>, vector<32x16xf32>,
    return
  }
}

</mosaic_0001>

<sc_bundles>
// kernel: kernel.9.cloned.1.call-start
scs
__scs_entry_jumppad:
0x0: {  	(pc) =	sbr.rel $0x88, $3  }
0x1: {  	(tag) =	ssettag $0x0;
	lr =	simm.s32 $0x1  }
0x2: {  	[smem:$0x3F79] =	sst lr;
	_ =	strace $0xD0000000  }
0x3: {  	_ = 	snop  }
0x4: {  	_ = 	snop  }
0x5: {  	_ = 	snop  }
0x6: {  	_ = 	snop  }
0x7: {  	_ = 	snop  }
__scs_overlays_trampoline_lowered:
0x8: {  	[smem:$0x3F88] =	sst s0  }
0x9: {  	[smem:$0x3F89] =	sst s1  }
0xa: {  	[smem:$0x3F8A] =	sst s2  }
0xb: {  	[smem:$0x3F8B] =	sst s3  }
0xc: {  	[smem:$0x3F8C] =	sst s4  }
0xd: {  	[smem:$0x3F8D] =	sst s5  }
0xe: {  	[smem:$0x3F8E] =	sst s6  }
0xf: {  	[smem:$0x3F8F] =	sst s7  }
0x10: {  	[smem:$0x3F90] =	sst s8  }
0x11: {  	[smem:$0x3F91] =	sst s9;
	s0 =	simm.s32 @!p0 $0x0  }
0x12: {  	s1 =	sld [smem:$0x3F77];
	s0 =	simm.s32 @p0 $0x1  }
0x13: {  	[smem:$0x3F92] =	sst s0;
	s0 =	simm.s32 @!p1 $0x0  }
0x14: {  	s2 =	sld [smem:$0x3F76];
	s0 =	simm.s32 @p1 $0x1  }
0x15: {  	[smem:$0x3F93] =	sst s0;
	s0 =	simm.s32 @!p2 $0x0  }
0x16: {  	s3 =	sld [smem:$0x3FDB];
	s0 =	simm.s32 @p2 $0x1  }
0x17: {  	s4 =	simm.s32 $0x1BF5;
	[smem:$0x3F95] =	sst s0  }
0x18: {  	s0 =	sld [smem:$0x3F78];
	_ =	swait.ge [sflag:s4], $0x0  }
0x19: {  	s7 =	sld [smem:$0x3F79]  }
0x1a: {  	s8 =	sadd.s32 $0xFFFFE003, lr  }
0x1b: {  	s9 =	sadd.s32 $0xFFFFFEF7, lr;
	s5 =	simm.s32 $0xFFFFFFFF;
	p2 =	slt.u32 s8, $0xFFFFF086  }
0x1c: {  	p1 =	slt.u32 s9, $0xF7A;
	s5 =	simm.s32 @!p2 $0x0  }
0x1d: {  	s5 =	simm.s32 @p1 $0x1;
	p0 =	seq.s32 s7, s2  }
0x1e: {  	s7 =	smul.u32 @!p0 $0xF7A, s2;
	p2 =	seq.s32 @!p0 s5, $0x0  }
0x1f: {  	s9 =	smul.u32 $0xF7A, s1;
	s8 =	simm.s32 @!p0 $0x1BF5;
	p2 =	por !p2, p0  }
0x20: {  	[sflag:s8] =	ssyncset.s32 @!p0 $0xFFFFF086;
	s6 =	sadd.s32 @!p0 s3, s7;
	s7 =	simm.s32 @!p0 $0x108  }
0x21: {  	s3 =	sadd.s32 s3, s9;
	s6 =	sadd.s32 @!p0 $0x88, s6;
	s7 =	simm.s32 @p2 $0x1082  }
0x22: {  	[simem:s7], [sflag:s8] =	dma.local @!p0 [hbm:s6], $0xF7A  }
0x23: {  	s9 =	sor.u32 $0xD0000000, s2;
	s6 =	simm.s32 $0x108;
	_ =	swait.ge @!p0 [sflag:s8], $0x0  }
0x24: {  	s3 =	sadd.s32 $0x88, s3;
	s6 =	simm.s32 @!p1 $0x1082;
	[sflag:s4] =	ssyncset.s32 $0xFFFFF086  }
0x25: {  	[simem:s6], [sflag:s4] =	dma.local [hbm:s3], $0xF7A  }
0x26: {  	[smem:$0x3F79] =	sst s1;
	(tag) =	ssettag s2;
	_ =	strace s9  }
0x27: {  	s1 =	sld [smem:$0x3F89]  }
0x28: {  	s2 =	sld [smem:$0x3F8A]  }
0x29: {  	s4 =	sld [smem:$0x3F8C]  }
0x2a: {  	p0 =	seq.s32 s5, $0x0;
	s5 =	sld [smem:$0x3F8D]  }
0x2b: {  	s6 =	sld [smem:$0x3F8E]  }
0x2c: {  	s7 =	sld [smem:$0x3F8F]  }
0x2d: {  	s3 =	simm.s32 $0x108;
	s8 =	sld [smem:$0x3F90]  }
0x2e: {  	s3 =	simm.s32 @!p0 $0x1082;
	s9 =	sld [smem:$0x3F91]  }
0x2f: {  	lr =	sadd.s32 s0, s3;
	s0 =	sld [smem:$0x3F88]  }
0x30: {  	s3 =	sld [smem:$0x3F8B]  }
0x31: {  	[smem:$0x3F94] =	sst s10  }
0x32: {  	s10 =	sld [smem:$0x3F92];
	_ =	sdelay $0x3  }
0x33: {  	p0 =	seq.s32 s10, $0x1;
	s10 =	sld [smem:$0x3F94];
	_ =	sdelay $0x3  }
0x34: {  	[smem:$0x3F94] =	sst s10  }
0x35: {  	s10 =	sld [smem:$0x3F93];
	_ =	sdelay $0x3  }
0x36: {  	p1 =	seq.s32 s10, $0x1;
	s10 =	sld [smem:$0x3F94];
	_ =	sdelay $0x3  }
0x37: {  	[smem:$0x3F94] =	sst s10  }
0x38: {  	s10 =	sld [smem:$0x3F95]  }
0x39: {  	_ = 	snop;
	(pc) =	sbr.ind lr, $3  }
0x3a: {  	_ = 	snop  }
0x3b: {  	_ = 	snop  }
0x3c: {  	p2 =	seq.s32 s10, $0x1;
	s10 =	sld [smem:$0x3F94]  }
0x3d: {  	_ =	shalt  }
0x3e: {  	_ =	shalt  }
0x3f: {  	_ =	shalt  }
0x40: {  	_ =	shalt  }
0x41: {  	_ =	shalt  }
0x42: {  	_ =	shalt  }
0x43: {  	_ =	shalt  }
0x44: {  	_ =	shalt  }
0x45: {  	_ =	shalt  }
0x46: {  	_ =	shalt  }
0x47: {  	_ =	shalt  }
0x48: {  	_ =	shalt  }
0x49: {  	_ =	shalt  }
0x4a: {  	_ =	shalt  }
0x4b: {  	_ =	shalt  }
0x4c: {  	_ =	shalt  }
0x4d: {  	_ =	shalt  }
0x4e: {  	_ =	shalt  }
0x4f: {  	_ =	shalt  }
0x50: {  	_ =	shalt  }
0x51: {  	_ =	shalt  }
0x52: {  	_ =	shalt  }
0x53: {  	_ =	shalt  }
0x54: {  	_ =	shalt  }
0x55: {  	_ =	shalt  }
0x56: {  	_ =	shalt  }
0x57: {  	_ =	shalt  }
0x58: {  	_ =	shalt  }
0x59: {  	_ =	shalt  }
0x5a: {  	_ =	shalt  }
0x5b: {  	_ =	shalt  }
0x5c: {  	_ =	shalt  }
0x5d: {  	_ =	shalt  }
0x5e: {  	_ =	shalt  }
0x5f: {  	_ =	shalt  }
0x60: {  	_ =	shalt  }
0x61: {  	_ =	shalt  }
0x62: {  	_ =	shalt  }
0x63: {  	_ =	shalt  }
0x64: {  	_ =	shalt  }
0x65: {  	_ =	shalt  }
0x66: {  	_ =	shalt  }
0x67: {  	_ =	shalt  }
0x68: {  	_ =	shalt  }
0x69: {  	_ =	shalt  }
0x6a: {  	_ =	shalt  }
0x6b: {  	_ =	shalt  }
0x6c: {  	_ =	shalt  }
0x6d: {  	_ =	shalt  }
0x6e: {  	_ =	shalt  }
0x6f: {  	_ =	shalt  }
0x70: {  	_ =	shalt  }
0x71: {  	_ =	shalt  }
0x72: {  	_ =	shalt  }
0x73: {  	_ =	shalt  }
0x74: {  	_ =	shalt  }
0x75: {  	_ =	shalt  }
0x76: {  	_ =	shalt  }
0x77: {  	_ =	shalt  }
0x78: {  	_ =	shalt  }
0x79: {  	_ =	shalt  }
0x7a: {  	_ =	shalt  }
0x7b: {  	_ =	shalt  }
0x7c: {  	_ =	shalt  }
0x7d: {  	_ =	shalt  }
0x7e: {  	_ =	shalt  }
0x7f: {  	_ =	shalt  }
0x80: {  	_ =	shalt  }
0x81: {  	_ =	shalt  }
0x82: {  	_ =	shalt  }
0x83: {  	_ =	shalt  }
0x84: {  	_ =	shalt  }
0x85: {  	_ =	shalt  }
0x86: {  	_ =	shalt  }
0x87: {  	_ =	shalt  }
.Lfunc_end0:
.L_simem_size_0:
called_computation_lowered:
.L_overlay_start_0:
0x88: {  	s2 =	sld [smem:$0x3FD9]  }
0x89: {  	s3 =	sld [smem:$0x3FFE];
	_ =	sdelay $0x1  }
0x8a: {  	s1 =	srdreg.scid  }
0x8b: {  	s0 =	sand.u32 $0x1, s1  }
0x8c: {  	s17 =	sshll.u32 s0, $0xA;
	s2 =	sadd.s32 s3, s2  }
0x8d: {  	s2 =	sadd.s32 s2, s17  }
0x8e: {  	[smem:$0x3FA0] =	sst s2  }
0x8f: {  	_ = 	snop  }
0x90: {  	s2 =	sld [smem:$0x3FD0];
	(tm) =	ssettm $0x1  }
0x91: {  	s18 =	sld [smem:$0x3FFB];
	_ =	sdelay $0x3  }
0x92: {  	_ =	strace s18  }
0x93: {  	s3 =	sld [smem:$0x3FFC];
	_ =	sdelay $0x3  }
0x94: {  	_ =	strace s3  }
0x95: {  	s3 =	sld [smem:$0x3FFD];
	_ =	sdelay $0x3  }
0x96: {  	_ =	strace s3  }
0x97: {  	_ =	strace $0x8FFFFFFF  }
0x98: {  	s19 =	sld [smem:$0x3FDB];
	_ =	sdelay $0x1  }
0x99: {  	s4 =	simm.s32 $_scs_section_size  }
0x9a: {  	s5 =	simm.s32 $_size__tile_overlayer_lowered;
	s6 =	simm.s32 $_tile_overlayer_lowered  }
0x9b: {  	s22 =	simm.s32 $0x1BFF;
	s21 =	sshll.u32 s6, $0x1;
	s3 =	sadd.s32 s4, s19  }
0x9c: {  	s7 =	simm.s32 $0x0;
	s20 =	sshll.u32 s5, $0x1;
	s5 =	sadd.s32 s21, s3  }
0x9d: {  	[timem:s7], [sflag:s22] =	dma.local [hbm:s5], s20  }
0x9e: {  	_ =	swait.ge [sflag:s22], s20  }
0x9f: {  	s4 =	ssub.s32 $0x0, s20;
	[sflag:s22] =	ssyncset.done $0x0  }
0xa0: {  	[sflag:s22] =	ssyncadd.s32 s4;
	_ =	sdelay $0x1  }
0xa1: {  	s23 =	simm.s32 $0x1B8B  }
0xa2: {  	_ =	swait.ge [sflag:s23], $0x1  }
0xa3: {  	[sflag:s23] =	ssyncset.done $0x0  }
0xa4: {  	s25 =	simm.s32 $0x1B8E;
	s24 =	sld [smem:$0x3FFE];
	[sflag:s23] =	ssyncadd.s32 $0xFFFFFFFF  }
0xa5: {  	s26 =	simm.s32 $execute0_lowered;
	[smem:$0x3FD2] =	sst s25  }
0xa6: {  	s5 =	sshll.u32 s26, $0x1;
	_ =	strace $0x80000046;
	[dreg:$0x1] =	wrdreg $0xFFFFFFFF  }
0xa7: {  	s28 =	simm.s32 $_size_execute0_lowered;
	s3 =	sadd.s32 s3, s5;
	[dreg:$0x0] =	wrdreg $0x0  }
0xa8: {  	s5 =	sshll.u32 s28, $0x1;
	[dreg:$0x2] =	wrdreg s3  }
0xa9: {  	[dreg:$0x3] =	wrdreg s5  }
0xaa: {  	[dreg:$0x4] =	wrdreg $0xC0  }
0xab: {  	_ =	task [dreg:s7], $0x5FFFF  }
0xac: {  	[dreg:$0x1] =	wrdreg $0xFFFFFFFF  }
0xad: {  	[dreg:$0x0] =	wrdreg $0x60  }
0xae: {  	[dreg:$0x2] =	wrdreg s24  }
0xaf: {  	[dreg:$0x3] =	wrdreg s2  }
0xb0: {  	[dreg:$0x4] =	wrdreg $0x9  }
0xb1: {  	_ =	task.clear_ibuf [dreg:s7], $0x5FFFF;
	_ =	strace $0x90000046  }
0xb2: {  	s29 =	simm.s32 $0x9;
	_ =	strace $0x80000051  }
0xb3: {  	_ =	swait.ge [sflag:s29], $0x1  }
0xb4: {  	[sflag:s29] =	ssyncadd.s32 $0xFFFFFFFF  }
0xb5: {  	_ =	strace $0x90000051  }
0xb6: {  	_ =	sfence  }
0xb7: {  	s30 =	sld [smem:$0x0];
	_ =	sdelay $0x2  }
0xb8: {  	s31 =	sshll.u32 s1, $0xD;
	s1 =	sshrl.u32 s1, $0x2  }
0xb9: {  	s3 =	sand.u32 $0x4000, s31;
	s1 =	sadd.s32 s1, s30  }
0xba: {  	s0 =	sor.u32 s3, s0;
	s1 =	sshll.u32 s1, $0x11  }
0xbb: {  	s0 =	sor.u32 s1, s0  }
0xbc: {  	s0 =	sadd.s32 $0x8F2B, s0  }
0xbd: {  	[sflag:s0] =	ssyncadd.remote.s32 $0x1  }
0xbe: {  	_ =	sfence.sel $0xFFFF  }
0xbf: {  	[dreg:$0x0] =	wrdreg $0xFFFFFFFF;
	(pc) =	sbr.abs _section_cstart, $3  }
0xc0: {  	[dreg:$0x1] =	wrdreg $0xFFFFFFFF  }
0xc1: {  	_ =	task.clear_ibuf [dreg:s7], $0x2FFFF;
	_ =	strace $0x9FFFFFFF  }
0xc2: {  	(tm) =	ssettm $0x7FFFFFFF  }
0xc3: {  	_ =	shalt  }
tec
execute0_lowered:
.L_overlay_start_1:
0x0: {  	(tag) =	ssettag $0x1  }
0x1: {  	s0 =	rddreg [dreg:$0x0];
	s2 =	simm.s32 $0x0;
	s3 =	srdreg.scid  }
0x2: {  	s30 =	stileid.u32;
	s11 =	simm.s32 $0x200;
	s12 =	simm.s32 $0x400  }
0x3: {  	s15 =	simm.s32 $0x1;
	s16 =	simm.s32 $0x0;
	[smem:$0x7FF] =	sst s2  }
0x4: {  	s1 =	sadd.s32 $0x5800, s0;
	s7 =	sand.u32 $0x1, s3;
	s5 =	sadd.s32 $0x5600, s0  }
0x5: {  	s6 =	sadd.s32 $0x5A00, s0;
	s0 =	sadd.s32 $0x15A00, s0;
	s8 =	sshll.u32 s7, $0x4  }
0x6: {  	_ =	strace $0x80000047;
	s7 =	ssub.s32 $0x2, s7;
	s8 =	sor.u32 s30, s8  }
0x7: {  	[dreg:$0x4] =	wrdreg s1;
	s9 =	sshrl.u32 s7, $0x1;
	s10 =	sshll.u32 s8, $0xA  }
0x8: {  	[dreg:$0x3] =	wrdreg s0;
	s31 =	ssub.s32 s7, s9;
	s7 =	sadd.s32 s6, s10  }
0x9: {  	s8 =	sshll.u32 s8, $0x5;
	s10 =	smax.u32 s31, $0x1;
	s9 =	sadd.s32 $0x8000, s7  }
.LBB2_1:
0xa: {  	s0 =	rddreg [dreg:$0x4]  }
0xb: {  	[tilespmem:s2], [sflag:$0x1] =	stream.linear.gather [hbm4b:s0+s2], $0x200, $0x38;
	[tilespmem:$0xC00] =	vst v63  }
0xc: {  	_ =	swait.ge [sflag:s15], $0x200  }
0xd: {  	[sflag:s15] =	ssyncset.done $0x0  }
0xe: {  	[sflag:s15] =	ssyncadd.s32 $0xFFFFFE00  }
0xf: {  	[tilespmem:s11], [sflag:$0x1] =	stream.linear.gather [hbm4b:s5+s2], $0x200, $0x38;
	[tilespmem:$0xC00] =	vst v63  }
0x10: {  	_ =	swait.ge [sflag:s15], $0x200  }
0x11: {  	[sflag:s15] =	ssyncset.done $0x0  }
0x12: {  	[sflag:s15] =	ssyncadd.s32 $0xFFFFFE00  }
0x13: {  	s29 =	rddreg [dreg:$0x1]  }
0x14: {  	[tilespmem:s12], [sflag:$0x1] =	stream.linear.gather [hbm4b:s29+s2], $0x200, $0x38;
	[tilespmem:$0xC00] =	vst v63  }
0x15: {  	_ =	swait.ge [sflag:s15], $0x200  }
0x16: {  	s30 =	simm.s32 $0x600;
	s31 =	simm.s32 $0x800;
	[sflag:s15] =	ssyncset.done $0x0  }
0x17: {  	s17 =	simm.s32 $0x20;
	s19 =	simm.s32 $0x0;
	[sflag:s15] =	ssyncadd.s32 $0xFFFFFE00  }
0x18: {  	s18 =	simm.s32 $0x0;
	s20 =	simm.s32 $0x0;
	_ =	strace $0x80000048  }
0x19: {  	[tilespmem:s30], [sflag:$0x1] =	stream.linear.gather [hbm4b:s7+s2], $0x100, $0x200038;
	[tilespmem:$0xC00] =	vst v63  }
0x1a: {  	s26 =	simm.s32 $0x1;
	s21 =	simm.s32 $0x0;
	s22 =	simm.s32 $0x1  }
0x1b: {  	[tilespmem:s31], [sflag:$0x3] =	stream.linear.gather [hbm4b:s9+s2], $0x100, $0x200038;
	[tilespmem:$0xC00] =	vst v63  }
0x1c: {  	s23 =	simm.s32 $0x0;
	s24 =	smov.u32 s26;
	_ =	strace $0x90000048  }
.LBB2_2:
0x1d: {  	s25 =	smov.u32 s19;
	s19 =	sadd.s32 $0x1, s19  }
0x1e: {  	p0 =	seq.s32 s19, $0x20  }
0x1f: {  	s19 =	simm.s32 @p0 $0x0;
	p0 =	seq.s32 s17, $0x1  }
0x20: {  	p1 =	seq.s32 @!p0 s25, s19  }
0x21: {  	s28 =	sadd.s32 s8, s19;
	p2 =	por p1, p0  }
0x22: {  	s0 =	sand.u32 @!p2 $0x1, s26;
	_ =	strace @!p2 $0x80000049;
	s30 =	sshll.u32 @!p2 s28, $0x5  }
0x23: {  	s31 =	simm.s32 @!p2 $0x0;
	s29 =	sshll.u32 @!p2 s0, $0x8;
	s30 =	sand.u32 @!p2 $0x1FFFFFE0, s30  }
0x24: {  	s0 =	sadd.s32 @!p2 $0x1, s0;
	s29 =	sor.u32 @!p2 $0x600, s29;
	s30 =	sadd.s32 @!p2 s6, s30  }
0x25: {  	[tilespmem:s29], [sflag:s0] =	stream.linear.gather @!p2 [hbm4b:s30+s31], $0x100, $0x200038;
	[tilespmem:$0xC00] =	vst v63  }
0x26: {  	s0 =	sshll.u32 @!p2 s28, $0x8  }
0x27: {  	s29 =	sand.u32 @!p2 $0x1, s22;
	_ =	strace @!p2 $0x90000049;
	s0 =	sadd.s32 @!p2 $0x40000, s0  }
0x28: {  	s30 =	sshll.u32 @!p2 s29, $0x8;
	s29 =	sadd.s32 @!p2 $0x3, s29;
	s0 =	sshrl.u32 @!p2 s0, $0x3  }
0x29: {  	_ =	strace @!p2 $0x8000004A;
	s30 =	sor.u32 @!p2 $0x800, s30;
	s0 =	sadd.s32 @!p2 s6, s0  }
0x2a: {  	[tilespmem:s30], [sflag:s29] =	stream.linear.gather @!p2 [hbm4b:s0+s31], $0x100, $0x200038;
	[tilespmem:$0xC00] =	vst v63  }
0x2b: {  	s30 =	sand.u32 $0x1, s23;
	_ =	strace @!p2 $0x9000004A  }
0x2c: {  	s0 =	sadd.s32 $0x1, s30;
	_ =	strace $0x8000004B  }
0x2d: {  	_ =	swait.ge [sflag:s0], $0x100  }
0x2e: {  	[sflag:s0] =	ssyncset.done $0x0  }
0x2f: {  	[sflag:s0] =	ssyncadd.s32 $0xFFFFFF00  }
0x30: {  	s31 =	sand.u32 $0x1, s21;
	_ =	strace $0x9000004B  }
0x31: {  	s0 =	sadd.s32 $0x3, s31;
	_ =	strace $0x8000004C  }
0x32: {  	_ =	swait.ge [sflag:s0], $0x100  }
0x33: {  	[sflag:s0] =	ssyncset.done $0x0  }
0x34: {  	[sflag:s0] =	ssyncadd.s32 $0xFFFFFF00  }
0x35: {  	s1 =	sshll.u32 s23, $0x8;
	_ =	strace $0x9000004C  }
0x36: {  	s4 =	sshll.u32 s21, $0x8;
	s3 =	sand.u32 $0x100, s1;
	_ =	strace $0x8000004D  }
0x37: {  	s0 =	sand.u32 $0x100, s4;
	v0 =	vld [tilespmem:s3+$0x600]  }
0x38: {  	v1 =	vld [tilespmem:s0+$0x800];
	_ =	sdelay $0x6  }
0x39: {  	v2 =	vld.idx.msk [tilespmem:v0+s2+$0x0], $0xffff  }
0x3a: {  	v3 =	vld.idx.msk [tilespmem:v1+s2+$0x0], $0xffff  }
0x3b: {  	v4 =	vld.idx.msk [tilespmem:v0+s11+$0x0], $0xffff  }
0x3c: {  	v5 =	vld.idx.msk [tilespmem:v1+s11+$0x0], $0xffff  }
0x3d: {  	v0 =	vld.idx.msk [tilespmem:v0+s12+$0x0], $0xffff  }
0x3e: {  	v1 =	vld.idx.msk [tilespmem:v1+s12+$0x0], $0xffff;
	_ =	sdelay $0x2  }
0x3f: {  	v2 =	vsub.f32 v2, v3;
	v56 =	vsub.f32 v4, v5;
	_ =	sdelay $0x1  }
0x40: {  	v0 =	vsub.f32 v0, v1;
	v57 =	vmul.f32 v2, v2;
	v58 =	vmul.f32 v56, v56;
	_ =	sdelay $0x1  }
0x41: {  	v0 =	vmul.f32 v0, v0;
	v1 =	vadd.f32 v58, v57;
	_ =	sdelay $0x1  }
0x42: {  	s29 =	sand.u32 $0x1, s20;
	v0 =	vadd.f32 v0, v1  }
0x43: {  	s30 =	sshll.u32 s29, $0x8  }
0x44: {  	[tilespmem:s30+$0xA00] =	vst v0  }
0x45: {  	v0 =	vld [tilespmem:s3+$0x610]  }
0x46: {  	v59 =	vld [tilespmem:s0+$0x810];
	_ =	sdelay $0x6  }
0x47: {  	v60 =	vld.idx.msk [tilespmem:v0+s2+$0x0], $0xffff  }
0x48: {  	v61 =	vld.idx.msk [tilespmem:v59+s2+$0x0], $0xffff  }
0x49: {  	v62 =	vld.idx.msk [tilespmem:v0+s11+$0x0], $0xffff  }
0x4a: {  	v63 =	vld.idx.msk [tilespmem:v59+s11+$0x0], $0xffff  }
0x4b: {  	v0 =	vld.idx.msk [tilespmem:v0+s12+$0x0], $0xffff  }
0x4c: {  	v1 =	vld.idx.msk [tilespmem:v59+s12+$0x0], $0xffff;
	_ =	sdelay $0x2  }
0x4d: {  	v2 =	vsub.f32 v60, v61;
	v7 =	vsub.f32 v62, v63;
	_ =	sdelay $0x1  }
0x4e: {  	v0 =	vsub.f32 v0, v1;
	v8 =	vmul.f32 v2, v2;
	v9 =	vmul.f32 v7, v7;
	_ =	sdelay $0x1  }
0x4f: {  	v0 =	vmul.f32 v0, v0;
	v1 =	vadd.f32 v9, v8;
	_ =	sdelay $0x1  }
0x50: {  	v0 =	vadd.f32 v0, v1;
	_ =	sdelay $0x1  }
0x51: {  	[tilespmem:s30+$0xA10] =	vst v0  }
0x52: {  	v0 =	vld [tilespmem:s3+$0x620]  }
0x53: {  	v10 =	vld [tilespmem:s0+$0x820];
	_ =	sdelay $0x6  }
0x54: {  	v11 =	vld.idx.msk [tilespmem:v0+s2+$0x0], $0xffff  }
0x55: {  	v12 =	vld.idx.msk [tilespmem:v10+s2+$0x0], $0xffff  }
0x56: {  	v13 =	vld.idx.msk [tilespmem:v0+s11+$0x0], $0xffff  }
0x57: {  	v14 =	vld.idx.msk [tilespmem:v10+s11+$0x0], $0xffff  }
0x58: {  	v0 =	vld.idx.msk [tilespmem:v0+s12+$0x0], $0xffff  }
0x59: {  	v1 =	vld.idx.msk [tilespmem:v10+s12+$0x0], $0xffff;
	_ =	sdelay $0x2  }
0x5a: {  	v2 =	vsub.f32 v11, v12;
	v15 =	vsub.f32 v13, v14;
	_ =	sdelay $0x1  }
0x5b: {  	v0 =	vsub.f32 v0, v1;
	v16 =	vmul.f32 v2, v2;
	v17 =	vmul.f32 v15, v15;
	_ =	sdelay $0x1  }
0x5c: {  	v0 =	vmul.f32 v0, v0;
	v1 =	vadd.f32 v17, v16;
	_ =	sdelay $0x1  }
0x5d: {  	v0 =	vadd.f32 v0, v1;
	_ =	sdelay $0x1  }
0x5e: {  	[tilespmem:s30+$0xA20] =	vst v0  }
0x5f: {  	v0 =	vld [tilespmem:s3+$0x630]  }
0x60: {  	v18 =	vld [tilespmem:s0+$0x830];
	_ =	sdelay $0x6  }
0x61: {  	v19 =	vld.idx.msk [tilespmem:v0+s2+$0x0], $0xffff  }
0x62: {  	v20 =	vld.idx.msk [tilespmem:v18+s2+$0x0], $0xffff  }
0x63: {  	v21 =	vld.idx.msk [tilespmem:v0+s11+$0x0], $0xffff  }
0x64: {  	v22 =	vld.idx.msk [tilespmem:v18+s11+$0x0], $0xffff  }
0x65: {  	v0 =	vld.idx.msk [tilespmem:v0+s12+$0x0], $0xffff  }
0x66: {  	v1 =	vld.idx.msk [tilespmem:v18+s12+$0x0], $0xffff;
	_ =	sdelay $0x2  }
0x67: {  	v2 =	vsub.f32 v19, v20;
	v23 =	vsub.f32 v21, v22;
	_ =	sdelay $0x1  }
0x68: {  	v0 =	vsub.f32 v0, v1;
	v24 =	vmul.f32 v2, v2;
	v25 =	vmul.f32 v23, v23;
	_ =	sdelay $0x1  }
0x69: {  	v0 =	vmul.f32 v0, v0;
	v1 =	vadd.f32 v25, v24;
	_ =	sdelay $0x1  }
0x6a: {  	v0 =	vadd.f32 v0, v1;
	_ =	sdelay $0x1  }
0x6b: {  	[tilespmem:s30+$0xA30] =	vst v0  }
0x6c: {  	v0 =	vld [tilespmem:s3+$0x640]  }
0x6d: {  	v26 =	vld [tilespmem:s0+$0x840];
	_ =	sdelay $0x6  }
0x6e: {  	v27 =	vld.idx.msk [tilespmem:v0+s2+$0x0], $0xffff  }
0x6f: {  	v28 =	vld.idx.msk [tilespmem:v26+s2+$0x0], $0xffff  }
0x70: {  	v29 =	vld.idx.msk [tilespmem:v0+s11+$0x0], $0xffff  }
0x71: {  	v30 =	vld.idx.msk [tilespmem:v26+s11+$0x0], $0xffff  }
0x72: {  	v0 =	vld.idx.msk [tilespmem:v0+s12+$0x0], $0xffff  }
0x73: {  	v1 =	vld.idx.msk [tilespmem:v26+s12+$0x0], $0xffff;
	_ =	sdelay $0x2  }
0x74: {  	v2 =	vsub.f32 v27, v28;
	v31 =	vsub.f32 v29, v30;
	_ =	sdelay $0x1  }
0x75: {  	v0 =	vsub.f32 v0, v1;
	v32 =	vmul.f32 v2, v2;
	v33 =	vmul.f32 v31, v31;
	_ =	sdelay $0x1  }
0x76: {  	v0 =	vmul.f32 v0, v0;
	v1 =	vadd.f32 v33, v32;
	_ =	sdelay $0x1  }
0x77: {  	v0 =	vadd.f32 v0, v1;
	_ =	sdelay $0x1  }
0x78: {  	[tilespmem:s30+$0xA40] =	vst v0  }
0x79: {  	v0 =	vld [tilespmem:s3+$0x650]  }
0x7a: {  	v34 =	vld [tilespmem:s0+$0x850];
	_ =	sdelay $0x6  }
0x7b: {  	v35 =	vld.idx.msk [tilespmem:v0+s2+$0x0], $0xffff  }
0x7c: {  	v36 =	vld.idx.msk [tilespmem:v34+s2+$0x0], $0xffff  }
0x7d: {  	v37 =	vld.idx.msk [tilespmem:v0+s11+$0x0], $0xffff  }
0x7e: {  	v38 =	vld.idx.msk [tilespmem:v34+s11+$0x0], $0xffff  }
0x7f: {  	v0 =	vld.idx.msk [tilespmem:v0+s12+$0x0], $0xffff  }
0x80: {  	v1 =	vld.idx.msk [tilespmem:v34+s12+$0x0], $0xffff;
	_ =	sdelay $0x2  }
0x81: {  	v2 =	vsub.f32 v35, v36;
	v39 =	vsub.f32 v37, v38;
	_ =	sdelay $0x1  }
0x82: {  	v0 =	vsub.f32 v0, v1;
	v40 =	vmul.f32 v2, v2;
	v41 =	vmul.f32 v39, v39;
	_ =	sdelay $0x1  }
0x83: {  	v0 =	vmul.f32 v0, v0;
	v1 =	vadd.f32 v41, v40;
	_ =	sdelay $0x1  }
0x84: {  	v0 =	vadd.f32 v0, v1;
	_ =	sdelay $0x1  }
0x85: {  	[tilespmem:s30+$0xA50] =	vst v0  }
0x86: {  	v0 =	vld [tilespmem:s3+$0x660]  }
0x87: {  	v42 =	vld [tilespmem:s0+$0x860];
	_ =	sdelay $0x6  }
0x88: {  	v43 =	vld.idx.msk [tilespmem:v0+s2+$0x0], $0xffff  }
0x89: {  	v44 =	vld.idx.msk [tilespmem:v42+s2+$0x0], $0xffff  }
0x8a: {  	v45 =	vld.idx.msk [tilespmem:v0+s11+$0x0], $0xffff  }
0x8b: {  	v46 =	vld.idx.msk [tilespmem:v42+s11+$0x0], $0xffff  }
0x8c: {  	v0 =	vld.idx.msk [tilespmem:v0+s12+$0x0], $0xffff  }
0x8d: {  	v1 =	vld.idx.msk [tilespmem:v42+s12+$0x0], $0xffff;
	_ =	sdelay $0x2  }
0x8e: {  	v2 =	vsub.f32 v43, v44;
	v47 =	vsub.f32 v45, v46;
	_ =	sdelay $0x1  }
0x8f: {  	v0 =	vsub.f32 v0, v1;
	v48 =	vmul.f32 v2, v2;
	v49 =	vmul.f32 v47, v47;
	_ =	sdelay $0x1  }
0x90: {  	v0 =	vmul.f32 v0, v0;
	v1 =	vadd.f32 v49, v48;
	_ =	sdelay $0x1  }
0x91: {  	v0 =	vadd.f32 v0, v1;
	_ =	sdelay $0x1  }
0x92: {  	[tilespmem:s30+$0xA60] =	vst v0  }
0x93: {  	v0 =	vld [tilespmem:s3+$0x670]  }
0x94: {  	v50 =	vld [tilespmem:s0+$0x870];
	_ =	sdelay $0x6  }
0x95: {  	v51 =	vld.idx.msk [tilespmem:v0+s2+$0x0], $0xffff  }
0x96: {  	v52 =	vld.idx.msk [tilespmem:v50+s2+$0x0], $0xffff  }
0x97: {  	v53 =	vld.idx.msk [tilespmem:v0+s11+$0x0], $0xffff  }
0x98: {  	v54 =	vld.idx.msk [tilespmem:v50+s11+$0x0], $0xffff  }
0x99: {  	v0 =	vld.idx.msk [tilespmem:v0+s12+$0x0], $0xffff  }
0x9a: {  	v1 =	vld.idx.msk [tilespmem:v50+s12+$0x0], $0xffff;
	_ =	sdelay $0x2  }
0x9b: {  	v2 =	vsub.f32 v51, v52;
	v55 =	vsub.f32 v53, v54;
	_ =	sdelay $0x1  }
0x9c: {  	v0 =	vsub.f32 v0, v1;
	v56 =	vmul.f32 v2, v2;
	v57 =	vmul.f32 v55, v55;
	_ =	sdelay $0x1  }
0x9d: {  	v0 =	vmul.f32 v0, v0;
	v1 =	vadd.f32 v57, v56;
	_ =	sdelay $0x1  }
0x9e: {  	v0 =	vadd.f32 v0, v1;
	_ =	sdelay $0x1  }
0x9f: {  	[tilespmem:s30+$0xA70] =	vst v0  }
0xa0: {  	v0 =	vld [tilespmem:s3+$0x680]  }
0xa1: {  	v58 =	vld [tilespmem:s0+$0x880];
	_ =	sdelay $0x6  }
0xa2: {  	v59 =	vld.idx.msk [tilespmem:v0+s2+$0x0], $0xffff  }
0xa3: {  	v60 =	vld.idx.msk [tilespmem:v58+s2+$0x0], $0xffff  }
0xa4: {  	v61 =	vld.idx.msk [tilespmem:v0+s11+$0x0], $0xffff  }
0xa5: {  	v62 =	vld.idx.msk [tilespmem:v58+s11+$0x0], $0xffff  }
0xa6: {  	v0 =	vld.idx.msk [tilespmem:v0+s12+$0x0], $0xffff  }
0xa7: {  	v1 =	vld.idx.msk [tilespmem:v58+s12+$0x0], $0xffff;
	_ =	sdelay $0x2  }
0xa8: {  	v2 =	vsub.f32 v59, v60;
	v63 =	vsub.f32 v61, v62;
	_ =	sdelay $0x1  }
0xa9: {  	v0 =	vsub.f32 v0, v1;
	v6 =	vmul.f32 v2, v2;
	v7 =	vmul.f32 v63, v63;
	_ =	sdelay $0x1  }
0xaa: {  	v0 =	vmul.f32 v0, v0;
	v1 =	vadd.f32 v7, v6;
	_ =	sdelay $0x1  }
0xab: {  	v0 =	vadd.f32 v0, v1;
	_ =	sdelay $0x1  }
0xac: {  	[tilespmem:s30+$0xA80] =	vst v0  }
0xad: {  	v0 =	vld [tilespmem:s3+$0x690]  }
0xae: {  	v8 =	vld [tilespmem:s0+$0x890];
	_ =	sdelay $0x6  }
0xaf: {  	v9 =	vld.idx.msk [tilespmem:v0+s2+$0x0], $0xffff  }
0xb0: {  	v10 =	vld.idx.msk [tilespmem:v8+s2+$0x0], $0xffff  }
0xb1: {  	v11 =	vld.idx.msk [tilespmem:v0+s11+$0x0], $0xffff  }
0xb2: {  	v12 =	vld.idx.msk [tilespmem:v8+s11+$0x0], $0xffff  }
0xb3: {  	v0 =	vld.idx.msk [tilespmem:v0+s12+$0x0], $0xffff  }
0xb4: {  	v1 =	vld.idx.msk [tilespmem:v8+s12+$0x0], $0xffff;
	_ =	sdelay $0x2  }
0xb5: {  	v2 =	vsub.f32 v9, v10;
	v13 =	vsub.f32 v11, v12;
	_ =	sdelay $0x1  }
0xb6: {  	v0 =	vsub.f32 v0, v1;
	v14 =	vmul.f32 v2, v2;
	v15 =	vmul.f32 v13, v13;
	_ =	sdelay $0x1  }
0xb7: {  	v0 =	vmul.f32 v0, v0;
	v1 =	vadd.f32 v15, v14;
	_ =	sdelay $0x1  }
0xb8: {  	v0 =	vadd.f32 v0, v1;
	_ =	sdelay $0x1  }
0xb9: {  	[tilespmem:s30+$0xA90] =	vst v0  }
0xba: {  	v0 =	vld [tilespmem:s3+$0x6A0]  }
0xbb: {  	v16 =	vld [tilespmem:s0+$0x8A0];
	_ =	sdelay $0x6  }
0xbc: {  	v17 =	vld.idx.msk [tilespmem:v0+s2+$0x0], $0xffff  }
0xbd: {  	v18 =	vld.idx.msk [tilespmem:v16+s2+$0x0], $0xffff  }
0xbe: {  	v19 =	vld.idx.msk [tilespmem:v0+s11+$0x0], $0xffff  }
0xbf: {  	v20 =	vld.idx.msk [tilespmem:v16+s11+$0x0], $0xffff  }
0xc0: {  	v0 =	vld.idx.msk [tilespmem:v0+s12+$0x0], $0xffff  }
0xc1: {  	v1 =	vld.idx.msk [tilespmem:v16+s12+$0x0], $0xffff;
	_ =	sdelay $0x2  }
0xc2: {  	v2 =	vsub.f32 v17, v18;
	v21 =	vsub.f32 v19, v20;
	_ =	sdelay $0x1  }
0xc3: {  	v0 =	vsub.f32 v0, v1;
	v22 =	vmul.f32 v2, v2;
	v23 =	vmul.f32 v21, v21;
	_ =	sdelay $0x1  }
0xc4: {  	v0 =	vmul.f32 v0, v0;
	v1 =	vadd.f32 v23, v22;
	_ =	sdelay $0x1  }
0xc5: {  	v0 =	vadd.f32 v0, v1;
	_ =	sdelay $0x1  }
0xc6: {  	[tilespmem:s30+$0xAA0] =	vst v0  }
0xc7: {  	v0 =	vld [tilespmem:s3+$0x6B0]  }
0xc8: {  	v24 =	vld [tilespmem:s0+$0x8B0];
	_ =	sdelay $0x6  }
0xc9: {  	v25 =	vld.idx.msk [tilespmem:v0+s2+$0x0], $0xffff  }
0xca: {  	v26 =	vld.idx.msk [tilespmem:v24+s2+$0x0], $0xffff  }
0xcb: {  	v27 =	vld.idx.msk [tilespmem:v0+s11+$0x0], $0xffff  }
0xcc: {  	v28 =	vld.idx.msk [tilespmem:v24+s11+$0x0], $0xffff  }
0xcd: {  	v0 =	vld.idx.msk [tilespmem:v0+s12+$0x0], $0xffff  }
0xce: {  	v1 =	vld.idx.msk [tilespmem:v24+s12+$0x0], $0xffff;
	_ =	sdelay $0x2  }
0xcf: {  	v2 =	vsub.f32 v25, v26;
	v29 =	vsub.f32 v27, v28;
	_ =	sdelay $0x1  }
0xd0: {  	v0 =	vsub.f32 v0, v1;
	v30 =	vmul.f32 v2, v2;
	v31 =	vmul.f32 v29, v29;
	_ =	sdelay $0x1  }
0xd1: {  	v0 =	vmul.f32 v0, v0;
	v1 =	vadd.f32 v31, v30;
	_ =	sdelay $0x1  }
0xd2: {  	v0 =	vadd.f32 v0, v1;
	_ =	sdelay $0x1  }
0xd3: {  	[tilespmem:s30+$0xAB0] =	vst v0  }
0xd4: {  	v0 =	vld [tilespmem:s3+$0x6C0]  }
0xd5: {  	v32 =	vld [tilespmem:s0+$0x8C0];
	_ =	sdelay $0x6  }
0xd6: {  	v33 =	vld.idx.msk [tilespmem:v0+s2+$0x0], $0xffff  }
0xd7: {  	v34 =	vld.idx.msk [tilespmem:v32+s2+$0x0], $0xffff  }
0xd8: {  	v35 =	vld.idx.msk [tilespmem:v0+s11+$0x0], $0xffff  }
0xd9: {  	v36 =	vld.idx.msk [tilespmem:v32+s11+$0x0], $0xffff  }
0xda: {  	v0 =	vld.idx.msk [tilespmem:v0+s12+$0x0], $0xffff  }
0xdb: {  	v1 =	vld.idx.msk [tilespmem:v32+s12+$0x0], $0xffff;
	_ =	sdelay $0x2  }
0xdc: {  	v2 =	vsub.f32 v33, v34;
	v37 =	vsub.f32 v35, v36;
	_ =	sdelay $0x1  }
0xdd: {  	v0 =	vsub.f32 v0, v1;
	v38 =	vmul.f32 v2, v2;
	v39 =	vmul.f32 v37, v37;
	_ =	sdelay $0x1  }
0xde: {  	v0 =	vmul.f32 v0, v0;
	v1 =	vadd.f32 v39, v38;
	_ =	sdelay $0x1  }
0xdf: {  	v0 =	vadd.f32 v0, v1;
	_ =	sdelay $0x1  }
0xe0: {  	[tilespmem:s30+$0xAC0] =	vst v0  }
0xe1: {  	v0 =	vld [tilespmem:s3+$0x6D0]  }
0xe2: {  	v40 =	vld [tilespmem:s0+$0x8D0];
	_ =	sdelay $0x6  }
0xe3: {  	v41 =	vld.idx.msk [tilespmem:v0+s2+$0x0], $0xffff  }
0xe4: {  	v42 =	vld.idx.msk [tilespmem:v40+s2+$0x0], $0xffff  }
0xe5: {  	v43 =	vld.idx.msk [tilespmem:v0+s11+$0x0], $0xffff  }
0xe6: {  	v44 =	vld.idx.msk [tilespmem:v40+s11+$0x0], $0xffff  }
0xe7: {  	v0 =	vld.idx.msk [tilespmem:v0+s12+$0x0], $0xffff  }
0xe8: {  	v1 =	vld.idx.msk [tilespmem:v40+s12+$0x0], $0xffff;
	_ =	sdelay $0x2  }
0xe9: {  	v2 =	vsub.f32 v41, v42;
	v45 =	vsub.f32 v43, v44;
	_ =	sdelay $0x1  }
0xea: {  	v0 =	vsub.f32 v0, v1;
	v46 =	vmul.f32 v2, v2;
	v47 =	vmul.f32 v45, v45;
	_ =	sdelay $0x1  }
0xeb: {  	v0 =	vmul.f32 v0, v0;
	v1 =	vadd.f32 v47, v46;
	_ =	sdelay $0x1  }
0xec: {  	v0 =	vadd.f32 v0, v1;
	_ =	sdelay $0x1  }
0xed: {  	[tilespmem:s30+$0xAD0] =	vst v0  }
0xee: {  	v0 =	vld [tilespmem:s3+$0x6E0]  }
0xef: {  	v48 =	vld [tilespmem:s0+$0x8E0];
	_ =	sdelay $0x6  }
0xf0: {  	v49 =	vld.idx.msk [tilespmem:v0+s2+$0x0], $0xffff  }
0xf1: {  	v50 =	vld.idx.msk [tilespmem:v48+s2+$0x0], $0xffff  }
0xf2: {  	v51 =	vld.idx.msk [tilespmem:v0+s11+$0x0], $0xffff  }
0xf3: {  	v52 =	vld.idx.msk [tilespmem:v48+s11+$0x0], $0xffff  }
0xf4: {  	v0 =	vld.idx.msk [tilespmem:v0+s12+$0x0], $0xffff  }
0xf5: {  	v1 =	vld.idx.msk [tilespmem:v48+s12+$0x0], $0xffff;
	_ =	sdelay $0x2  }
0xf6: {  	v2 =	vsub.f32 v49, v50;
	v53 =	vsub.f32 v51, v52;
	_ =	sdelay $0x1  }
0xf7: {  	v0 =	vsub.f32 v0, v1;
	v54 =	vmul.f32 v2, v2;
	v55 =	vmul.f32 v53, v53;
	_ =	sdelay $0x1  }
0xf8: {  	v0 =	vmul.f32 v0, v0;
	v1 =	vadd.f32 v55, v54;
	_ =	sdelay $0x1  }
0xf9: {  	v0 =	vadd.f32 v0, v1;
	_ =	sdelay $0x1  }
0xfa: {  	[tilespmem:s30+$0xAE0] =	vst v0  }
0xfb: {  	v0 =	vld [tilespmem:s3+$0x6F0]  }
0xfc: {  	v56 =	vld [tilespmem:s0+$0x8F0];
	_ =	sdelay $0x2  }
0xfd: {  	s0 =	sadd.s32 s8, s25  }
0xfe: {  	p3 =	seq.s32 s25, $0x0;
	s3 =	sadd.s32 $0xFFFFFFFF, s25;
	s13 =	sshra.s32 s0, $0x1F  }
0xff: {  	p4 =	slt.s32 s0, $0x1;
	s3 =	simm.s32 @p3 $0x1F;
	s31 =	sshrl.u32 s13, $0x1B  }
0x100: {  	s13 =	sshra.s32 s28, $0x1F;
	s3 =	sadd.s32 s8, s3;
	s31 =	sadd.s32 s31, s0  }
0x101: {  	s14 =	sshrl.u32 s13, $0x1B;
	s1 =	sand.u32 $0xFFFFFFE0, s31;
	s13 =	sshra.s32 s31, $0x5;
	v57 =	vld.idx.msk [tilespmem:v0+s2+$0x0], $0xffff  }
0x102: {  	s31 =	simm.s32 $0x1;
	p5 =	sne.s32 s0, s1;
	s1 =	sadd.s32 s14, s28;
	v58 =	vld.idx.msk [tilespmem:v56+s2+$0x0], $0xffff  }
0x103: {  	s14 =	simm.s32 $0x1;
	s0 =	sand.u32 $0x1F, s0;
	p4 =	por !p4, !p5;
	v59 =	vld.idx.msk [tilespmem:v0+s11+$0x0], $0xffff  }
0x104: {  	s4 =	sand.u32 $0xFFFFFFE0, s1;
	p5 =	slt.s32 s28, $0x1;
	s1 =	sshra.s32 s1, $0x5;
	v60 =	vld.idx.msk [tilespmem:v56+s11+$0x0], $0xffff  }
0x105: {  	p3 =	por !p4, !p4;
	p6 =	sne.s32 s28, s4;
	s4 =	sshra.s32 s3, $0x1F;
	v0 =	vld.idx.msk [tilespmem:v0+s12+$0x0], $0xffff  }
0x106: {  	v1 =	vld.idx.msk [tilespmem:v56+s12+$0x0], $0xffff;
	s14 =	simm.s32 @!p3 $0x0;
	p4 =	por !p5, !p6;
	s4 =	sshrl.u32 s4, $0x1B  }
0x107: {  	p5 =	slt.s32 s3, $0x1;
	p3 =	por !p4, !p4;
	s4 =	sadd.s32 s4, s3  }
0x108: {  	s13 =	ssub.s32 s13, s14;
	s31 =	simm.s32 @!p3 $0x0;
	s14 =	sand.u32 $0xFFFFFFE0, s4  }
0x109: {  	s4 =	sshra.s32 s4, $0x5;
	s1 =	ssub.s32 s1, s31;
	s31 =	sand.u32 $0x1F, s28;
	v2 =	vsub.f32 v57, v58;
	v61 =	vsub.f32 v59, v60  }
0x10a: {  	p6 =	sne.s32 s3, s14;
	s14 =	simm.s32 $0x1;
	s3 =	sand.u32 $0x1F, s3  }
0x10b: {  	p3 =	sne.s32 s13, s1;
	p5 =	por !p5, !p6;
	p6 =	sne.s32 s0, s31;
	v0 =	vsub.f32 v0, v1;
	v62 =	vmul.f32 v2, v2;
	v63 =	vmul.f32 v61, v61  }
0x10c: {  	s1 =	sadd.s32 @!p2 $0x1, s26;
	p3 =	por p6, p3;
	p4 =	por !p5, !p5  }
0x10d: {  	p6 =	sne.s32 s0, s3;
	p2 =	por p0, p3;
	s14 =	simm.s32 @!p4 $0x0;
	v0 =	vmul.f32 v0, v0;
	v1 =	vadd.f32 v63, v62  }
0x10e: {  	p4 =	por !p1, p0;
	s4 =	ssub.s32 s4, s14;
	s14 =	sshll.u32 @p2 s13, $0xD  }
0x10f: {  	s14 =	sand.u32 @p2 $0xFFFF0000, s14;
	p5 =	sne.s32 s13, s4;
	s4 =	sshll.u32 @p2 s0, $0xB;
	v0 =	vadd.f32 v0, v1  }
0x110: {  	s24 =	smov.u32 @p4 s1;
	s13 =	sshll.u32 @p2 s13, $0x7;
	s4 =	sor.u32 @p2 s4, s14  }
0x111: {  	s13 =	sand.u32 @p2 $0x380, s13;
	p3 =	por p6, p5;
	p5 =	sne.s32 s17, $0x20;
	[tilespmem:s30+$0xAF0] =	vst v0  }
0x112: {  	s14 =	simm.s32 @p2 $0x400;
	p3 =	por !p5, !p3;
	_ =	strace $0x9000004D  }
0x113: {  	s3 =	sor.u32 @p2 s13, s4;
	s4 =	sor.u32 $0xA00, s30;
	_ =	strace @p2 $0x8000004E  }
0x114: {  	s13 =	sadd.s32 @p2 $0x5, s29;
	s3 =	sshrl.u32 @p2 s3, $0x3;
	s0 =	rddreg [dreg:$0x3]  }
0x115: {  	p1 =	por !p3, !p3;
	s0 =	sadd.s32 @p2 s0, s3;
	s3 =	simm.s32 @p2 $0x80  }
0x116: {  	[hbm4b:s0+s3] =	stream.strided.scatter @p2 [tilespmem:s4], [sflag:s13], $0x100, s14, s3, $0x200038;
	[tilespmem:$0xC00] =	vst v63  }
0x117: {  	s24 =	smov.u32 @p0 s26;
	s1 =	sand.u32 @p1 $0x1, s18;
	_ =	strace @p2 $0x9000004E  }
0x118: {  	s1 =	sadd.s32 @p1 $0x5, s1;
	s0 =	simm.s32 $0x0;
	_ =	strace @p1 $0x8000004F  }
0x119: {  	p6 =	sne.s32 s25, s19;
	s0 =	simm.s32 @p4 $0x1;
	_ =	swait.ge @p1 [sflag:s1], $0x100  }
0x11a: {  	s17 =	sadd.s32 $0xFFFFFFFF, s17;
	s0 =	simm.s32 @p0 $0x0;
	[sflag:s1] =	ssyncset.done @p1 $0x0  }
0x11b: {  	p0 =	por p0, p6;
	[sflag:s1] =	ssyncadd.s32 @p1 $0xFFFFFF00;
	s1 =	simm.s32 $0x1  }
0x11c: {  	s1 =	simm.s32 @!p0 $0x0;
	p0 =	sne.s32 s17, $0x0  }
.Ltmp0:
0x11d: {  	_ = 	snop;
	(pc) =	sbr.rel @p0 .LBB2_2-.Ltmp0, $4  }
0x11e: {  	s3 =	simm.s32 $0x1;
	s22 =	sadd.s32 s22, s0;
	s0 =	simm.s32 $0x1  }
0x11f: {  	s3 =	simm.s32 @!p2 $0x0;
	s0 =	simm.s32 @!p1 $0x0  }
0x120: {  	s26 =	smov.u32 s24;
	s20 =	sadd.s32 s3, s20;
	s18 =	sadd.s32 s0, s18  }
0x121: {  	_ =	strace @p1 $0x9000004F;
	s23 =	sadd.s32 s1, s23;
	s21 =	sadd.s32 s1, s21  }
0x122: {  	s16 =	sadd.s32 $0x1, s16  }
0x123: {  	s0 =	sand.u32 $0x1, s18;
	p0 =	sne.s32 s16, s10  }
.Ltmp1:
0x124: {  	_ =	strace $0x80000050;
	s0 =	sadd.s32 $0x5, s0;
	(pc) =	sbr.rel @p0 .LBB2_1-.Ltmp1, $4  }
0x125: {  	_ =	swait.ge [sflag:s0], $0x100  }
0x126: {  	[sflag:s0] =	ssyncset.done $0x0  }
0x127: {  	[sflag:s0] =	ssyncadd.s32 $0xFFFFFF00  }
0x128: {  	_ =	strace $0x90000050  }
0x129: {  	_ =	sfence.sel $0x180000  }
0x12a: {  	[bflag:$0x0] =	sbarrier.arrive $0xFFFF  }
0x12b: {  	_ =	strace $0x90000047  }
0x12c: {  	s0 =	stileid.u32;
	[bflag:$0x2] =	sbarrier.arrive $0xFFFF  }
0x12d: {  	p0 =	sne.s32 s0, $0x0;
	s0 =	rddreg [dreg:$0x2]  }
0x12e: {  	s0 =	sadd.s32 @!p0 $0x100000, s0  }
0x12f: {  	[sflag:s0] =	ssyncadd.tile.s32 @!p0 $0x1;
	_ =	shalt  }
.Lfunc_end2:
_tile_overlayer_lowered:
.L_overlay_start_2:
0x130: {  	(tag) =	ssettag $0x2  }
0x131: {  	s0 =	rddreg [dreg:$0x0];
	s2 =	stileid.u32  }
0x132: {  	s1 =	rddreg [dreg:$0x1];
	p0 =	sne.s32 s2, $0x0  }
0x133: {  	s3 =	rddreg [dreg:$0x2];
	[bflag:$0x3] =	sbarrier.arrive $0xFFFF;
	s2 =	simm.s32 @!p0 $0x1C01  }
0x134: {  	[timem:s3], [sflag:s2] =	dma.local @!p0 [hbm:s0], s1  }
0x135: {  	s0 =	simm.s32 @!p0 $0x1  }
0x136: {  	_ =	swait.ge @!p0 [sflag:s0], s1  }
0x137: {  	s1 =	ssub.s32 @!p0 $0x0, s1;
	[sflag:s0] =	ssyncset.done @!p0 $0x0  }
0x138: {  	[sflag:s0] =	ssyncadd.s32 @!p0 s1  }
0x139: {  	[bflag:$0x3] =	sbarrier.arrive $0xFFFF  }
0x13a: {  	_ =	shalt  }

</sc_bundles>
